<compile_context>
chip_gen: v7x
topology: tpu7x:2x2x1
jax: 0.10.2.dev20260603
libtpu: 0.0.44.dev20260713+nightly
codegen_flags: <defaults>
</compile_context>

<pallas_src>
import functools

import jax
import jax.numpy as jnp
from jax import lax
from jax.experimental import pallas as pl
from jax.experimental.pallas import tpu as pltpu
from jax.experimental.pallas import tpu_sc as plsc

NC = 2
NS = 16
N = 10000
E = 160000
D = 256
DH = D // 2
R = 5000
CH = 40
NCH = E // NS // CH
CHD = 40
NCHD = E // (NC * NS) // CHD
DEGW = 16
ROWS_PER_TILE = N // NS



NSD = 5
NGROUPS_D = NCHD // NSD


def _deg_body(col4, ones_hbm, zeros_hbm, out_hbm, colv, ones_v, acc, *ssems):
    c = lax.axis_index("c")
    s = lax.axis_index("s")
    pltpu.sync_copy(col4.at[c, s], colv)
    pltpu.sync_copy(ones_hbm, ones_v)
    pltpu.sync_copy(zeros_hbm,
                    acc.at[pl.ds(s * ROWS_PER_TILE, ROWS_PER_TILE)])
    plsc.subcore_barrier()

    def sissue(j, b):
        pltpu.async_copy(ones_v, acc.at[colv.at[j]], ssems[b], add=True)

    def swait(j, b):
        pltpu.make_async_copy(ones_v, acc.at[colv.at[j]], ssems[b]).wait()

    for b in range(NSD):
        sissue(b, b)

    def group(g, carry):
        for b in range(NSD):
            j = g * NSD + b
            swait(j - NSD, b)
            sissue(j, b)
        return carry

    lax.fori_loop(1, NGROUPS_D, group, 0)
    for b in range(NSD):
        swait((NGROUPS_D - 1) * NSD + b, b)

    plsc.subcore_barrier()
    pltpu.sync_copy(acc.at[pl.ds(s * ROWS_PER_TILE, ROWS_PER_TILE)],
                    out_hbm.at[c, pl.ds(s * ROWS_PER_TILE, ROWS_PER_TILE)])


def _make_deg_kernel():
    mesh = plsc.VectorSubcoreMesh(core_axis_name="c", subcore_axis_name="s")
    return pl.kernel(
        _deg_body,
        out_type=jax.ShapeDtypeStruct((NC, N, DEGW), jnp.float32),
        mesh=mesh,
        compiler_params=pltpu.CompilerParams(use_tc_tiling_on_sc=False),
        scratch_types=(
            [
                pltpu.VMEM((NCHD, CHD), jnp.int32),
                pltpu.VMEM((CHD, DEGW), jnp.float32),
                pltpu.VMEM_SHARED((N, DEGW), jnp.float32),
            ]
            + [pltpu.SemaphoreType.DMA for _ in range(NSD)]
        ),
    )


NB = 5
LAG = 1
GLEAD = NB - LAG
NGROUPS = NCH // NB


def _agg_body(hs_hbm, row3, col3, zeros_hbm, out_hbm, rowv, colv, acc, *rest):
    bufs = rest[:NB]
    gsems = rest[NB:2 * NB]
    ssems = rest[2 * NB:3 * NB]
    c = lax.axis_index("c")
    s = lax.axis_index("s")
    hs_half = hs_hbm.at[c]
    pltpu.sync_copy(row3.at[s], rowv)
    pltpu.sync_copy(col3.at[s], colv)
    pltpu.sync_copy(zeros_hbm,
                    acc.at[pl.ds(s * ROWS_PER_TILE, ROWS_PER_TILE)])
    plsc.subcore_barrier()

    def gissue(j, b):
        pltpu.async_copy(hs_half.at[rowv.at[j]], bufs[b], gsems[b])

    def gwait(j, b):
        pltpu.make_async_copy(hs_half.at[rowv.at[j]], bufs[b], gsems[b]).wait()

    def sissue(j, b):
        pltpu.async_copy(bufs[b], acc.at[colv.at[j]], ssems[b], add=True)

    def swait(j, b):
        pltpu.make_async_copy(bufs[b], acc.at[colv.at[j]], ssems[b]).wait()

    for b in range(GLEAD):
        gissue(b, b)

    def step(j, b, with_swait, with_gissue):
        gwait(j, b)
        if with_swait:
            swait(j - LAG, (b - LAG) % NB)
        if with_gissue:
            gissue(j + GLEAD, (b + GLEAD) % NB)
        sissue(j, b)

    for b in range(NB):
        step(b, b, with_swait=b >= LAG, with_gissue=True)

    def group(g, carry):
        for b in range(NB):
            step(g * NB + b, b, with_swait=True, with_gissue=True)
        return carry

    lax.fori_loop(1, NGROUPS - 1, group, 0)

    for b in range(NB):
        j = (NGROUPS - 1) * NB + b
        step(j, b, with_swait=True, with_gissue=j + GLEAD < NCH)
    for k in range(NCH - LAG, NCH):
        swait(k, k % NB)

    plsc.subcore_barrier()
    pltpu.sync_copy(acc.at[pl.ds(s * ROWS_PER_TILE, ROWS_PER_TILE)],
                    out_hbm.at[c, pl.ds(s * ROWS_PER_TILE, ROWS_PER_TILE)])


def _make_agg_kernel():
    mesh = plsc.VectorSubcoreMesh(core_axis_name="c", subcore_axis_name="s")
    return pl.kernel(
        _agg_body,
        out_type=jax.ShapeDtypeStruct((NC, N, DH), jnp.float32),
        mesh=mesh,
        compiler_params=pltpu.CompilerParams(use_tc_tiling_on_sc=False),
        scratch_types=(
            [
                pltpu.VMEM((NCH, CH), jnp.int32),
                pltpu.VMEM((NCH, CH), jnp.int32),
                pltpu.VMEM_SHARED((N, DH), jnp.float32),
            ]
            + [pltpu.VMEM((CH, DH), jnp.float32) for _ in range(NB)]
            + [pltpu.SemaphoreType.DMA for _ in range(2 * NB)]
        ),
    )



def _prep_body(deg_ref, h_ref, dinv_ref, hs_ref):
    deg = deg_ref[0, :, 0] + deg_ref[1, :, 0] + 1.0
    dinv = lax.rsqrt(deg)[:, None]
    dinv_ref[...] = dinv
    hs = dinv * h_ref[...]
    hs_ref[0] = hs[:, :DH]
    hs_ref[1] = hs[:, DH:]


def _make_prep_kernel():
    grid = (N // R,)
    return pl.pallas_call(
        _prep_body,
        grid=grid,
        in_specs=[
            pl.BlockSpec((NC, R, DEGW), lambda i: (0, i, 0)),
            pl.BlockSpec((R, D), lambda i: (i, 0)),
        ],
        out_specs=[
            pl.BlockSpec((R, 1), lambda i: (i, 0)),
            pl.BlockSpec((NC, R, DH), lambda i: (0, i, 0)),
        ],
        out_shape=[
            jax.ShapeDtypeStruct((N, 1), jnp.float32),
            jax.ShapeDtypeStruct((NC, N, DH), jnp.float32),
        ],
    )


def _layer_body(h_ref, agg_ref, dinv_ref, ws_ref, wn_ref, b_ref, out_ref,
                hs_ref=None, *, activate):
    h = h_ref[...]
    agg = jnp.concatenate([agg_ref[0], agg_ref[1]], axis=1)
    dinv = dinv_ref[...]
    hh = dinv * (agg + dinv * h)
    out = lax.dot_general(h, ws_ref[...], (((1,), (1,)), ((), ())),
                          preferred_element_type=jnp.float32)
    out += lax.dot_general(hh, wn_ref[...], (((1,), (1,)), ((), ())),
                           preferred_element_type=jnp.float32)
    out += b_ref[...]
    if activate:
        out = jnp.where(out > 0, out, jnp.exp(jnp.minimum(out, 0.0)) - 1.0)
        hs = dinv * out
        hs_ref[0] = hs[:, :DH]
        hs_ref[1] = hs[:, DH:]
    out_ref[...] = out


def _make_layer_kernel(activate):
    grid = (N // R,)
    in_specs = [
        pl.BlockSpec((R, D), lambda i: (i, 0)),
        pl.BlockSpec((NC, R, DH), lambda i: (0, i, 0)),
        pl.BlockSpec((R, 1), lambda i: (i, 0)),
        pl.BlockSpec((D, D), lambda i: (0, 0)),
        pl.BlockSpec((D, D), lambda i: (0, 0)),
        pl.BlockSpec((1, D), lambda i: (0, 0)),
    ]
    out_specs = [pl.BlockSpec((R, D), lambda i: (i, 0))]
    out_shape = [jax.ShapeDtypeStruct((N, D), jnp.float32)]
    if activate:
        out_specs.append(pl.BlockSpec((NC, R, DH), lambda i: (0, i, 0)))
        out_shape.append(jax.ShapeDtypeStruct((NC, N, DH), jnp.float32))
    return pl.pallas_call(
        functools.partial(_layer_body, activate=activate),
        grid=grid,
        in_specs=in_specs,
        out_specs=out_specs,
        out_shape=out_shape,
    )



def kernel(t, h, edge_index, W_self0, W_neigh0, bias0,
           W_self1, W_neigh1, bias1):
    del t
    ei = edge_index.astype(jnp.int32)
    row, col = ei[0], ei[1]

    col4 = col.reshape(NC, NS, NCHD, CHD)
    col3 = col.reshape(NS, NCH, CH)
    row3 = row.reshape(NS, NCH, CH)
    ones_deg = jnp.ones((CHD, DEGW), jnp.float32)
    zeros_deg = jnp.zeros((ROWS_PER_TILE, DEGW), jnp.float32)
    zeros_acc = jnp.zeros((ROWS_PER_TILE, DH), jnp.float32)
    bias0_2d = bias0.reshape(1, D)
    bias1_2d = bias1.reshape(1, D)

    deg_k = _make_deg_kernel()
    agg_k = _make_agg_kernel()
    prep_k = _make_prep_kernel()
    layer0_k = _make_layer_kernel(activate=True)
    layer1_k = _make_layer_kernel(activate=False)

    deg2 = deg_k(col4, ones_deg, zeros_deg)
    dinv, hs0 = prep_k(deg2, h)
    acc0 = agg_k(hs0, row3, col3, zeros_acc)
    h1, hs1 = layer0_k(h, acc0, dinv, W_self0, W_neigh0, bias0_2d)
    acc1 = agg_k(hs1, row3, col3, zeros_acc)
    (h2,) = layer1_k(h1, acc1, dinv, W_self1, W_neigh1, bias1_2d)
    return h2

# --- scband reference (transcript-rebuilt; emitter-appended) ---
"""Pipeline reference for scband-graph-odefunc-53961969107355 (READ-ONLY COPY).

The authoritative reference and input builder live on the scoring server;
editing this copy changes nothing except your own understanding.
"""

import jax, jax.numpy as jnp
import numpy as np


def _conv(h, row, col, W_self, W_neigh, bias):
    N = h.shape[0]
    loops = jnp.arange(N, dtype=row.dtype)
    r = jnp.concatenate([row, loops])
    c = jnp.concatenate([col, loops])
    deg = jnp.zeros((N,), dtype=h.dtype).at[c].add(jnp.ones((r.shape[0],), dtype=h.dtype))
    dinv = jnp.where(deg > 0, 1.0 / jnp.sqrt(jnp.maximum(deg, 1.0)), 0.0)
    norm = dinv[r] * dinv[c]
    msg = norm[:, None] * (h[r] @ W_neigh.T)
    out_self = h @ W_self.T
    out_neigh = jnp.zeros_like(out_self).at[c].add(msg)
    return out_self + out_neigh + bias


def setup_inputs(seed: int = 0) -> dict:
    key = jax.random.key(seed)
    N, E, D = 10000, 160000, 256
    ks = jax.random.split(key, 8)
    h = jax.random.normal(ks[0], (N, D), dtype=jnp.float32)
    edge_index = jax.random.randint(ks[1], (2, E), 0, N)
    t = jax.random.uniform(ks[2], (), dtype=jnp.float32)
    lim = (6.0 / (D + D)) ** 0.5

    def xav(k):
        return jax.random.uniform(k, (D, D), minval=-lim, maxval=lim, dtype=jnp.float32)

    return {
        "t": t,
        "h": h,
        "edge_index": edge_index,
        "W_self0": xav(ks[3]),
        "W_neigh0": xav(ks[4]),
        "bias0": jnp.zeros((D,), dtype=jnp.float32),
        "W_self1": xav(ks[5]),
        "W_neigh1": xav(ks[6]),
        "bias1": jnp.zeros((D,), dtype=jnp.float32),
    }


def reference(t, h, edge_index, W_self0, W_neigh0, bias0, W_self1, W_neigh1, bias1):
    row, col = edge_index[0], edge_index[1]
    # layer 0 (activation applied since i < num_layers - 1)
    h1 = _conv(h, row, col, W_self0, W_neigh0, bias0)
    h1 = jax.nn.elu(h1)
    # layer 1 (no activation on last layer)
    h2 = _conv(h1, row, col, W_self1, W_neigh1, bias1)
    return h2

if __name__ == "__main__":
    import jax
    _d = setup_inputs()
    print(jax.jit(kernel)(*tuple(_d.values())))

</pallas_src>

<mosaic_0001>
#map = affine_map<(d0, d1) -> (0, 0, 0, 0)>
#map1 = affine_map<(d0, d1) -> (0, 0)>
#map2 = affine_map<(d0, d1) -> (0, 0, 0)>
module attributes {stable_mosaic.version = 14 : i64} {
  func.func @_deg_body(%arg0: i32, %arg1: i32, %arg2: memref<2x16x125x40xi32, #tpu.memory_space<hbm>>, %arg3: memref<40x16xf32, #tpu.memory_space<hbm>>, %arg4: memref<625x16xf32, #tpu.memory_space<hbm>>, %arg5: memref<2x10000x16xf32, #tpu.memory_space<hbm>>, %arg6: memref<125x40xi32, #tpu.memory_space<vmem>>, %arg7: memref<40x16xf32, #tpu.memory_space<vmem>>, %arg8: memref<10000x16xf32, #tpu.memory_space<vmem_shared>>, %arg9: memref<!tpu.dma_semaphore, #tpu.memory_space<semaphore_mem>>, %arg10: memref<!tpu.dma_semaphore, #tpu.memory_space<semaphore_mem>>, %arg11: memref<!tpu.dma_semaphore, #tpu.memory_space<semaphore_mem>>, %arg12: memref<!tpu.dma_semaphore, #tpu.memory_space<semaphore_mem>>, %arg13: memref<!tpu.dma_semaphore, #tpu.memory_space<semaphore_mem>>) attributes {dimension_semantics = [#tpu.dimension_semantics<core_parallel>, #tpu.dimension_semantics<subcore_parallel>], iteration_bounds = array<i64: 2, 16>, scalar_prefetch = 0 : i64, scratch_operands = 8 : i64, tpu.core_type = #tpu.core_type<sc_vector_subcore>, window_params = [{transform_indices = #map}, {transform_indices = #map1}, {transform_indices = #map1}, {transform_indices = #map2}]} {
    "tpu.region"() ({
      %run_scoped3A = tpu.sem_alloc : memref<!tpu.dma_semaphore, #tpu.memory_space<semaphore_mem>>
      %dma_start3A_79 = arith.constant 0 : i32
      %dma_start3A_80 = arith.constant 0 : i32
      %dma_start3A_81 = tpu.memref_slice %arg2[%arg0, %arg1, %dma_start3A_79, %dma_start3A_80] : memref<2x16x125x40xi32, #tpu.memory_space<hbm>> -> memref<1x1x125x40xi32, #tpu.memory_space<hbm>>
      %dma_start3A_82 = tpu.memref_squeeze %dma_start3A_81 : memref<1x1x125x40xi32, #tpu.memory_space<hbm>> -> memref<125x40xi32, #tpu.memory_space<hbm>>
      %dma_start3A_83 = arith.constant 0 : i32
      %dma_start3A_84 = arith.constant 0 : i32
      %dma_start3A_85 = tpu.memref_slice %arg2[%arg0, %arg1, %dma_start3A_83, %dma_start3A_84] : memref<2x16x125x40xi32, #tpu.memory_space<hbm>> -> memref<1x1x125x40xi32, #tpu.memory_space<hbm>>
      %dma_start3A_86 = tpu.memref_squeeze %dma_start3A_85 : memref<1x1x125x40xi32, #tpu.memory_space<hbm>> -> memref<125x40xi32, #tpu.memory_space<hbm>>
      tpu.enqueue_dma source(%dma_start3A_86 : memref<125x40xi32, #tpu.memory_space<hbm>>) target(%arg6 : memref<125x40xi32, #tpu.memory_space<vmem>>) target_semaphore(%run_scoped3A : memref<!tpu.dma_semaphore, #tpu.memory_space<semaphore_mem>>)
      %dma_wait3A_87 = arith.constant 0 : i32
      %dma_wait3A_88 = arith.constant 0 : i32
      %dma_wait3A_89 = tpu.memref_slice %arg2[%arg0, %arg1, %dma_wait3A_87, %dma_wait3A_88] : memref<2x16x125x40xi32, #tpu.memory_space<hbm>> -> memref<1x1x125x40xi32, #tpu.memory_space<hbm>>
      %dma_wait3A_90 = tpu.memref_squeeze %dma_wait3A_89 : memref<1x1x125x40xi32, #tpu.memory_space<hbm>> -> memref<125x40xi32, #tpu.memory_space<hbm>>
      %dma_wait3A_91 = arith.constant 0 : i32
      %dma_wait3A_92 = arith.constant 0 : i32
      %dma_wait3A_93 = tpu.memref_slice %arg2[%arg0, %arg1, %dma_wait3A_91, %dma_wait3A_92] : memref<2x16x125x40xi32, #tpu.memory_space<hbm>> -> memref<1x1x125x40xi32, #tpu.memory_space<hbm>>
      %dma_wait3A_94 = tpu.memref_squeeze %dma_wait3A_93 : memref<1x1x125x40xi32, #tpu.memory_space<hbm>> -> memref<125x40xi32, #tpu.memory_space<hbm>>
      tpu.wait_dma2 semaphore(%run_scoped3A : memref<!tpu.dma_semaphore, #tpu.memory_space<semaphore_mem>>) src(%dma_wait3A_94 : memref<125x40xi32, #tpu.memory_space<hbm>>) dst(%arg6 : memref<125x40xi32, #tpu.memory_space<vmem>>)
      tpu.yield
    }) : () -> ()
    "tpu.region"() ({
      %run_scoped3A = tpu.sem_alloc : memref<!tpu.dma_semaphore, #tpu.memory_space<semaphore_mem>>
      tpu.enqueue_dma source(%arg3 : memref<40x16xf32, #tpu.memory_space<hbm>>) target(%arg7 : memref<40x16xf32, #tpu.memory_space<vmem>>) target_semaphore(%run_scoped3A : memref<!tpu.dma_semaphore, #tpu.memory_space<semaphore_mem>>)
      tpu.wait_dma2 semaphore(%run_scoped3A : memref<!tpu.dma_semaphore, #tpu.memory_space<semaphore_mem>>) src(%arg3 : memref<40x16xf32, #tpu.memory_space<hbm>>) dst(%arg7 : memref<40x16xf32, #tpu.memory_space<vmem>>)
      tpu.yield
    }) : () -> ()
    %mul3A = arith.constant 625 : i32
    %mul3A_0 = arith.muli %arg1, %mul3A : i32
    "tpu.region"() ({
      %run_scoped3A = tpu.sem_alloc : memref<!tpu.dma_semaphore, #tpu.memory_space<semaphore_mem>>
      %dma_start3A_79 = arith.constant 0 : i32
      %dma_start3A_80 = tpu.memref_slice %arg8[%mul3A_0, %dma_start3A_79] : memref<10000x16xf32, #tpu.memory_space<vmem_shared>> -> memref<625x16xf32, #tpu.memory_space<vmem_shared>>
      tpu.enqueue_dma source(%arg4 : memref<625x16xf32, #tpu.memory_space<hbm>>) target(%dma_start3A_80 : memref<625x16xf32, #tpu.memory_space<vmem_shared>>) target_semaphore(%run_scoped3A : memref<!tpu.dma_semaphore, #tpu.memory_space<semaphore_mem>>)
      %dma_wait3A_81 = arith.constant 0 : i32
      %dma_wait3A_82 = tpu.memref_slice %arg8[%mul3A_0, %dma_wait3A_81] : memref<10000x16xf32, #tpu.memory_space<vmem_shared>> -> memref<625x16xf32, #tpu.memory_space<vmem_shared>>
      tpu.wait_dma2 semaphore(%run_scoped3A : memref<!tpu.dma_semaphore, #tpu.memory_space<semaphore_mem>>) src(%arg4 : memref<625x16xf32, #tpu.memory_space<hbm>>) dst(%dma_wait3A_82 : memref<625x16xf32, #tpu.memory_space<vmem_shared>>)
      tpu.yield
    }) : () -> ()
    %barrier3A = arith.constant 0 : index
    tpu.barrier barrier_id(%barrier3A)
    %dma_start3A = arith.constant 0 : i32
    %dma_start3A_1 = arith.constant 0 : i32
    %dma_start3A_2 = tpu.memref_slice %arg6[%dma_start3A, %dma_start3A_1] : memref<125x40xi32, #tpu.memory_space<vmem>> -> memref<1x40xi32, #tpu.memory_space<vmem>>
    %dma_start3A_3 = tpu.memref_squeeze %dma_start3A_2 : memref<1x40xi32, #tpu.memory_space<vmem>> -> memref<40xi32, #tpu.memory_space<vmem>>
    %dma_start3A_4 = arith.constant 0 : i32
    %dma_start3A_5 = arith.constant 0 : i32
    %dma_start3A_6 = tpu.memref_slice %arg8[%dma_start3A_4, %dma_start3A_5] : memref<10000x16xf32, #tpu.memory_space<vmem_shared>> -> memref<10000x16xf32, #tpu.memory_space<vmem_shared>>
    tpu.enqueue_indirect_dma source(%arg7 : memref<40x16xf32, #tpu.memory_space<vmem>>) target(%dma_start3A_6 : memref<10000x16xf32, #tpu.memory_space<vmem_shared>>) offsets(%dma_start3A_3 : memref<40xi32, #tpu.memory_space<vmem>>) semaphore(%arg9 : memref<!tpu.dma_semaphore, #tpu.memory_space<semaphore_mem>>) {add = true}
    %dma_start3A_7 = arith.constant 1 : i32
    %dma_start3A_8 = arith.constant 0 : i32
    %dma_start3A_9 = tpu.memref_slice %arg6[%dma_start3A_7, %dma_start3A_8] : memref<125x40xi32, #tpu.memory_space<vmem>> -> memref<1x40xi32, #tpu.memory_space<vmem>>
    %dma_start3A_10 = tpu.memref_squeeze %dma_start3A_9 : memref<1x40xi32, #tpu.memory_space<vmem>> -> memref<40xi32, #tpu.memory_space<vmem>>
    %dma_start3A_11 = arith.constant 0 : i32
    %dma_start3A_12 = arith.constant 0 : i32
    %dma_start3A_13 = tpu.memref_slice %arg8[%dma_start3A_11, %dma_start3A_12] : memref<10000x16xf32, #tpu.memory_space<vmem_shared>> -> memref<10000x16xf32, #tpu.memory_space<vmem_shared>>
    tpu.enqueue_indirect_dma source(%arg7 : memref<40x16xf32, #tpu.memory_space<vmem>>) target(%dma_start3A_13 : memref<10000x16xf32, #tpu.memory_space<vmem_shared>>) offsets(%dma_start3A_10 : memref<40xi32, #tpu.memory_space<vmem>>) semaphore(%arg10 : memref<!tpu.dma_semaphore, #tpu.memory_space<semaphore_mem>>) {add = true}
    %dma_start3A_14 = arith.constant 2 : i32
    %dma_start3A_15 = arith.constant 0 : i32
    %dma_start3A_16 = tpu.memref_slice %arg6[%dma_start3A_14, %dma_start3A_15] : memref<125x40xi32, #tpu.memory_space<vmem>> -> memref<1x40xi32, #tpu.memory_space<vmem>>
    %dma_start3A_17 = tpu.memref_squeeze %dma_start3A_16 : memref<1x40xi32, #tpu.memory_space<vmem>> -> memref<40xi32, #tpu.memory_space<vmem>>
    %dma_start3A_18 = arith.constant 0 : i32
    %dma_start3A_19 = arith.constant 0 : i32
    %dma_start3A_20 = tpu.memref_slice %arg8[%dma_start3A_18, %dma_start3A_19] : memref<10000x16xf32, #tpu.memory_space<vmem_shared>> -> memref<10000x16xf32, #tpu.memory_space<vmem_shared>>
    tpu.enqueue_indirect_dma source(%arg7 : memref<40x16xf32, #tpu.memory_space<vmem>>) target(%dma_start3A_20 : memref<10000x16xf32, #tpu.memory_space<vmem_shared>>) offsets(%dma_start3A_17 : memref<40xi32, #tpu.memory_space<vmem>>) semaphore(%arg11 : memref<!tpu.dma_semaphore, #tpu.memory_space<semaphore_mem>>) {add = true}
    %dma_start3A_21 = arith.constant 3 : i32
    %dma_start3A_22 = arith.constant 0 : i32
    %dma_start3A_23 = tpu.memref_slice %arg6[%dma_start3A_21, %dma_start3A_22] : memref<125x40xi32, #tpu.memory_space<vmem>> -> memref<1x40xi32, #tpu.memory_space<vmem>>
    %dma_start3A_24 = tpu.memref_squeeze %dma_start3A_23 : memref<1x40xi32, #tpu.memory_space<vmem>> -> memref<40xi32, #tpu.memory_space<vmem>>
    %dma_start3A_25 = arith.constant 0 : i32
    %dma_start3A_26 = arith.constant 0 : i32
    %dma_start3A_27 = tpu.memref_slice %arg8[%dma_start3A_25, %dma_start3A_26] : memref<10000x16xf32, #tpu.memory_space<vmem_shared>> -> memref<10000x16xf32, #tpu.memory_space<vmem_shared>>
    tpu.enqueue_indirect_dma source(%arg7 : memref<40x16xf32, #tpu.memory_space<vmem>>) target(%dma_start3A_27 : memref<10000x16xf32, #tpu.memory_space<vmem_shared>>) offsets(%dma_start3A_24 : memref<40xi32, #tpu.memory_space<vmem>>) semaphore(%arg12 : memref<!tpu.dma_semaphore, #tpu.memory_space<semaphore_mem>>) {add = true}
    %dma_start3A_28 = arith.constant 4 : i32
    %dma_start3A_29 = arith.constant 0 : i32
    %dma_start3A_30 = tpu.memref_slice %arg6[%dma_start3A_28, %dma_start3A_29] : memref<125x40xi32, #tpu.memory_space<vmem>> -> memref<1x40xi32, #tpu.memory_space<vmem>>
    %dma_start3A_31 = tpu.memref_squeeze %dma_start3A_30 : memref<1x40xi32, #tpu.memory_space<vmem>> -> memref<40xi32, #tpu.memory_space<vmem>>
    %dma_start3A_32 = arith.constant 0 : i32
    %dma_start3A_33 = arith.constant 0 : i32
    %dma_start3A_34 = tpu.memref_slice %arg8[%dma_start3A_32, %dma_start3A_33] : memref<10000x16xf32, #tpu.memory_space<vmem_shared>> -> memref<10000x16xf32, #tpu.memory_space<vmem_shared>>
    tpu.enqueue_indirect_dma source(%arg7 : memref<40x16xf32, #tpu.memory_space<vmem>>) target(%dma_start3A_34 : memref<10000x16xf32, #tpu.memory_space<vmem_shared>>) offsets(%dma_start3A_31 : memref<40xi32, #tpu.memory_space<vmem>>) semaphore(%arg13 : memref<!tpu.dma_semaphore, #tpu.memory_space<semaphore_mem>>) {add = true}
    %scan3A = arith.constant 0 : i32
    %scan3A_35 = arith.constant 1 : i32
    %scan3A_36 = arith.constant 24 : i32
    %scan3A_37 = arith.addi %scan3A_35, %scan3A_36 : i32
    %scan3A_38 = arith.constant 1 : i32
    scf.for %scan3A_79 = %scan3A_35 to %scan3A_37 step %scan3A_38  : i32 {
      %mul3A_80 = arith.constant 5 : i32
      %mul3A_81 = arith.muli %scan3A_79, %mul3A_80 : i32
      %add3A = arith.constant 0 : i32
      %add3A_82 = arith.addi %mul3A_81, %add3A : i32
      %sub3A = arith.constant 5 : i32
      %sub3A_83 = arith.subi %add3A_82, %sub3A : i32
      %dma_wait3A_84 = arith.constant 0 : i32
      %dma_wait3A_85 = tpu.memref_slice %arg6[%sub3A_83, %dma_wait3A_84] : memref<125x40xi32, #tpu.memory_space<vmem>> -> memref<1x40xi32, #tpu.memory_space<vmem>>
      %dma_wait3A_86 = tpu.memref_squeeze %dma_wait3A_85 : memref<1x40xi32, #tpu.memory_space<vmem>> -> memref<40xi32, #tpu.memory_space<vmem>>
      %dma_wait3A_87 = arith.constant 0 : i32
      %dma_wait3A_88 = arith.constant 0 : i32
      %dma_wait3A_89 = tpu.memref_slice %arg8[%dma_wait3A_87, %dma_wait3A_88] : memref<10000x16xf32, #tpu.memory_space<vmem_shared>> -> memref<10000x16xf32, #tpu.memory_space<vmem_shared>>
      tpu.wait_indirect_dma semaphore(%arg9 : memref<!tpu.dma_semaphore, #tpu.memory_space<semaphore_mem>>) src(%arg7 : memref<40x16xf32, #tpu.memory_space<vmem>>) dst(%dma_wait3A_89 : memref<10000x16xf32, #tpu.memory_space<vmem_shared>>)
      %dma_start3A_90 = arith.constant 0 : i32
      %dma_start3A_91 = tpu.memref_slice %arg6[%add3A_82, %dma_start3A_90] : memref<125x40xi32, #tpu.memory_space<vmem>> -> memref<1x40xi32, #tpu.memory_space<vmem>>
      %dma_start3A_92 = tpu.memref_squeeze %dma_start3A_91 : memref<1x40xi32, #tpu.memory_space<vmem>> -> memref<40xi32, #tpu.memory_space<vmem>>
      %dma_start3A_93 = arith.constant 0 : i32
      %dma_start3A_94 = arith.constant 0 : i32
      %dma_start3A_95 = tpu.memref_slice %arg8[%dma_start3A_93, %dma_start3A_94] : memref<10000x16xf32, #tpu.memory_space<vmem_shared>> -> memref<10000x16xf32, #tpu.memory_space<vmem_shared>>
      tpu.enqueue_indirect_dma source(%arg7 : memref<40x16xf32, #tpu.memory_space<vmem>>) target(%dma_start3A_95 : memref<10000x16xf32, #tpu.memory_space<vmem_shared>>) offsets(%dma_start3A_92 : memref<40xi32, #tpu.memory_space<vmem>>) semaphore(%arg9 : memref<!tpu.dma_semaphore, #tpu.memory_space<semaphore_mem>>) {add = true}
      %mul3A_96 = arith.constant 5 : i32
      %mul3A_97 = arith.muli %scan3A_79, %mul3A_96 : i32
      %add3A_98 = arith.constant 1 : i32
      %add3A_99 = arith.addi %mul3A_97, %add3A_98 : i32
      %sub3A_100 = arith.constant 5 : i32
      %sub3A_101 = arith.subi %add3A_99, %sub3A_100 : i32
      %dma_wait3A_102 = arith.constant 0 : i32
      %dma_wait3A_103 = tpu.memref_slice %arg6[%sub3A_101, %dma_wait3A_102] : memref<125x40xi32, #tpu.memory_space<vmem>> -> memref<1x40xi32, #tpu.memory_space<vmem>>
      %dma_wait3A_104 = tpu.memref_squeeze %dma_wait3A_103 : memref<1x40xi32, #tpu.memory_space<vmem>> -> memref<40xi32, #tpu.memory_space<vmem>>
      %dma_wait3A_105 = arith.constant 0 : i32
      %dma_wait3A_106 = arith.constant 0 : i32
      %dma_wait3A_107 = tpu.memref_slice %arg8[%dma_wait3A_105, %dma_wait3A_106] : memref<10000x16xf32, #tpu.memory_space<vmem_shared>> -> memref<10000x16xf32, #tpu.memory_space<vmem_shared>>
      tpu.wait_indirect_dma semaphore(%arg10 : memref<!tpu.dma_semaphore, #tpu.memory_space<semaphore_mem>>) src(%arg7 : memref<40x16xf32, #tpu.memory_space<vmem>>) dst(%dma_wait3A_107 : memref<10000x16xf32, #tpu.memory_space<vmem_shared>>)
      %dma_start3A_108 = arith.constant 0 : i32
      %dma_start3A_109 = tpu.memref_slice %arg6[%add3A_99, %dma_start3A_108] : memref<125x40xi32, #tpu.memory_space<vmem>> -> memref<1x40xi32, #tpu.memory_space<vmem>>
      %dma_start3A_110 = tpu.memref_squeeze %dma_start3A_109 : memref<1x40xi32, #tpu.memory_space<vmem>> -> memref<40xi32, #tpu.memory_space<vmem>>
      %dma_start3A_111 = arith.constant 0 : i32
      %dma_start3A_112 = arith.constant 0 : i32
      %dma_start3A_113 = tpu.memref_slice %arg8[%dma_start3A_111, %dma_start3A_112] : memref<10000x16xf32, #tpu.memory_space<vmem_shared>> -> memref<10000x16xf32, #tpu.memory_space<vmem_shared>>
      tpu.enqueue_indirect_dma source(%arg7 : memref<40x16xf32, #tpu.memory_space<vmem>>) target(%dma_start3A_113 : memref<10000x16xf32, #tpu.memory_space<vmem_shared>>) offsets(%dma_start3A_110 : memref<40xi32, #tpu.memory_space<vmem>>) semaphore(%arg10 : memref<!tpu.dma_semaphore, #tpu.memory_space<semaphore_mem>>) {add = true}
      %mul3A_114 = arith.constant 5 : i32
      %mul3A_115 = arith.muli %scan3A_79, %mul3A_114 : i32
      %add3A_116 = arith.constant 2 : i32
      %add3A_117 = arith.addi %mul3A_115, %add3A_116 : i32
      %sub3A_118 = arith.constant 5 : i32
      %sub3A_119 = arith.subi %add3A_117, %sub3A_118 : i32
      %dma_wait3A_120 = arith.constant 0 : i32
      %dma_wait3A_121 = tpu.memref_slice %arg6[%sub3A_119, %dma_wait3A_120] : memref<125x40xi32, #tpu.memory_space<vmem>> -> memref<1x40xi32, #tpu.memory_space<vmem>>
      %dma_wait3A_122 = tpu.memref_squeeze %dma_wait3A_121 : memref<1x40xi32, #tpu.memory_space<vmem>> -> memref<40xi32, #tpu.memory_space<vmem>>
      %dma_wait3A_123 = arith.constant 0 : i32
      %dma_wait3A_124 = arith.constant 0 : i32
      %dma_wait3A_125 = tpu.memref_slice %arg8[%dma_wait3A_123, %dma_wait3A_124] : memref<10000x16xf32, #tpu.memory_space<vmem_shared>> -> memref<10000x16xf32, #tpu.memory_space<vmem_shared>>
      tpu.wait_indirect_dma semaphore(%arg11 : memref<!tpu.dma_semaphore, #tpu.memory_space<semaphore_mem>>) src(%arg7 : memref<40x16xf32, #tpu.memory_space<vmem>>) dst(%dma_wait3A_125 : memref<10000x16xf32, #tpu.memory_space<vmem_shared>>)
      %dma_start3A_126 = arith.constant 0 : i32
      %dma_start3A_127 = tpu.memref_slice %arg6[%add3A_117, %dma_start3A_126] : memref<125x40xi32, #tpu.memory_space<vmem>> -> memref<1x40xi32, #tpu.memory_space<vmem>>
      %dma_start3A_128 = tpu.memref_squeeze %dma_start3A_127 : memref<1x40xi32, #tpu.memory_space<vmem>> -> memref<40xi32, #tpu.memory_space<vmem>>
      %dma_start3A_129 = arith.constant 0 : i32
      %dma_start3A_130 = arith.constant 0 : i32
      %dma_start3A_131 = tpu.memref_slice %arg8[%dma_start3A_129, %dma_start3A_130] : memref<10000x16xf32, #tpu.memory_space<vmem_shared>> -> memref<10000x16xf32, #tpu.memory_space<vmem_shared>>
      tpu.enqueue_indirect_dma source(%arg7 : memref<40x16xf32, #tpu.memory_space<vmem>>) target(%dma_start3A_131 : memref<10000x16xf32, #tpu.memory_space<vmem_shared>>) offsets(%dma_start3A_128 : memref<40xi32, #tpu.memory_space<vmem>>) semaphore(%arg11 : memref<!tpu.dma_semaphore, #tpu.memory_space<semaphore_mem>>) {add = true}
      %mul3A_132 = arith.constant 5 : i32
      %mul3A_133 = arith.muli %scan3A_79, %mul3A_132 : i32
      %add3A_134 = arith.constant 3 : i32
      %add3A_135 = arith.addi %mul3A_133, %add3A_134 : i32
      %sub3A_136 = arith.constant 5 : i32
      %sub3A_137 = arith.subi %add3A_135, %sub3A_136 : i32
      %dma_wait3A_138 = arith.constant 0 : i32
      %dma_wait3A_139 = tpu.memref_slice %arg6[%sub3A_137, %dma_wait3A_138] : memref<125x40xi32, #tpu.memory_space<vmem>> -> memref<1x40xi32, #tpu.memory_space<vmem>>
      %dma_wait3A_140 = tpu.memref_squeeze %dma_wait3A_139 : memref<1x40xi32, #tpu.memory_space<vmem>> -> memref<40xi32, #tpu.memory_space<vmem>>
      %dma_wait3A_141 = arith.constant 0 : i32
      %dma_wait3A_142 = arith.constant 0 : i32
      %dma_wait3A_143 = tpu.memref_slice %arg8[%dma_wait3A_141, %dma_wait3A_142] : memref<10000x16xf32, #tpu.memory_space<vmem_shared>> -> memref<10000x16xf32, #tpu.memory_space<vmem_shared>>
      tpu.wait_indirect_dma semaphore(%arg12 : memref<!tpu.dma_semaphore, #tpu.memory_space<semaphore_mem>>) src(%arg7 : memref<40x16xf32, #tpu.memory_space<vmem>>) dst(%dma_wait3A_143 : memref<10000x16xf32, #tpu.memory_space<vmem_shared>>)
      %dma_start3A_144 = arith.constant 0 : i32
      %dma_start3A_145 = tpu.memref_slice %arg6[%add3A_135, %dma_start3A_144] : memref<125x40xi32, #tpu.memory_space<vmem>> -> memref<1x40xi32, #tpu.memory_space<vmem>>
      %dma_start3A_146 = tpu.memref_squeeze %dma_start3A_145 : memref<1x40xi32, #tpu.memory_space<vmem>> -> memref<40xi32, #tpu.memory_space<vmem>>
      %dma_start3A_147 = arith.constant 0 : i32
      %dma_start3A_148 = arith.constant 0 : i32
      %dma_start3A_149 = tpu.memref_slice %arg8[%dma_start3A_147, %dma_start3A_148] : memref<10000x16xf32, #tpu.memory_space<vmem_shared>> -> memref<10000x16xf32, #tpu.memory_space<vmem_shared>>
      tpu.enqueue_indirect_dma source(%arg7 : memref<40x16xf32, #tpu.memory_space<vmem>>) target(%dma_start3A_149 : memref<10000x16xf32, #tpu.memory_space<vmem_shared>>) offsets(%dma_start3A_146 : memref<40xi32, #tpu.memory_space<vmem>>) semaphore(%arg12 : memref<!tpu.dma_semaphore, #tpu.memory_space<semaphore_mem>>) {add = true}
      %mul3A_150 = arith.constant 5 : i32
      %mul3A_151 = arith.muli %scan3A_79, %mul3A_150 : i32
      %add3A_152 = arith.constant 4 : i32
      %add3A_153 = arith.addi %mul3A_151, %add3A_152 : i32
      %sub3A_154 = arith.constant 5 : i32
      %sub3A_155 = arith.subi %add3A_153, %sub3A_154 : i32
      %dma_wait3A_156 = arith.constant 0 : i32
      %dma_wait3A_157 = tpu.memref_slice %arg6[%sub3A_155, %dma_wait3A_156] : memref<125x40xi32, #tpu.memory_space<vmem>> -> memref<1x40xi32, #tpu.memory_space<vmem>>
      %dma_wait3A_158 = tpu.memref_squeeze %dma_wait3A_157 : memref<1x40xi32, #tpu.memory_space<vmem>> -> memref<40xi32, #tpu.memory_space<vmem>>
      %dma_wait3A_159 = arith.constant 0 : i32
      %dma_wait3A_160 = arith.constant 0 : i32
      %dma_wait3A_161 = tpu.memref_slice %arg8[%dma_wait3A_159, %dma_wait3A_160] : memref<10000x16xf32, #tpu.memory_space<vmem_shared>> -> memref<10000x16xf32, #tpu.memory_space<vmem_shared>>
      tpu.wait_indirect_dma semaphore(%arg13 : memref<!tpu.dma_semaphore, #tpu.memory_space<semaphore_mem>>) src(%arg7 : memref<40x16xf32, #tpu.memory_space<vmem>>) dst(%dma_wait3A_161 : memref<10000x16xf32, #tpu.memory_space<vmem_shared>>)
      %dma_start3A_162 = arith.constant 0 : i32
      %dma_start3A_163 = tpu.memref_slice %arg6[%add3A_153, %dma_start3A_162] : memref<125x40xi32, #tpu.memory_space<vmem>> -> memref<1x40xi32, #tpu.memory_space<vmem>>
      %dma_start3A_164 = tpu.memref_squeeze %dma_start3A_163 : memref<1x40xi32, #tpu.memory_space<vmem>> -> memref<40xi32, #tpu.memory_space<vmem>>
      %dma_start3A_165 = arith.constant 0 : i32
      %dma_start3A_166 = arith.constant 0 : i32
      %dma_start3A_167 = tpu.memref_slice %arg8[%dma_start3A_165, %dma_start3A_166] : memref<10000x16xf32, #tpu.memory_space<vmem_shared>> -> memref<10000x16xf32, #tpu.memory_space<vmem_shared>>
      tpu.enqueue_indirect_dma source(%arg7 : memref<40x16xf32, #tpu.memory_space<vmem>>) target(%dma_start3A_167 : memref<10000x16xf32, #tpu.memory_space<vmem_shared>>) offsets(%dma_start3A_164 : memref<40xi32, #tpu.memory_space<vmem>>) semaphore(%arg13 : memref<!tpu.dma_semaphore, #tpu.memory_space<semaphore_mem>>) {add = true}
    }
    %scan3A_39 = arith.constant 24 : i32
    %dma_wait3A = arith.constant 120 : i32
    %dma_wait3A_40 = arith.constant 0 : i32
    %dma_wait3A_41 = tpu.memref_slice %arg6[%dma_wait3A, %dma_wait3A_40] : memref<125x40xi32, #tpu.memory_space<vmem>> -> memref<1x40xi32, #tpu.memory_space<vmem>>
    %dma_wait3A_42 = tpu.memref_squeeze %dma_wait3A_41 : memref<1x40xi32, #tpu.memory_space<vmem>> -> memref<40xi32, #tpu.memory_space<vmem>>
    %dma_wait3A_43 = arith.constant 0 : i32
    %dma_wait3A_44 = arith.constant 0 : i32
    %dma_wait3A_45 = tpu.memref_slice %arg8[%dma_wait3A_43, %dma_wait3A_44] : memref<10000x16xf32, #tpu.memory_space<vmem_shared>> -> memref<10000x16xf32, #tpu.memory_space<vmem_shared>>
    tpu.wait_indirect_dma semaphore(%arg9 : memref<!tpu.dma_semaphore, #tpu.memory_space<semaphore_mem>>) src(%arg7 : memref<40x16xf32, #tpu.memory_space<vmem>>) dst(%dma_wait3A_45 : memref<10000x16xf32, #tpu.memory_space<vmem_shared>>)
    %dma_wait3A_46 = arith.constant 121 : i32
    %dma_wait3A_47 = arith.constant 0 : i32
    %dma_wait3A_48 = tpu.memref_slice %arg6[%dma_wait3A_46, %dma_wait3A_47] : memref<125x40xi32, #tpu.memory_space<vmem>> -> memref<1x40xi32, #tpu.memory_space<vmem>>
    %dma_wait3A_49 = tpu.memref_squeeze %dma_wait3A_48 : memref<1x40xi32, #tpu.memory_space<vmem>> -> memref<40xi32, #tpu.memory_space<vmem>>
    %dma_wait3A_50 = arith.constant 0 : i32
    %dma_wait3A_51 = arith.constant 0 : i32
    %dma_wait3A_52 = tpu.memref_slice %arg8[%dma_wait3A_50, %dma_wait3A_51] : memref<10000x16xf32, #tpu.memory_space<vmem_shared>> -> memref<10000x16xf32, #tpu.memory_space<vmem_shared>>
    tpu.wait_indirect_dma semaphore(%arg10 : memref<!tpu.dma_semaphore, #tpu.memory_space<semaphore_mem>>) src(%arg7 : memref<40x16xf32, #tpu.memory_space<vmem>>) dst(%dma_wait3A_52 : memref<10000x16xf32, #tpu.memory_space<vmem_shared>>)
    %dma_wait3A_53 = arith.constant 122 : i32
    %dma_wait3A_54 = arith.constant 0 : i32
    %dma_wait3A_55 = tpu.memref_slice %arg6[%dma_wait3A_53, %dma_wait3A_54] : memref<125x40xi32, #tpu.memory_space<vmem>> -> memref<1x40xi32, #tpu.memory_space<vmem>>
    %dma_wait3A_56 = tpu.memref_squeeze %dma_wait3A_55 : memref<1x40xi32, #tpu.memory_space<vmem>> -> memref<40xi32, #tpu.memory_space<vmem>>
    %dma_wait3A_57 = arith.constant 0 : i32
    %dma_wait3A_58 = arith.constant 0 : i32
    %dma_wait3A_59 = tpu.memref_slice %arg8[%dma_wait3A_57, %dma_wait3A_58] : memref<10000x16xf32, #tpu.memory_space<vmem_shared>> -> memref<10000x16xf32, #tpu.memory_space<vmem_shared>>
    tpu.wait_indirect_dma semaphore(%arg11 : memref<!tpu.dma_semaphore, #tpu.memory_space<semaphore_mem>>) src(%arg7 : memref<40x16xf32, #tpu.memory_space<vmem>>) dst(%dma_wait3A_59 : memref<10000x16xf32, #tpu.memory_space<vmem_shared>>)
    %dma_wait3A_60 = arith.constant 123 : i32
    %dma_wait3A_61 = arith.constant 0 : i32
    %dma_wait3A_62 = tpu.memref_slice %arg6[%dma_wait3A_60, %dma_wait3A_61] : memref<125x40xi32, #tpu.memory_space<vmem>> -> memref<1x40xi32, #tpu.memory_space<vmem>>
    %dma_wait3A_63 = tpu.memref_squeeze %dma_wait3A_62 : memref<1x40xi32, #tpu.memory_space<vmem>> -> memref<40xi32, #tpu.memory_space<vmem>>
    %dma_wait3A_64 = arith.constant 0 : i32
    %dma_wait3A_65 = arith.constant 0 : i32
    %dma_wait3A_66 = tpu.memref_slice %arg8[%dma_wait3A_64, %dma_wait3A_65] : memref<10000x16xf32, #tpu.memory_space<vmem_shared>> -> memref<10000x16xf32, #tpu.memory_space<vmem_shared>>
    tpu.wait_indirect_dma semaphore(%arg12 : memref<!tpu.dma_semaphore, #tpu.memory_space<semaphore_mem>>) src(%arg7 : memref<40x16xf32, #tpu.memory_space<vmem>>) dst(%dma_wait3A_66 : memref<10000x16xf32, #tpu.memory_space<vmem_shared>>)
    %dma_wait3A_67 = arith.constant 124 : i32
    %dma_wait3A_68 = arith.constant 0 : i32
    %dma_wait3A_69 = tpu.memref_slice %arg6[%dma_wait3A_67, %dma_wait3A_68] : memref<125x40xi32, #tpu.memory_space<vmem>> -> memref<1x40xi32, #tpu.memory_space<vmem>>
    %dma_wait3A_70 = tpu.memref_squeeze %dma_wait3A_69 : memref<1x40xi32, #tpu.memory_space<vmem>> -> memref<40xi32, #tpu.memory_space<vmem>>
    %dma_wait3A_71 = arith.constant 0 : i32
    %dma_wait3A_72 = arith.constant 0 : i32
    %dma_wait3A_73 = tpu.memref_slice %arg8[%dma_wait3A_71, %dma_wait3A_72] : memref<10000x16xf32, #tpu.memory_space<vmem_shared>> -> memref<10000x16xf32, #tpu.memory_space<vmem_shared>>
    tpu.wait_indirect_dma semaphore(%arg13 : memref<!tpu.dma_semaphore, #tpu.memory_space<semaphore_mem>>) src(%arg7 : memref<40x16xf32, #tpu.memory_space<vmem>>) dst(%dma_wait3A_73 : memref<10000x16xf32, #tpu.memory_space<vmem_shared>>)
    %barrier3A_74 = arith.constant 0 : index
    tpu.barrier barrier_id(%barrier3A_74)
    %mul3A_75 = arith.constant 625 : i32
    %mul3A_76 = arith.muli %arg1, %mul3A_75 : i32
    %mul3A_77 = arith.constant 625 : i32
    %mul3A_78 = arith.muli %arg1, %mul3A_77 : i32
    "tpu.region"() ({
      %run_scoped3A = tpu.sem_alloc : memref<!tpu.dma_semaphore, #tpu.memory_space<semaphore_mem>>
      %dma_start3A_79 = arith.constant 0 : i32
      %dma_start3A_80 = tpu.memref_slice %arg5[%arg0, %mul3A_78, %dma_start3A_79] : memref<2x10000x16xf32, #tpu.memory_space<hbm>> -> memref<1x625x16xf32, #tpu.memory_space<hbm>>
      %dma_start3A_81 = tpu.memref_squeeze %dma_start3A_80 : memref<1x625x16xf32, #tpu.memory_space<hbm>> -> memref<625x16xf32, #tpu.memory_space<hbm>>
      %dma_start3A_82 = arith.constant 0 : i32
      %dma_start3A_83 = tpu.memref_slice %arg8[%mul3A_76, %dma_start3A_82] : memref<10000x16xf32, #tpu.memory_space<vmem_shared>> -> memref<625x16xf32, #tpu.memory_space<vmem_shared>>
      tpu.enqueue_dma source(%dma_start3A_83 : memref<625x16xf32, #tpu.memory_space<vmem_shared>>) target(%dma_start3A_81 : memref<625x16xf32, #tpu.memory_space<hbm>>) target_semaphore(%run_scoped3A : memref<!tpu.dma_semaphore, #tpu.memory_space<semaphore_mem>>)
      %dma_wait3A_84 = arith.constant 0 : i32
      %dma_wait3A_85 = tpu.memref_slice %arg5[%arg0, %mul3A_78, %dma_wait3A_84] : memref<2x10000x16xf32, #tpu.memory_space<hbm>> -> memref<1x625x16xf32, #tpu.memory_space<hbm>>
      %dma_wait3A_86 = tpu.memref_squeeze %dma_wait3A_85 : memref<1x625x16xf32, #tpu.memory_space<hbm>> -> memref<625x16xf32, #tpu.memory_space<hbm>>
      %dma_wait3A_87 = arith.constant 0 : i32
      %dma_wait3A_88 = tpu.memref_slice %arg8[%mul3A_76, %dma_wait3A_87] : memref<10000x16xf32, #tpu.memory_space<vmem_shared>> -> memref<625x16xf32, #tpu.memory_space<vmem_shared>>
      tpu.wait_dma2 semaphore(%run_scoped3A : memref<!tpu.dma_semaphore, #tpu.memory_space<semaphore_mem>>) src(%dma_wait3A_88 : memref<625x16xf32, #tpu.memory_space<vmem_shared>>) dst(%dma_wait3A_86 : memref<625x16xf32, #tpu.memory_space<hbm>>)
      tpu.yield
    }) : () -> ()
    return
  }
}

#map = affine_map<(d0, d1) -> (0, 0, 0)>
#map1 = affine_map<(d0, d1) -> (0, 0)>
module attributes {stable_mosaic.version = 14 : i64} {
  func.func @_agg_body(%arg0: i32, %arg1: i32, %arg2: memref<2x10000x128xf32, #tpu.memory_space<hbm>>, %arg3: memref<16x250x40xi32, #tpu.memory_space<hbm>>, %arg4: memref<16x250x40xi32, #tpu.memory_space<hbm>>, %arg5: memref<625x128xf32, #tpu.memory_space<hbm>>, %arg6: memref<2x10000x128xf32, #tpu.memory_space<hbm>>, %arg7: memref<250x40xi32, #tpu.memory_space<vmem>>, %arg8: memref<250x40xi32, #tpu.memory_space<vmem>>, %arg9: memref<10000x128xf32, #tpu.memory_space<vmem_shared>>, %arg10: memref<40x128xf32, #tpu.memory_space<vmem>>, %arg11: memref<40x128xf32, #tpu.memory_space<vmem>>, %arg12: memref<40x128xf32, #tpu.memory_space<vmem>>, %arg13: memref<40x128xf32, #tpu.memory_space<vmem>>, %arg14: memref<40x128xf32, #tpu.memory_space<vmem>>, %arg15: memref<!tpu.dma_semaphore, #tpu.memory_space<semaphore_mem>>, %arg16: memref<!tpu.dma_semaphore, #tpu.memory_space<semaphore_mem>>, %arg17: memref<!tpu.dma_semaphore, #tpu.memory_space<semaphore_mem>>, %arg18: memref<!tpu.dma_semaphore, #tpu.memory_space<semaphore_mem>>, %arg19: memref<!tpu.dma_semaphore, #tpu.memory_space<semaphore_mem>>, %arg20: memref<!tpu.dma_semaphore, #tpu.memory_space<semaphore_mem>>, %arg21: memref<!tpu.dma_semaphore, #tpu.memory_space<semaphore_mem>>, %arg22: memref<!tpu.dma_semaphore, #tpu.memory_space<semaphore_mem>>, %arg23: memref<!tpu.dma_semaphore, #tpu.memory_space<semaphore_mem>>, %arg24: memref<!tpu.dma_semaphore, #tpu.memory_space<semaphore_mem>>) attributes {dimension_semantics = [#tpu.dimension_semantics<core_parallel>, #tpu.dimension_semantics<subcore_parallel>], iteration_bounds = array<i64: 2, 16>, scalar_prefetch = 0 : i64, scratch_operands = 18 : i64, tpu.core_type = #tpu.core_type<sc_vector_subcore>, window_params = [{transform_indices = #map}, {transform_indices = #map}, {transform_indices = #map}, {transform_indices = #map1}, {transform_indices = #map}]} {
    "tpu.region"() ({
      %run_scoped3A = tpu.sem_alloc : memref<!tpu.dma_semaphore, #tpu.memory_space<semaphore_mem>>
      %dma_start3A_369 = arith.constant 0 : i32
      %dma_start3A_370 = arith.constant 0 : i32
      %dma_start3A_371 = tpu.memref_slice %arg3[%arg1, %dma_start3A_369, %dma_start3A_370] : memref<16x250x40xi32, #tpu.memory_space<hbm>> -> memref<1x250x40xi32, #tpu.memory_space<hbm>>
      %dma_start3A_372 = tpu.memref_squeeze %dma_start3A_371 : memref<1x250x40xi32, #tpu.memory_space<hbm>> -> memref<250x40xi32, #tpu.memory_space<hbm>>
      %dma_start3A_373 = arith.constant 0 : i32
      %dma_start3A_374 = arith.constant 0 : i32
      %dma_start3A_375 = tpu.memref_slice %arg3[%arg1, %dma_start3A_373, %dma_start3A_374] : memref<16x250x40xi32, #tpu.memory_space<hbm>> -> memref<1x250x40xi32, #tpu.memory_space<hbm>>
      %dma_start3A_376 = tpu.memref_squeeze %dma_start3A_375 : memref<1x250x40xi32, #tpu.memory_space<hbm>> -> memref<250x40xi32, #tpu.memory_space<hbm>>
      tpu.enqueue_dma source(%dma_start3A_376 : memref<250x40xi32, #tpu.memory_space<hbm>>) target(%arg7 : memref<250x40xi32, #tpu.memory_space<vmem>>) target_semaphore(%run_scoped3A : memref<!tpu.dma_semaphore, #tpu.memory_space<semaphore_mem>>)
      %dma_wait3A_377 = arith.constant 0 : i32
      %dma_wait3A_378 = arith.constant 0 : i32
      %dma_wait3A_379 = tpu.memref_slice %arg3[%arg1, %dma_wait3A_377, %dma_wait3A_378] : memref<16x250x40xi32, #tpu.memory_space<hbm>> -> memref<1x250x40xi32, #tpu.memory_space<hbm>>
      %dma_wait3A_380 = tpu.memref_squeeze %dma_wait3A_379 : memref<1x250x40xi32, #tpu.memory_space<hbm>> -> memref<250x40xi32, #tpu.memory_space<hbm>>
      %dma_wait3A_381 = arith.constant 0 : i32
      %dma_wait3A_382 = arith.constant 0 : i32
      %dma_wait3A_383 = tpu.memref_slice %arg3[%arg1, %dma_wait3A_381, %dma_wait3A_382] : memref<16x250x40xi32, #tpu.memory_space<hbm>> -> memref<1x250x40xi32, #tpu.memory_space<hbm>>
      %dma_wait3A_384 = tpu.memref_squeeze %dma_wait3A_383 : memref<1x250x40xi32, #tpu.memory_space<hbm>> -> memref<250x40xi32, #tpu.memory_space<hbm>>
      tpu.wait_dma2 semaphore(%run_scoped3A : memref<!tpu.dma_semaphore, #tpu.memory_space<semaphore_mem>>) src(%dma_wait3A_384 : memref<250x40xi32, #tpu.memory_space<hbm>>) dst(%arg7 : memref<250x40xi32, #tpu.memory_space<vmem>>)
      tpu.yield
    }) : () -> ()
    "tpu.region"() ({
      %run_scoped3A = tpu.sem_alloc : memref<!tpu.dma_semaphore, #tpu.memory_space<semaphore_mem>>
      %dma_start3A_369 = arith.constant 0 : i32
      %dma_start3A_370 = arith.constant 0 : i32
      %dma_start3A_371 = tpu.memref_slice %arg4[%arg1, %dma_start3A_369, %dma_start3A_370] : memref<16x250x40xi32, #tpu.memory_space<hbm>> -> memref<1x250x40xi32, #tpu.memory_space<hbm>>
      %dma_start3A_372 = tpu.memref_squeeze %dma_start3A_371 : memref<1x250x40xi32, #tpu.memory_space<hbm>> -> memref<250x40xi32, #tpu.memory_space<hbm>>
      %dma_start3A_373 = arith.constant 0 : i32
      %dma_start3A_374 = arith.constant 0 : i32
      %dma_start3A_375 = tpu.memref_slice %arg4[%arg1, %dma_start3A_373, %dma_start3A_374] : memref<16x250x40xi32, #tpu.memory_space<hbm>> -> memref<1x250x40xi32, #tpu.memory_space<hbm>>
      %dma_start3A_376 = tpu.memref_squeeze %dma_start3A_375 : memref<1x250x40xi32, #tpu.memory_space<hbm>> -> memref<250x40xi32, #tpu.memory_space<hbm>>
      tpu.enqueue_dma source(%dma_start3A_376 : memref<250x40xi32, #tpu.memory_space<hbm>>) target(%arg8 : memref<250x40xi32, #tpu.memory_space<vmem>>) target_semaphore(%run_scoped3A : memref<!tpu.dma_semaphore, #tpu.memory_space<semaphore_mem>>)
      %dma_wait3A_377 = arith.constant 0 : i32
      %dma_wait3A_378 = arith.constant 0 : i32
      %dma_wait3A_379 = tpu.memref_slice %arg4[%arg1, %dma_wait3A_377, %dma_wait3A_378] : memref<16x250x40xi32, #tpu.memory_space<hbm>> -> memref<1x250x40xi32, #tpu.memory_space<hbm>>
      %dma_wait3A_380 = tpu.memref_squeeze %dma_wait3A_379 : memref<1x250x40xi32, #tpu.memory_space<hbm>> -> memref<250x40xi32, #tpu.memory_space<hbm>>
      %dma_wait3A_381 = arith.constant 0 : i32
      %dma_wait3A_382 = arith.constant 0 : i32
      %dma_wait3A_383 = tpu.memref_slice %arg4[%arg1, %dma_wait3A_381, %dma_wait3A_382] : memref<16x250x40xi32, #tpu.memory_space<hbm>> -> memref<1x250x40xi32, #tpu.memory_space<hbm>>
      %dma_wait3A_384 = tpu.memref_squeeze %dma_wait3A_383 : memref<1x250x40xi32, #tpu.memory_space<hbm>> -> memref<250x40xi32, #tpu.memory_space<hbm>>
      tpu.wait_dma2 semaphore(%run_scoped3A : memref<!tpu.dma_semaphore, #tpu.memory_space<semaphore_mem>>) src(%dma_wait3A_384 : memref<250x40xi32, #tpu.memory_space<hbm>>) dst(%arg8 : memref<250x40xi32, #tpu.memory_space<vmem>>)
      tpu.yield
    }) : () -> ()
    %mul3A = arith.constant 625 : i32
    %mul3A_0 = arith.muli %arg1, %mul3A : i32
    "tpu.region"() ({
      %run_scoped3A = tpu.sem_alloc : memref<!tpu.dma_semaphore, #tpu.memory_space<semaphore_mem>>
      %dma_start3A_369 = arith.constant 0 : i32
      %dma_start3A_370 = tpu.memref_slice %arg9[%mul3A_0, %dma_start3A_369] : memref<10000x128xf32, #tpu.memory_space<vmem_shared>> -> memref<625x128xf32, #tpu.memory_space<vmem_shared>>
      tpu.enqueue_dma source(%arg5 : memref<625x128xf32, #tpu.memory_space<hbm>>) target(%dma_start3A_370 : memref<625x128xf32, #tpu.memory_space<vmem_shared>>) target_semaphore(%run_scoped3A : memref<!tpu.dma_semaphore, #tpu.memory_space<semaphore_mem>>)
      %dma_wait3A_371 = arith.constant 0 : i32
      %dma_wait3A_372 = tpu.memref_slice %arg9[%mul3A_0, %dma_wait3A_371] : memref<10000x128xf32, #tpu.memory_space<vmem_shared>> -> memref<625x128xf32, #tpu.memory_space<vmem_shared>>
      tpu.wait_dma2 semaphore(%run_scoped3A : memref<!tpu.dma_semaphore, #tpu.memory_space<semaphore_mem>>) src(%arg5 : memref<625x128xf32, #tpu.memory_space<hbm>>) dst(%dma_wait3A_372 : memref<625x128xf32, #tpu.memory_space<vmem_shared>>)
      tpu.yield
    }) : () -> ()
    %barrier3A = arith.constant 0 : index
    tpu.barrier barrier_id(%barrier3A)
    %dma_start3A = arith.constant 0 : i32
    %dma_start3A_1 = arith.constant 0 : i32
    %dma_start3A_2 = tpu.memref_slice %arg7[%dma_start3A, %dma_start3A_1] : memref<250x40xi32, #tpu.memory_space<vmem>> -> memref<1x40xi32, #tpu.memory_space<vmem>>
    %dma_start3A_3 = tpu.memref_squeeze %dma_start3A_2 : memref<1x40xi32, #tpu.memory_space<vmem>> -> memref<40xi32, #tpu.memory_space<vmem>>
    %dma_start3A_4 = arith.constant 0 : i32
    %dma_start3A_5 = arith.constant 0 : i32
    %dma_start3A_6 = tpu.memref_slice %arg2[%arg0, %dma_start3A_4, %dma_start3A_5] : memref<2x10000x128xf32, #tpu.memory_space<hbm>> -> memref<1x10000x128xf32, #tpu.memory_space<hbm>>
    %dma_start3A_7 = tpu.memref_squeeze %dma_start3A_6 : memref<1x10000x128xf32, #tpu.memory_space<hbm>> -> memref<10000x128xf32, #tpu.memory_space<hbm>>
    %dma_start3A_8 = arith.constant 0 : i32
    %dma_start3A_9 = arith.constant 0 : i32
    %dma_start3A_10 = tpu.memref_slice %dma_start3A_7[%dma_start3A_8, %dma_start3A_9] : memref<10000x128xf32, #tpu.memory_space<hbm>> -> memref<10000x128xf32, #tpu.memory_space<hbm>>
    tpu.enqueue_indirect_dma source(%dma_start3A_10 : memref<10000x128xf32, #tpu.memory_space<hbm>>) target(%arg10 : memref<40x128xf32, #tpu.memory_space<vmem>>) offsets(%dma_start3A_3 : memref<40xi32, #tpu.memory_space<vmem>>) semaphore(%arg15 : memref<!tpu.dma_semaphore, #tpu.memory_space<semaphore_mem>>)
    %dma_start3A_11 = arith.constant 1 : i32
    %dma_start3A_12 = arith.constant 0 : i32
    %dma_start3A_13 = tpu.memref_slice %arg7[%dma_start3A_11, %dma_start3A_12] : memref<250x40xi32, #tpu.memory_space<vmem>> -> memref<1x40xi32, #tpu.memory_space<vmem>>
    %dma_start3A_14 = tpu.memref_squeeze %dma_start3A_13 : memref<1x40xi32, #tpu.memory_space<vmem>> -> memref<40xi32, #tpu.memory_space<vmem>>
    %dma_start3A_15 = arith.constant 0 : i32
    %dma_start3A_16 = arith.constant 0 : i32
    %dma_start3A_17 = tpu.memref_slice %arg2[%arg0, %dma_start3A_15, %dma_start3A_16] : memref<2x10000x128xf32, #tpu.memory_space<hbm>> -> memref<1x10000x128xf32, #tpu.memory_space<hbm>>
    %dma_start3A_18 = tpu.memref_squeeze %dma_start3A_17 : memref<1x10000x128xf32, #tpu.memory_space<hbm>> -> memref<10000x128xf32, #tpu.memory_space<hbm>>
    %dma_start3A_19 = arith.constant 0 : i32
    %dma_start3A_20 = arith.constant 0 : i32
    %dma_start3A_21 = tpu.memref_slice %dma_start3A_18[%dma_start3A_19, %dma_start3A_20] : memref<10000x128xf32, #tpu.memory_space<hbm>> -> memref<10000x128xf32, #tpu.memory_space<hbm>>
    tpu.enqueue_indirect_dma source(%dma_start3A_21 : memref<10000x128xf32, #tpu.memory_space<hbm>>) target(%arg11 : memref<40x128xf32, #tpu.memory_space<vmem>>) offsets(%dma_start3A_14 : memref<40xi32, #tpu.memory_space<vmem>>) semaphore(%arg16 : memref<!tpu.dma_semaphore, #tpu.memory_space<semaphore_mem>>)
    %dma_start3A_22 = arith.constant 2 : i32
    %dma_start3A_23 = arith.constant 0 : i32
    %dma_start3A_24 = tpu.memref_slice %arg7[%dma_start3A_22, %dma_start3A_23] : memref<250x40xi32, #tpu.memory_space<vmem>> -> memref<1x40xi32, #tpu.memory_space<vmem>>
    %dma_start3A_25 = tpu.memref_squeeze %dma_start3A_24 : memref<1x40xi32, #tpu.memory_space<vmem>> -> memref<40xi32, #tpu.memory_space<vmem>>
    %dma_start3A_26 = arith.constant 0 : i32
    %dma_start3A_27 = arith.constant 0 : i32
    %dma_start3A_28 = tpu.memref_slice %arg2[%arg0, %dma_start3A_26, %dma_start3A_27] : memref<2x10000x128xf32, #tpu.memory_space<hbm>> -> memref<1x10000x128xf32, #tpu.memory_space<hbm>>
    %dma_start3A_29 = tpu.memref_squeeze %dma_start3A_28 : memref<1x10000x128xf32, #tpu.memory_space<hbm>> -> memref<10000x128xf32, #tpu.memory_space<hbm>>
    %dma_start3A_30 = arith.constant 0 : i32
    %dma_start3A_31 = arith.constant 0 : i32
    %dma_start3A_32 = tpu.memref_slice %dma_start3A_29[%dma_start3A_30, %dma_start3A_31] : memref<10000x128xf32, #tpu.memory_space<hbm>> -> memref<10000x128xf32, #tpu.memory_space<hbm>>
    tpu.enqueue_indirect_dma source(%dma_start3A_32 : memref<10000x128xf32, #tpu.memory_space<hbm>>) target(%arg12 : memref<40x128xf32, #tpu.memory_space<vmem>>) offsets(%dma_start3A_25 : memref<40xi32, #tpu.memory_space<vmem>>) semaphore(%arg17 : memref<!tpu.dma_semaphore, #tpu.memory_space<semaphore_mem>>)
    %dma_start3A_33 = arith.constant 3 : i32
    %dma_start3A_34 = arith.constant 0 : i32
    %dma_start3A_35 = tpu.memref_slice %arg7[%dma_start3A_33, %dma_start3A_34] : memref<250x40xi32, #tpu.memory_space<vmem>> -> memref<1x40xi32, #tpu.memory_space<vmem>>
    %dma_start3A_36 = tpu.memref_squeeze %dma_start3A_35 : memref<1x40xi32, #tpu.memory_space<vmem>> -> memref<40xi32, #tpu.memory_space<vmem>>
    %dma_start3A_37 = arith.constant 0 : i32
    %dma_start3A_38 = arith.constant 0 : i32
    %dma_start3A_39 = tpu.memref_slice %arg2[%arg0, %dma_start3A_37, %dma_start3A_38] : memref<2x10000x128xf32, #tpu.memory_space<hbm>> -> memref<1x10000x128xf32, #tpu.memory_space<hbm>>
    %dma_start3A_40 = tpu.memref_squeeze %dma_start3A_39 : memref<1x10000x128xf32, #tpu.memory_space<hbm>> -> memref<10000x128xf32, #tpu.memory_space<hbm>>
    %dma_start3A_41 = arith.constant 0 : i32
    %dma_start3A_42 = arith.constant 0 : i32
    %dma_start3A_43 = tpu.memref_slice %dma_start3A_40[%dma_start3A_41, %dma_start3A_42] : memref<10000x128xf32, #tpu.memory_space<hbm>> -> memref<10000x128xf32, #tpu.memory_space<hbm>>
    tpu.enqueue_indirect_dma source(%dma_start3A_43 : memref<10000x128xf32, #tpu.memory_space<hbm>>) target(%arg13 : memref<40x128xf32, #tpu.memory_space<vmem>>) offsets(%dma_start3A_36 : memref<40xi32, #tpu.memory_space<vmem>>) semaphore(%arg18 : memref<!tpu.dma_semaphore, #tpu.memory_space<semaphore_mem>>)
    %dma_wait3A = arith.constant 0 : i32
    %dma_wait3A_44 = arith.constant 0 : i32
    %dma_wait3A_45 = tpu.memref_slice %arg7[%dma_wait3A, %dma_wait3A_44] : memref<250x40xi32, #tpu.memory_space<vmem>> -> memref<1x40xi32, #tpu.memory_space<vmem>>
    %dma_wait3A_46 = tpu.memref_squeeze %dma_wait3A_45 : memref<1x40xi32, #tpu.memory_space<vmem>> -> memref<40xi32, #tpu.memory_space<vmem>>
    %dma_wait3A_47 = arith.constant 0 : i32
    %dma_wait3A_48 = arith.constant 0 : i32
    %dma_wait3A_49 = tpu.memref_slice %arg2[%arg0, %dma_wait3A_47, %dma_wait3A_48] : memref<2x10000x128xf32, #tpu.memory_space<hbm>> -> memref<1x10000x128xf32, #tpu.memory_space<hbm>>
    %dma_wait3A_50 = tpu.memref_squeeze %dma_wait3A_49 : memref<1x10000x128xf32, #tpu.memory_space<hbm>> -> memref<10000x128xf32, #tpu.memory_space<hbm>>
    %dma_wait3A_51 = arith.constant 0 : i32
    %dma_wait3A_52 = arith.constant 0 : i32
    %dma_wait3A_53 = tpu.memref_slice %dma_wait3A_50[%dma_wait3A_51, %dma_wait3A_52] : memref<10000x128xf32, #tpu.memory_space<hbm>> -> memref<10000x128xf32, #tpu.memory_space<hbm>>
    tpu.wait_indirect_dma semaphore(%arg15 : memref<!tpu.dma_semaphore, #tpu.memory_space<semaphore_mem>>) src(%dma_wait3A_53 : memref<10000x128xf32, #tpu.memory_space<hbm>>) dst(%arg10 : memref<40x128xf32, #tpu.memory_space<vmem>>)
    %dma_start3A_54 = arith.constant 4 : i32
    %dma_start3A_55 = arith.constant 0 : i32
    %dma_start3A_56 = tpu.memref_slice %arg7[%dma_start3A_54, %dma_start3A_55] : memref<250x40xi32, #tpu.memory_space<vmem>> -> memref<1x40xi32, #tpu.memory_space<vmem>>
    %dma_start3A_57 = tpu.memref_squeeze %dma_start3A_56 : memref<1x40xi32, #tpu.memory_space<vmem>> -> memref<40xi32, #tpu.memory_space<vmem>>
    %dma_start3A_58 = arith.constant 0 : i32
    %dma_start3A_59 = arith.constant 0 : i32
    %dma_start3A_60 = tpu.memref_slice %arg2[%arg0, %dma_start3A_58, %dma_start3A_59] : memref<2x10000x128xf32, #tpu.memory_space<hbm>> -> memref<1x10000x128xf32, #tpu.memory_space<hbm>>
    %dma_start3A_61 = tpu.memref_squeeze %dma_start3A_60 : memref<1x10000x128xf32, #tpu.memory_space<hbm>> -> memref<10000x128xf32, #tpu.memory_space<hbm>>
    %dma_start3A_62 = arith.constant 0 : i32
    %dma_start3A_63 = arith.constant 0 : i32
    %dma_start3A_64 = tpu.memref_slice %dma_start3A_61[%dma_start3A_62, %dma_start3A_63] : memref<10000x128xf32, #tpu.memory_space<hbm>> -> memref<10000x128xf32, #tpu.memory_space<hbm>>
    tpu.enqueue_indirect_dma source(%dma_start3A_64 : memref<10000x128xf32, #tpu.memory_space<hbm>>) target(%arg14 : memref<40x128xf32, #tpu.memory_space<vmem>>) offsets(%dma_start3A_57 : memref<40xi32, #tpu.memory_space<vmem>>) semaphore(%arg19 : memref<!tpu.dma_semaphore, #tpu.memory_space<semaphore_mem>>)
    %dma_start3A_65 = arith.constant 0 : i32
    %dma_start3A_66 = arith.constant 0 : i32
    %dma_start3A_67 = tpu.memref_slice %arg8[%dma_start3A_65, %dma_start3A_66] : memref<250x40xi32, #tpu.memory_space<vmem>> -> memref<1x40xi32, #tpu.memory_space<vmem>>
    %dma_start3A_68 = tpu.memref_squeeze %dma_start3A_67 : memref<1x40xi32, #tpu.memory_space<vmem>> -> memref<40xi32, #tpu.memory_space<vmem>>
    %dma_start3A_69 = arith.constant 0 : i32
    %dma_start3A_70 = arith.constant 0 : i32
    %dma_start3A_71 = tpu.memref_slice %arg9[%dma_start3A_69, %dma_start3A_70] : memref<10000x128xf32, #tpu.memory_space<vmem_shared>> -> memref<10000x128xf32, #tpu.memory_space<vmem_shared>>
    tpu.enqueue_indirect_dma source(%arg10 : memref<40x128xf32, #tpu.memory_space<vmem>>) target(%dma_start3A_71 : memref<10000x128xf32, #tpu.memory_space<vmem_shared>>) offsets(%dma_start3A_68 : memref<40xi32, #tpu.memory_space<vmem>>) semaphore(%arg20 : memref<!tpu.dma_semaphore, #tpu.memory_space<semaphore_mem>>) {add = true}
    %dma_wait3A_72 = arith.constant 1 : i32
    %dma_wait3A_73 = arith.constant 0 : i32
    %dma_wait3A_74 = tpu.memref_slice %arg7[%dma_wait3A_72, %dma_wait3A_73] : memref<250x40xi32, #tpu.memory_space<vmem>> -> memref<1x40xi32, #tpu.memory_space<vmem>>
    %dma_wait3A_75 = tpu.memref_squeeze %dma_wait3A_74 : memref<1x40xi32, #tpu.memory_space<vmem>> -> memref<40xi32, #tpu.memory_space<vmem>>
    %dma_wait3A_76 = arith.constant 0 : i32
    %dma_wait3A_77 = arith.constant 0 : i32
    %dma_wait3A_78 = tpu.memref_slice %arg2[%arg0, %dma_wait3A_76, %dma_wait3A_77] : memref<2x10000x128xf32, #tpu.memory_space<hbm>> -> memref<1x10000x128xf32, #tpu.memory_space<hbm>>
    %dma_wait3A_79 = tpu.memref_squeeze %dma_wait3A_78 : memref<1x10000x128xf32, #tpu.memory_space<hbm>> -> memref<10000x128xf32, #tpu.memory_space<hbm>>
    %dma_wait3A_80 = arith.constant 0 : i32
    %dma_wait3A_81 = arith.constant 0 : i32
    %dma_wait3A_82 = tpu.memref_slice %dma_wait3A_79[%dma_wait3A_80, %dma_wait3A_81] : memref<10000x128xf32, #tpu.memory_space<hbm>> -> memref<10000x128xf32, #tpu.memory_space<hbm>>
    tpu.wait_indirect_dma semaphore(%arg16 : memref<!tpu.dma_semaphore, #tpu.memory_space<semaphore_mem>>) src(%dma_wait3A_82 : memref<10000x128xf32, #tpu.memory_space<hbm>>) dst(%arg11 : memref<40x128xf32, #tpu.memory_space<vmem>>)
    %dma_wait3A_83 = arith.constant 0 : i32
    %dma_wait3A_84 = arith.constant 0 : i32
    %dma_wait3A_85 = tpu.memref_slice %arg8[%dma_wait3A_83, %dma_wait3A_84] : memref<250x40xi32, #tpu.memory_space<vmem>> -> memref<1x40xi32, #tpu.memory_space<vmem>>
    %dma_wait3A_86 = tpu.memref_squeeze %dma_wait3A_85 : memref<1x40xi32, #tpu.memory_space<vmem>> -> memref<40xi32, #tpu.memory_space<vmem>>
    %dma_wait3A_87 = arith.constant 0 : i32
    %dma_wait3A_88 = arith.constant 0 : i32
    %dma_wait3A_89 = tpu.memref_slice %arg9[%dma_wait3A_87, %dma_wait3A_88] : memref<10000x128xf32, #tpu.memory_space<vmem_shared>> -> memref<10000x128xf32, #tpu.memory_space<vmem_shared>>
    tpu.wait_indirect_dma semaphore(%arg20 : memref<!tpu.dma_semaphore, #tpu.memory_space<semaphore_mem>>) src(%arg10 : memref<40x128xf32, #tpu.memory_space<vmem>>) dst(%dma_wait3A_89 : memref<10000x128xf32, #tpu.memory_space<vmem_shared>>)
    %dma_start3A_90 = arith.constant 5 : i32
    %dma_start3A_91 = arith.constant 0 : i32
    %dma_start3A_92 = tpu.memref_slice %arg7[%dma_start3A_90, %dma_start3A_91] : memref<250x40xi32, #tpu.memory_space<vmem>> -> memref<1x40xi32, #tpu.memory_space<vmem>>
    %dma_start3A_93 = tpu.memref_squeeze %dma_start3A_92 : memref<1x40xi32, #tpu.memory_space<vmem>> -> memref<40xi32, #tpu.memory_space<vmem>>
    %dma_start3A_94 = arith.constant 0 : i32
    %dma_start3A_95 = arith.constant 0 : i32
    %dma_start3A_96 = tpu.memref_slice %arg2[%arg0, %dma_start3A_94, %dma_start3A_95] : memref<2x10000x128xf32, #tpu.memory_space<hbm>> -> memref<1x10000x128xf32, #tpu.memory_space<hbm>>
    %dma_start3A_97 = tpu.memref_squeeze %dma_start3A_96 : memref<1x10000x128xf32, #tpu.memory_space<hbm>> -> memref<10000x128xf32, #tpu.memory_space<hbm>>
    %dma_start3A_98 = arith.constant 0 : i32
    %dma_start3A_99 = arith.constant 0 : i32
    %dma_start3A_100 = tpu.memref_slice %dma_start3A_97[%dma_start3A_98, %dma_start3A_99] : memref<10000x128xf32, #tpu.memory_space<hbm>> -> memref<10000x128xf32, #tpu.memory_space<hbm>>
    tpu.enqueue_indirect_dma source(%dma_start3A_100 : memref<10000x128xf32, #tpu.memory_space<hbm>>) target(%arg10 : memref<40x128xf32, #tpu.memory_space<vmem>>) offsets(%dma_start3A_93 : memref<40xi32, #tpu.memory_space<vmem>>) semaphore(%arg15 : memref<!tpu.dma_semaphore, #tpu.memory_space<semaphore_mem>>)
    %dma_start3A_101 = arith.constant 1 : i32
    %dma_start3A_102 = arith.constant 0 : i32
    %dma_start3A_103 = tpu.memref_slice %arg8[%dma_start3A_101, %dma_start3A_102] : memref<250x40xi32, #tpu.memory_space<vmem>> -> memref<1x40xi32, #tpu.memory_space<vmem>>
    %dma_start3A_104 = tpu.memref_squeeze %dma_start3A_103 : memref<1x40xi32, #tpu.memory_space<vmem>> -> memref<40xi32, #tpu.memory_space<vmem>>
    %dma_start3A_105 = arith.constant 0 : i32
    %dma_start3A_106 = arith.constant 0 : i32
    %dma_start3A_107 = tpu.memref_slice %arg9[%dma_start3A_105, %dma_start3A_106] : memref<10000x128xf32, #tpu.memory_space<vmem_shared>> -> memref<10000x128xf32, #tpu.memory_space<vmem_shared>>
    tpu.enqueue_indirect_dma source(%arg11 : memref<40x128xf32, #tpu.memory_space<vmem>>) target(%dma_start3A_107 : memref<10000x128xf32, #tpu.memory_space<vmem_shared>>) offsets(%dma_start3A_104 : memref<40xi32, #tpu.memory_space<vmem>>) semaphore(%arg21 : memref<!tpu.dma_semaphore, #tpu.memory_space<semaphore_mem>>) {add = true}
    %dma_wait3A_108 = arith.constant 2 : i32
    %dma_wait3A_109 = arith.constant 0 : i32
    %dma_wait3A_110 = tpu.memref_slice %arg7[%dma_wait3A_108, %dma_wait3A_109] : memref<250x40xi32, #tpu.memory_space<vmem>> -> memref<1x40xi32, #tpu.memory_space<vmem>>
    %dma_wait3A_111 = tpu.memref_squeeze %dma_wait3A_110 : memref<1x40xi32, #tpu.memory_space<vmem>> -> memref<40xi32, #tpu.memory_space<vmem>>
    %dma_wait3A_112 = arith.constant 0 : i32
    %dma_wait3A_113 = arith.constant 0 : i32
    %dma_wait3A_114 = tpu.memref_slice %arg2[%arg0, %dma_wait3A_112, %dma_wait3A_113] : memref<2x10000x128xf32, #tpu.memory_space<hbm>> -> memref<1x10000x128xf32, #tpu.memory_space<hbm>>
    %dma_wait3A_115 = tpu.memref_squeeze %dma_wait3A_114 : memref<1x10000x128xf32, #tpu.memory_space<hbm>> -> memref<10000x128xf32, #tpu.memory_space<hbm>>
    %dma_wait3A_116 = arith.constant 0 : i32
    %dma_wait3A_117 = arith.constant 0 : i32
    %dma_wait3A_118 = tpu.memref_slice %dma_wait3A_115[%dma_wait3A_116, %dma_wait3A_117] : memref<10000x128xf32, #tpu.memory_space<hbm>> -> memref<10000x128xf32, #tpu.memory_space<hbm>>
    tpu.wait_indirect_dma semaphore(%arg17 : memref<!tpu.dma_semaphore, #tpu.memory_space<semaphore_mem>>) src(%dma_wait3A_118 : memref<10000x128xf32, #tpu.memory_space<hbm>>) dst(%arg12 : memref<40x128xf32, #tpu.memory_space<vmem>>)
    %dma_wait3A_119 = arith.constant 1 : i32
    %dma_wait3A_120 = arith.constant 0 : i32
    %dma_wait3A_121 = tpu.memref_slice %arg8[%dma_wait3A_119, %dma_wait3A_120] : memref<250x40xi32, #tpu.memory_space<vmem>> -> memref<1x40xi32, #tpu.memory_space<vmem>>
    %dma_wait3A_122 = tpu.memref_squeeze %dma_wait3A_121 : memref<1x40xi32, #tpu.memory_space<vmem>> -> memref<40xi32, #tpu.memory_space<vmem>>
    %dma_wait3A_123 = arith.constant 0 : i32
    %dma_wait3A_124 = arith.constant 0 : i32
    %dma_wait3A_125 = tpu.memref_slice %arg9[%dma_wait3A_123, %dma_wait3A_124] : memref<10000x128xf32, #tpu.memory_space<vmem_shared>> -> memref<10000x128xf32, #tpu.memory_space<vmem_shared>>
    tpu.wait_indirect_dma semaphore(%arg21 : memref<!tpu.dma_semaphore, #tpu.memory_space<semaphore_mem>>) src(%arg11 : memref<40x128xf32, #tpu.memory_space<vmem>>) dst(%dma_wait3A_125 : memref<10000x128xf32, #tpu.memory_space<vmem_shared>>)
    %dma_start3A_126 = arith.constant 6 : i32
    %dma_start3A_127 = arith.constant 0 : i32
    %dma_start3A_128 = tpu.memref_slice %arg7[%dma_start3A_126, %dma_start3A_127] : memref<250x40xi32, #tpu.memory_space<vmem>> -> memref<1x40xi32, #tpu.memory_space<vmem>>
    %dma_start3A_129 = tpu.memref_squeeze %dma_start3A_128 : memref<1x40xi32, #tpu.memory_space<vmem>> -> memref<40xi32, #tpu.memory_space<vmem>>
    %dma_start3A_130 = arith.constant 0 : i32
    %dma_start3A_131 = arith.constant 0 : i32
    %dma_start3A_132 = tpu.memref_slice %arg2[%arg0, %dma_start3A_130, %dma_start3A_131] : memref<2x10000x128xf32, #tpu.memory_space<hbm>> -> memref<1x10000x128xf32, #tpu.memory_space<hbm>>
    %dma_start3A_133 = tpu.memref_squeeze %dma_start3A_132 : memref<1x10000x128xf32, #tpu.memory_space<hbm>> -> memref<10000x128xf32, #tpu.memory_space<hbm>>
    %dma_start3A_134 = arith.constant 0 : i32
    %dma_start3A_135 = arith.constant 0 : i32
    %dma_start3A_136 = tpu.memref_slice %dma_start3A_133[%dma_start3A_134, %dma_start3A_135] : memref<10000x128xf32, #tpu.memory_space<hbm>> -> memref<10000x128xf32, #tpu.memory_space<hbm>>
    tpu.enqueue_indirect_dma source(%dma_start3A_136 : memref<10000x128xf32, #tpu.memory_space<hbm>>) target(%arg11 : memref<40x128xf32, #tpu.memory_space<vmem>>) offsets(%dma_start3A_129 : memref<40xi32, #tpu.memory_space<vmem>>) semaphore(%arg16 : memref<!tpu.dma_semaphore, #tpu.memory_space<semaphore_mem>>)
    %dma_start3A_137 = arith.constant 2 : i32
    %dma_start3A_138 = arith.constant 0 : i32
    %dma_start3A_139 = tpu.memref_slice %arg8[%dma_start3A_137, %dma_start3A_138] : memref<250x40xi32, #tpu.memory_space<vmem>> -> memref<1x40xi32, #tpu.memory_space<vmem>>
    %dma_start3A_140 = tpu.memref_squeeze %dma_start3A_139 : memref<1x40xi32, #tpu.memory_space<vmem>> -> memref<40xi32, #tpu.memory_space<vmem>>
    %dma_start3A_141 = arith.constant 0 : i32
    %dma_start3A_142 = arith.constant 0 : i32
    %dma_start3A_143 = tpu.memref_slice %arg9[%dma_start3A_141, %dma_start3A_142] : memref<10000x128xf32, #tpu.memory_space<vmem_shared>> -> memref<10000x128xf32, #tpu.memory_space<vmem_shared>>
    tpu.enqueue_indirect_dma source(%arg12 : memref<40x128xf32, #tpu.memory_space<vmem>>) target(%dma_start3A_143 : memref<10000x128xf32, #tpu.memory_space<vmem_shared>>) offsets(%dma_start3A_140 : memref<40xi32, #tpu.memory_space<vmem>>) semaphore(%arg22 : memref<!tpu.dma_semaphore, #tpu.memory_space<semaphore_mem>>) {add = true}
    %dma_wait3A_144 = arith.constant 3 : i32
    %dma_wait3A_145 = arith.constant 0 : i32
    %dma_wait3A_146 = tpu.memref_slice %arg7[%dma_wait3A_144, %dma_wait3A_145] : memref<250x40xi32, #tpu.memory_space<vmem>> -> memref<1x40xi32, #tpu.memory_space<vmem>>
    %dma_wait3A_147 = tpu.memref_squeeze %dma_wait3A_146 : memref<1x40xi32, #tpu.memory_space<vmem>> -> memref<40xi32, #tpu.memory_space<vmem>>
    %dma_wait3A_148 = arith.constant 0 : i32
    %dma_wait3A_149 = arith.constant 0 : i32
    %dma_wait3A_150 = tpu.memref_slice %arg2[%arg0, %dma_wait3A_148, %dma_wait3A_149] : memref<2x10000x128xf32, #tpu.memory_space<hbm>> -> memref<1x10000x128xf32, #tpu.memory_space<hbm>>
    %dma_wait3A_151 = tpu.memref_squeeze %dma_wait3A_150 : memref<1x10000x128xf32, #tpu.memory_space<hbm>> -> memref<10000x128xf32, #tpu.memory_space<hbm>>
    %dma_wait3A_152 = arith.constant 0 : i32
    %dma_wait3A_153 = arith.constant 0 : i32
    %dma_wait3A_154 = tpu.memref_slice %dma_wait3A_151[%dma_wait3A_152, %dma_wait3A_153] : memref<10000x128xf32, #tpu.memory_space<hbm>> -> memref<10000x128xf32, #tpu.memory_space<hbm>>
    tpu.wait_indirect_dma semaphore(%arg18 : memref<!tpu.dma_semaphore, #tpu.memory_space<semaphore_mem>>) src(%dma_wait3A_154 : memref<10000x128xf32, #tpu.memory_space<hbm>>) dst(%arg13 : memref<40x128xf32, #tpu.memory_space<vmem>>)
    %dma_wait3A_155 = arith.constant 2 : i32
    %dma_wait3A_156 = arith.constant 0 : i32
    %dma_wait3A_157 = tpu.memref_slice %arg8[%dma_wait3A_155, %dma_wait3A_156] : memref<250x40xi32, #tpu.memory_space<vmem>> -> memref<1x40xi32, #tpu.memory_space<vmem>>
    %dma_wait3A_158 = tpu.memref_squeeze %dma_wait3A_157 : memref<1x40xi32, #tpu.memory_space<vmem>> -> memref<40xi32, #tpu.memory_space<vmem>>
    %dma_wait3A_159 = arith.constant 0 : i32
    %dma_wait3A_160 = arith.constant 0 : i32
    %dma_wait3A_161 = tpu.memref_slice %arg9[%dma_wait3A_159, %dma_wait3A_160] : memref<10000x128xf32, #tpu.memory_space<vmem_shared>> -> memref<10000x128xf32, #tpu.memory_space<vmem_shared>>
    tpu.wait_indirect_dma semaphore(%arg22 : memref<!tpu.dma_semaphore, #tpu.memory_space<semaphore_mem>>) src(%arg12 : memref<40x128xf32, #tpu.memory_space<vmem>>) dst(%dma_wait3A_161 : memref<10000x128xf32, #tpu.memory_space<vmem_shared>>)
    %dma_start3A_162 = arith.constant 7 : i32
    %dma_start3A_163 = arith.constant 0 : i32
    %dma_start3A_164 = tpu.memref_slice %arg7[%dma_start3A_162, %dma_start3A_163] : memref<250x40xi32, #tpu.memory_space<vmem>> -> memref<1x40xi32, #tpu.memory_space<vmem>>
    %dma_start3A_165 = tpu.memref_squeeze %dma_start3A_164 : memref<1x40xi32, #tpu.memory_space<vmem>> -> memref<40xi32, #tpu.memory_space<vmem>>
    %dma_start3A_166 = arith.constant 0 : i32
    %dma_start3A_167 = arith.constant 0 : i32
    %dma_start3A_168 = tpu.memref_slice %arg2[%arg0, %dma_start3A_166, %dma_start3A_167] : memref<2x10000x128xf32, #tpu.memory_space<hbm>> -> memref<1x10000x128xf32, #tpu.memory_space<hbm>>
    %dma_start3A_169 = tpu.memref_squeeze %dma_start3A_168 : memref<1x10000x128xf32, #tpu.memory_space<hbm>> -> memref<10000x128xf32, #tpu.memory_space<hbm>>
    %dma_start3A_170 = arith.constant 0 : i32
    %dma_start3A_171 = arith.constant 0 : i32
    %dma_start3A_172 = tpu.memref_slice %dma_start3A_169[%dma_start3A_170, %dma_start3A_171] : memref<10000x128xf32, #tpu.memory_space<hbm>> -> memref<10000x128xf32, #tpu.memory_space<hbm>>
    tpu.enqueue_indirect_dma source(%dma_start3A_172 : memref<10000x128xf32, #tpu.memory_space<hbm>>) target(%arg12 : memref<40x128xf32, #tpu.memory_space<vmem>>) offsets(%dma_start3A_165 : memref<40xi32, #tpu.memory_space<vmem>>) semaphore(%arg17 : memref<!tpu.dma_semaphore, #tpu.memory_space<semaphore_mem>>)
    %dma_start3A_173 = arith.constant 3 : i32
    %dma_start3A_174 = arith.constant 0 : i32
    %dma_start3A_175 = tpu.memref_slice %arg8[%dma_start3A_173, %dma_start3A_174] : memref<250x40xi32, #tpu.memory_space<vmem>> -> memref<1x40xi32, #tpu.memory_space<vmem>>
    %dma_start3A_176 = tpu.memref_squeeze %dma_start3A_175 : memref<1x40xi32, #tpu.memory_space<vmem>> -> memref<40xi32, #tpu.memory_space<vmem>>
    %dma_start3A_177 = arith.constant 0 : i32
    %dma_start3A_178 = arith.constant 0 : i32
    %dma_start3A_179 = tpu.memref_slice %arg9[%dma_start3A_177, %dma_start3A_178] : memref<10000x128xf32, #tpu.memory_space<vmem_shared>> -> memref<10000x128xf32, #tpu.memory_space<vmem_shared>>
    tpu.enqueue_indirect_dma source(%arg13 : memref<40x128xf32, #tpu.memory_space<vmem>>) target(%dma_start3A_179 : memref<10000x128xf32, #tpu.memory_space<vmem_shared>>) offsets(%dma_start3A_176 : memref<40xi32, #tpu.memory_space<vmem>>) semaphore(%arg23 : memref<!tpu.dma_semaphore, #tpu.memory_space<semaphore_mem>>) {add = true}
    %dma_wait3A_180 = arith.constant 4 : i32
    %dma_wait3A_181 = arith.constant 0 : i32
    %dma_wait3A_182 = tpu.memref_slice %arg7[%dma_wait3A_180, %dma_wait3A_181] : memref<250x40xi32, #tpu.memory_space<vmem>> -> memref<1x40xi32, #tpu.memory_space<vmem>>
    %dma_wait3A_183 = tpu.memref_squeeze %dma_wait3A_182 : memref<1x40xi32, #tpu.memory_space<vmem>> -> memref<40xi32, #tpu.memory_space<vmem>>
    %dma_wait3A_184 = arith.constant 0 : i32
    %dma_wait3A_185 = arith.constant 0 : i32
    %dma_wait3A_186 = tpu.memref_slice %arg2[%arg0, %dma_wait3A_184, %dma_wait3A_185] : memref<2x10000x128xf32, #tpu.memory_space<hbm>> -> memref<1x10000x128xf32, #tpu.memory_space<hbm>>
    %dma_wait3A_187 = tpu.memref_squeeze %dma_wait3A_186 : memref<1x10000x128xf32, #tpu.memory_space<hbm>> -> memref<10000x128xf32, #tpu.memory_space<hbm>>
    %dma_wait3A_188 = arith.constant 0 : i32
    %dma_wait3A_189 = arith.constant 0 : i32
    %dma_wait3A_190 = tpu.memref_slice %dma_wait3A_187[%dma_wait3A_188, %dma_wait3A_189] : memref<10000x128xf32, #tpu.memory_space<hbm>> -> memref<10000x128xf32, #tpu.memory_space<hbm>>
    tpu.wait_indirect_dma semaphore(%arg19 : memref<!tpu.dma_semaphore, #tpu.memory_space<semaphore_mem>>) src(%dma_wait3A_190 : memref<10000x128xf32, #tpu.memory_space<hbm>>) dst(%arg14 : memref<40x128xf32, #tpu.memory_space<vmem>>)
    %dma_wait3A_191 = arith.constant 3 : i32
    %dma_wait3A_192 = arith.constant 0 : i32
    %dma_wait3A_193 = tpu.memref_slice %arg8[%dma_wait3A_191, %dma_wait3A_192] : memref<250x40xi32, #tpu.memory_space<vmem>> -> memref<1x40xi32, #tpu.memory_space<vmem>>
    %dma_wait3A_194 = tpu.memref_squeeze %dma_wait3A_193 : memref<1x40xi32, #tpu.memory_space<vmem>> -> memref<40xi32, #tpu.memory_space<vmem>>
    %dma_wait3A_195 = arith.constant 0 : i32
    %dma_wait3A_196 = arith.constant 0 : i32
    %dma_wait3A_197 = tpu.memref_slice %arg9[%dma_wait3A_195, %dma_wait3A_196] : memref<10000x128xf32, #tpu.memory_space<vmem_shared>> -> memref<10000x128xf32, #tpu.memory_space<vmem_shared>>
    tpu.wait_indirect_dma semaphore(%arg23 : memref<!tpu.dma_semaphore, #tpu.memory_space<semaphore_mem>>) src(%arg13 : memref<40x128xf32, #tpu.memory_space<vmem>>) dst(%dma_wait3A_197 : memref<10000x128xf32, #tpu.memory_space<vmem_shared>>)
    %dma_start3A_198 = arith.constant 8 : i32
    %dma_start3A_199 = arith.constant 0 : i32
    %dma_start3A_200 = tpu.memref_slice %arg7[%dma_start3A_198, %dma_start3A_199] : memref<250x40xi32, #tpu.memory_space<vmem>> -> memref<1x40xi32, #tpu.memory_space<vmem>>
    %dma_start3A_201 = tpu.memref_squeeze %dma_start3A_200 : memref<1x40xi32, #tpu.memory_space<vmem>> -> memref<40xi32, #tpu.memory_space<vmem>>
    %dma_start3A_202 = arith.constant 0 : i32
    %dma_start3A_203 = arith.constant 0 : i32
    %dma_start3A_204 = tpu.memref_slice %arg2[%arg0, %dma_start3A_202, %dma_start3A_203] : memref<2x10000x128xf32, #tpu.memory_space<hbm>> -> memref<1x10000x128xf32, #tpu.memory_space<hbm>>
    %dma_start3A_205 = tpu.memref_squeeze %dma_start3A_204 : memref<1x10000x128xf32, #tpu.memory_space<hbm>> -> memref<10000x128xf32, #tpu.memory_space<hbm>>
    %dma_start3A_206 = arith.constant 0 : i32
    %dma_start3A_207 = arith.constant 0 : i32
    %dma_start3A_208 = tpu.memref_slice %dma_start3A_205[%dma_start3A_206, %dma_start3A_207] : memref<10000x128xf32, #tpu.memory_space<hbm>> -> memref<10000x128xf32, #tpu.memory_space<hbm>>
    tpu.enqueue_indirect_dma source(%dma_start3A_208 : memref<10000x128xf32, #tpu.memory_space<hbm>>) target(%arg13 : memref<40x128xf32, #tpu.memory_space<vmem>>) offsets(%dma_start3A_201 : memref<40xi32, #tpu.memory_space<vmem>>) semaphore(%arg18 : memref<!tpu.dma_semaphore, #tpu.memory_space<semaphore_mem>>)
    %dma_start3A_209 = arith.constant 4 : i32
    %dma_start3A_210 = arith.constant 0 : i32
    %dma_start3A_211 = tpu.memref_slice %arg8[%dma_start3A_209, %dma_start3A_210] : memref<250x40xi32, #tpu.memory_space<vmem>> -> memref<1x40xi32, #tpu.memory_space<vmem>>
    %dma_start3A_212 = tpu.memref_squeeze %dma_start3A_211 : memref<1x40xi32, #tpu.memory_space<vmem>> -> memref<40xi32, #tpu.memory_space<vmem>>
    %dma_start3A_213 = arith.constant 0 : i32
    %dma_start3A_214 = arith.constant 0 : i32
    %dma_start3A_215 = tpu.memref_slice %arg9[%dma_start3A_213, %dma_start3A_214] : memref<10000x128xf32, #tpu.memory_space<vmem_shared>> -> memref<10000x128xf32, #tpu.memory_space<vmem_shared>>
    tpu.enqueue_indirect_dma source(%arg14 : memref<40x128xf32, #tpu.memory_space<vmem>>) target(%dma_start3A_215 : memref<10000x128xf32, #tpu.memory_space<vmem_shared>>) offsets(%dma_start3A_212 : memref<40xi32, #tpu.memory_space<vmem>>) semaphore(%arg24 : memref<!tpu.dma_semaphore, #tpu.memory_space<semaphore_mem>>) {add = true}
    %scan3A = arith.constant 0 : i32
    %scan3A_216 = arith.constant 1 : i32
    %scan3A_217 = arith.constant 48 : i32
    %scan3A_218 = arith.addi %scan3A_216, %scan3A_217 : i32
    %scan3A_219 = arith.constant 1 : i32
    scf.for %scan3A_369 = %scan3A_216 to %scan3A_218 step %scan3A_219  : i32 {
      %mul3A_370 = arith.constant 5 : i32
      %mul3A_371 = arith.muli %scan3A_369, %mul3A_370 : i32
      %add3A = arith.constant 0 : i32
      %add3A_372 = arith.addi %mul3A_371, %add3A : i32
      %dma_wait3A_373 = arith.constant 0 : i32
      %dma_wait3A_374 = tpu.memref_slice %arg7[%add3A_372, %dma_wait3A_373] : memref<250x40xi32, #tpu.memory_space<vmem>> -> memref<1x40xi32, #tpu.memory_space<vmem>>
      %dma_wait3A_375 = tpu.memref_squeeze %dma_wait3A_374 : memref<1x40xi32, #tpu.memory_space<vmem>> -> memref<40xi32, #tpu.memory_space<vmem>>
      %dma_wait3A_376 = arith.constant 0 : i32
      %dma_wait3A_377 = arith.constant 0 : i32
      %dma_wait3A_378 = tpu.memref_slice %arg2[%arg0, %dma_wait3A_376, %dma_wait3A_377] : memref<2x10000x128xf32, #tpu.memory_space<hbm>> -> memref<1x10000x128xf32, #tpu.memory_space<hbm>>
      %dma_wait3A_379 = tpu.memref_squeeze %dma_wait3A_378 : memref<1x10000x128xf32, #tpu.memory_space<hbm>> -> memref<10000x128xf32, #tpu.memory_space<hbm>>
      %dma_wait3A_380 = arith.constant 0 : i32
      %dma_wait3A_381 = arith.constant 0 : i32
      %dma_wait3A_382 = tpu.memref_slice %dma_wait3A_379[%dma_wait3A_380, %dma_wait3A_381] : memref<10000x128xf32, #tpu.memory_space<hbm>> -> memref<10000x128xf32, #tpu.memory_space<hbm>>
      tpu.wait_indirect_dma semaphore(%arg15 : memref<!tpu.dma_semaphore, #tpu.memory_space<semaphore_mem>>) src(%dma_wait3A_382 : memref<10000x128xf32, #tpu.memory_space<hbm>>) dst(%arg10 : memref<40x128xf32, #tpu.memory_space<vmem>>)
      %sub3A = arith.constant 1 : i32
      %sub3A_383 = arith.subi %add3A_372, %sub3A : i32
      %dma_wait3A_384 = arith.constant 0 : i32
      %dma_wait3A_385 = tpu.memref_slice %arg8[%sub3A_383, %dma_wait3A_384] : memref<250x40xi32, #tpu.memory_space<vmem>> -> memref<1x40xi32, #tpu.memory_space<vmem>>
      %dma_wait3A_386 = tpu.memref_squeeze %dma_wait3A_385 : memref<1x40xi32, #tpu.memory_space<vmem>> -> memref<40xi32, #tpu.memory_space<vmem>>
      %dma_wait3A_387 = arith.constant 0 : i32
      %dma_wait3A_388 = arith.constant 0 : i32
      %dma_wait3A_389 = tpu.memref_slice %arg9[%dma_wait3A_387, %dma_wait3A_388] : memref<10000x128xf32, #tpu.memory_space<vmem_shared>> -> memref<10000x128xf32, #tpu.memory_space<vmem_shared>>
      tpu.wait_indirect_dma semaphore(%arg24 : memref<!tpu.dma_semaphore, #tpu.memory_space<semaphore_mem>>) src(%arg14 : memref<40x128xf32, #tpu.memory_space<vmem>>) dst(%dma_wait3A_389 : memref<10000x128xf32, #tpu.memory_space<vmem_shared>>)
      %add3A_390 = arith.constant 4 : i32
      %add3A_391 = arith.addi %add3A_372, %add3A_390 : i32
      %dma_start3A_392 = arith.constant 0 : i32
      %dma_start3A_393 = tpu.memref_slice %arg7[%add3A_391, %dma_start3A_392] : memref<250x40xi32, #tpu.memory_space<vmem>> -> memref<1x40xi32, #tpu.memory_space<vmem>>
      %dma_start3A_394 = tpu.memref_squeeze %dma_start3A_393 : memref<1x40xi32, #tpu.memory_space<vmem>> -> memref<40xi32, #tpu.memory_space<vmem>>
      %dma_start3A_395 = arith.constant 0 : i32
      %dma_start3A_396 = arith.constant 0 : i32
      %dma_start3A_397 = tpu.memref_slice %arg2[%arg0, %dma_start3A_395, %dma_start3A_396] : memref<2x10000x128xf32, #tpu.memory_space<hbm>> -> memref<1x10000x128xf32, #tpu.memory_space<hbm>>
      %dma_start3A_398 = tpu.memref_squeeze %dma_start3A_397 : memref<1x10000x128xf32, #tpu.memory_space<hbm>> -> memref<10000x128xf32, #tpu.memory_space<hbm>>
      %dma_start3A_399 = arith.constant 0 : i32
      %dma_start3A_400 = arith.constant 0 : i32
      %dma_start3A_401 = tpu.memref_slice %dma_start3A_398[%dma_start3A_399, %dma_start3A_400] : memref<10000x128xf32, #tpu.memory_space<hbm>> -> memref<10000x128xf32, #tpu.memory_space<hbm>>
      tpu.enqueue_indirect_dma source(%dma_start3A_401 : memref<10000x128xf32, #tpu.memory_space<hbm>>) target(%arg14 : memref<40x128xf32, #tpu.memory_space<vmem>>) offsets(%dma_start3A_394 : memref<40xi32, #tpu.memory_space<vmem>>) semaphore(%arg19 : memref<!tpu.dma_semaphore, #tpu.memory_space<semaphore_mem>>)
      %dma_start3A_402 = arith.constant 0 : i32
      %dma_start3A_403 = tpu.memref_slice %arg8[%add3A_372, %dma_start3A_402] : memref<250x40xi32, #tpu.memory_space<vmem>> -> memref<1x40xi32, #tpu.memory_space<vmem>>
      %dma_start3A_404 = tpu.memref_squeeze %dma_start3A_403 : memref<1x40xi32, #tpu.memory_space<vmem>> -> memref<40xi32, #tpu.memory_space<vmem>>
      %dma_start3A_405 = arith.constant 0 : i32
      %dma_start3A_406 = arith.constant 0 : i32
      %dma_start3A_407 = tpu.memref_slice %arg9[%dma_start3A_405, %dma_start3A_406] : memref<10000x128xf32, #tpu.memory_space<vmem_shared>> -> memref<10000x128xf32, #tpu.memory_space<vmem_shared>>
      tpu.enqueue_indirect_dma source(%arg10 : memref<40x128xf32, #tpu.memory_space<vmem>>) target(%dma_start3A_407 : memref<10000x128xf32, #tpu.memory_space<vmem_shared>>) offsets(%dma_start3A_404 : memref<40xi32, #tpu.memory_space<vmem>>) semaphore(%arg20 : memref<!tpu.dma_semaphore, #tpu.memory_space<semaphore_mem>>) {add = true}
      %mul3A_408 = arith.constant 5 : i32
      %mul3A_409 = arith.muli %scan3A_369, %mul3A_408 : i32
      %add3A_410 = arith.constant 1 : i32
      %add3A_411 = arith.addi %mul3A_409, %add3A_410 : i32
      %dma_wait3A_412 = arith.constant 0 : i32
      %dma_wait3A_413 = tpu.memref_slice %arg7[%add3A_411, %dma_wait3A_412] : memref<250x40xi32, #tpu.memory_space<vmem>> -> memref<1x40xi32, #tpu.memory_space<vmem>>
      %dma_wait3A_414 = tpu.memref_squeeze %dma_wait3A_413 : memref<1x40xi32, #tpu.memory_space<vmem>> -> memref<40xi32, #tpu.memory_space<vmem>>
      %dma_wait3A_415 = arith.constant 0 : i32
      %dma_wait3A_416 = arith.constant 0 : i32
      %dma_wait3A_417 = tpu.memref_slice %arg2[%arg0, %dma_wait3A_415, %dma_wait3A_416] : memref<2x10000x128xf32, #tpu.memory_space<hbm>> -> memref<1x10000x128xf32, #tpu.memory_space<hbm>>
      %dma_wait3A_418 = tpu.memref_squeeze %dma_wait3A_417 : memref<1x10000x128xf32, #tpu.memory_space<hbm>> -> memref<10000x128xf32, #tpu.memory_space<hbm>>
      %dma_wait3A_419 = arith.constant 0 : i32
      %dma_wait3A_420 = arith.constant 0 : i32
      %dma_wait3A_421 = tpu.memref_slice %dma_wait3A_418[%dma_wait3A_419, %dma_wait3A_420] : memref<10000x128xf32, #tpu.memory_space<hbm>> -> memref<10000x128xf32, #tpu.memory_space<hbm>>
      tpu.wait_indirect_dma semaphore(%arg16 : memref<!tpu.dma_semaphore, #tpu.memory_space<semaphore_mem>>) src(%dma_wait3A_421 : memref<10000x128xf32, #tpu.memory_space<hbm>>) dst(%arg11 : memref<40x128xf32, #tpu.memory_space<vmem>>)
      %sub3A_422 = arith.constant 1 : i32
      %sub3A_423 = arith.subi %add3A_411, %sub3A_422 : i32
      %dma_wait3A_424 = arith.constant 0 : i32
      %dma_wait3A_425 = tpu.memref_slice %arg8[%sub3A_423, %dma_wait3A_424] : memref<250x40xi32, #tpu.memory_space<vmem>> -> memref<1x40xi32, #tpu.memory_space<vmem>>
      %dma_wait3A_426 = tpu.memref_squeeze %dma_wait3A_425 : memref<1x40xi32, #tpu.memory_space<vmem>> -> memref<40xi32, #tpu.memory_space<vmem>>
      %dma_wait3A_427 = arith.constant 0 : i32
      %dma_wait3A_428 = arith.constant 0 : i32
      %dma_wait3A_429 = tpu.memref_slice %arg9[%dma_wait3A_427, %dma_wait3A_428] : memref<10000x128xf32, #tpu.memory_space<vmem_shared>> -> memref<10000x128xf32, #tpu.memory_space<vmem_shared>>
      tpu.wait_indirect_dma semaphore(%arg20 : memref<!tpu.dma_semaphore, #tpu.memory_space<semaphore_mem>>) src(%arg10 : memref<40x128xf32, #tpu.memory_space<vmem>>) dst(%dma_wait3A_429 : memref<10000x128xf32, #tpu.memory_space<vmem_shared>>)
      %add3A_430 = arith.constant 4 : i32
      %add3A_431 = arith.addi %add3A_411, %add3A_430 : i32
      %dma_start3A_432 = arith.constant 0 : i32
      %dma_start3A_433 = tpu.memref_slice %arg7[%add3A_431, %dma_start3A_432] : memref<250x40xi32, #tpu.memory_space<vmem>> -> memref<1x40xi32, #tpu.memory_space<vmem>>
      %dma_start3A_434 = tpu.memref_squeeze %dma_start3A_433 : memref<1x40xi32, #tpu.memory_space<vmem>> -> memref<40xi32, #tpu.memory_space<vmem>>
      %dma_start3A_435 = arith.constant 0 : i32
      %dma_start3A_436 = arith.constant 0 : i32
      %dma_start3A_437 = tpu.memref_slice %arg2[%arg0, %dma_start3A_435, %dma_start3A_436] : memref<2x10000x128xf32, #tpu.memory_space<hbm>> -> memref<1x10000x128xf32, #tpu.memory_space<hbm>>
      %dma_start3A_438 = tpu.memref_squeeze %dma_start3A_437 : memref<1x10000x128xf32, #tpu.memory_space<hbm>> -> memref<10000x128xf32, #tpu.memory_space<hbm>>
      %dma_start3A_439 = arith.constant 0 : i32
      %dma_start3A_440 = arith.constant 0 : i32
      %dma_start3A_441 = tpu.memref_slice %dma_start3A_438[%dma_start3A_439, %dma_start3A_440] : memref<10000x128xf32, #tpu.memory_space<hbm>> -> memref<10000x128xf32, #tpu.memory_space<hbm>>
      tpu.enqueue_indirect_dma source(%dma_start3A_441 : memref<10000x128xf32, #tpu.memory_space<hbm>>) target(%arg10 : memref<40x128xf32, #tpu.memory_space<vmem>>) offsets(%dma_start3A_434 : memref<40xi32, #tpu.memory_space<vmem>>) semaphore(%arg15 : memref<!tpu.dma_semaphore, #tpu.memory_space<semaphore_mem>>)
      %dma_start3A_442 = arith.constant 0 : i32
      %dma_start3A_443 = tpu.memref_slice %arg8[%add3A_411, %dma_start3A_442] : memref<250x40xi32, #tpu.memory_space<vmem>> -> memref<1x40xi32, #tpu.memory_space<vmem>>
      %dma_start3A_444 = tpu.memref_squeeze %dma_start3A_443 : memref<1x40xi32, #tpu.memory_space<vmem>> -> memref<40xi32, #tpu.memory_space<vmem>>
      %dma_start3A_445 = arith.constant 0 : i32
      %dma_start3A_446 = arith.constant 0 : i32
      %dma_start3A_447 = tpu.memref_slice %arg9[%dma_start3A_445, %dma_start3A_446] : memref<10000x128xf32, #tpu.memory_space<vmem_shared>> -> memref<10000x128xf32, #tpu.memory_space<vmem_shared>>
      tpu.enqueue_indirect_dma source(%arg11 : memref<40x128xf32, #tpu.memory_space<vmem>>) target(%dma_start3A_447 : memref<10000x128xf32, #tpu.memory_space<vmem_shared>>) offsets(%dma_start3A_444 : memref<40xi32, #tpu.memory_space<vmem>>) semaphore(%arg21 : memref<!tpu.dma_semaphore, #tpu.memory_space<semaphore_mem>>) {add = true}
      %mul3A_448 = arith.constant 5 : i32
      %mul3A_449 = arith.muli %scan3A_369, %mul3A_448 : i32
      %add3A_450 = arith.constant 2 : i32
      %add3A_451 = arith.addi %mul3A_449, %add3A_450 : i32
      %dma_wait3A_452 = arith.constant 0 : i32
      %dma_wait3A_453 = tpu.memref_slice %arg7[%add3A_451, %dma_wait3A_452] : memref<250x40xi32, #tpu.memory_space<vmem>> -> memref<1x40xi32, #tpu.memory_space<vmem>>
      %dma_wait3A_454 = tpu.memref_squeeze %dma_wait3A_453 : memref<1x40xi32, #tpu.memory_space<vmem>> -> memref<40xi32, #tpu.memory_space<vmem>>
      %dma_wait3A_455 = arith.constant 0 : i32
      %dma_wait3A_456 = arith.constant 0 : i32
      %dma_wait3A_457 = tpu.memref_slice %arg2[%arg0, %dma_wait3A_455, %dma_wait3A_456] : memref<2x10000x128xf32, #tpu.memory_space<hbm>> -> memref<1x10000x128xf32, #tpu.memory_space<hbm>>
      %dma_wait3A_458 = tpu.memref_squeeze %dma_wait3A_457 : memref<1x10000x128xf32, #tpu.memory_space<hbm>> -> memref<10000x128xf32, #tpu.memory_space<hbm>>
      %dma_wait3A_459 = arith.constant 0 : i32
      %dma_wait3A_460 = arith.constant 0 : i32
      %dma_wait3A_461 = tpu.memref_slice %dma_wait3A_458[%dma_wait3A_459, %dma_wait3A_460] : memref<10000x128xf32, #tpu.memory_space<hbm>> -> memref<10000x128xf32, #tpu.memory_space<hbm>>
      tpu.wait_indirect_dma semaphore(%arg17 : memref<!tpu.dma_semaphore, #tpu.memory_space<semaphore_mem>>) src(%dma_wait3A_461 : memref<10000x128xf32, #tpu.memory_space<hbm>>) dst(%arg12 : memref<40x128xf32, #tpu.memory_space<vmem>>)
      %sub3A_462 = arith.constant 1 : i32
      %sub3A_463 = arith.subi %add3A_451, %sub3A_462 : i32
      %dma_wait3A_464 = arith.constant 0 : i32
      %dma_wait3A_465 = tpu.memref_slice %arg8[%sub3A_463, %dma_wait3A_464] : memref<250x40xi32, #tpu.memory_space<vmem>> -> memref<1x40xi32, #tpu.memory_space<vmem>>
      %dma_wait3A_466 = tpu.memref_squeeze %dma_wait3A_465 : memref<1x40xi32, #tpu.memory_space<vmem>> -> memref<40xi32, #tpu.memory_space<vmem>>
      %dma_wait3A_467 = arith.constant 0 : i32
      %dma_wait3A_468 = arith.constant 0 : i32
      %dma_wait3A_469 = tpu.memref_slice %arg9[%dma_wait3A_467, %dma_wait3A_468] : memref<10000x128xf32, #tpu.memory_space<vmem_shared>> -> memref<10000x128xf32, #tpu.memory_space<vmem_shared>>
      tpu.wait_indirect_dma semaphore(%arg21 : memref<!tpu.dma_semaphore, #tpu.memory_space<semaphore_mem>>) src(%arg11 : memref<40x128xf32, #tpu.memory_space<vmem>>) dst(%dma_wait3A_469 : memref<10000x128xf32, #tpu.memory_space<vmem_shared>>)
      %add3A_470 = arith.constant 4 : i32
      %add3A_471 = arith.addi %add3A_451, %add3A_470 : i32
      %dma_start3A_472 = arith.constant 0 : i32
      %dma_start3A_473 = tpu.memref_slice %arg7[%add3A_471, %dma_start3A_472] : memref<250x40xi32, #tpu.memory_space<vmem>> -> memref<1x40xi32, #tpu.memory_space<vmem>>
      %dma_start3A_474 = tpu.memref_squeeze %dma_start3A_473 : memref<1x40xi32, #tpu.memory_space<vmem>> -> memref<40xi32, #tpu.memory_space<vmem>>
      %dma_start3A_475 = arith.constant 0 : i32
      %dma_start3A_476 = arith.constant 0 : i32
      %dma_start3A_477 = tpu.memref_slice %arg2[%arg0, %dma_start3A_475, %dma_start3A_476] : memref<2x10000x128xf32, #tpu.memory_space<hbm>> -> memref<1x10000x128xf32, #tpu.memory_space<hbm>>
      %dma_start3A_478 = tpu.memref_squeeze %dma_start3A_477 : memref<1x10000x128xf32, #tpu.memory_space<hbm>> -> memref<10000x128xf32, #tpu.memory_space<hbm>>
      %dma_start3A_479 = arith.constant 0 : i32
      %dma_start3A_480 = arith.constant 0 : i32
      %dma_start3A_481 = tpu.memref_slice %dma_start3A_478[%dma_start3A_479, %dma_start3A_480] : memref<10000x128xf32, #tpu.memory_space<hbm>> -> memref<10000x128xf32, #tpu.memory_space<hbm>>
      tpu.enqueue_indirect_dma source(%dma_start3A_481 : memref<10000x128xf32, #tpu.memory_space<hbm>>) target(%arg11 : memref<40x128xf32, #tpu.memory_space<vmem>>) offsets(%dma_start3A_474 : memref<40xi32, #tpu.memory_space<vmem>>) semaphore(%arg16 : memref<!tpu.dma_semaphore, #tpu.memory_space<semaphore_mem>>)
      %dma_start3A_482 = arith.constant 0 : i32
      %dma_start3A_483 = tpu.memref_slice %arg8[%add3A_451, %dma_start3A_482] : memref<250x40xi32, #tpu.memory_space<vmem>> -> memref<1x40xi32, #tpu.memory_space<vmem>>
      %dma_start3A_484 = tpu.memref_squeeze %dma_start3A_483 : memref<1x40xi32, #tpu.memory_space<vmem>> -> memref<40xi32, #tpu.memory_space<vmem>>
      %dma_start3A_485 = arith.constant 0 : i32
      %dma_start3A_486 = arith.constant 0 : i32
      %dma_start3A_487 = tpu.memref_slice %arg9[%dma_start3A_485, %dma_start3A_486] : memref<10000x128xf32, #tpu.memory_space<vmem_shared>> -> memref<10000x128xf32, #tpu.memory_space<vmem_shared>>
      tpu.enqueue_indirect_dma source(%arg12 : memref<40x128xf32, #tpu.memory_space<vmem>>) target(%dma_start3A_487 : memref<10000x128xf32, #tpu.memory_space<vmem_shared>>) offsets(%dma_start3A_484 : memref<40xi32, #tpu.memory_space<vmem>>) semaphore(%arg22 : memref<!tpu.dma_semaphore, #tpu.memory_space<semaphore_mem>>) {add = true}
      %mul3A_488 = arith.constant 5 : i32
      %mul3A_489 = arith.muli %scan3A_369, %mul3A_488 : i32
      %add3A_490 = arith.constant 3 : i32
      %add3A_491 = arith.addi %mul3A_489, %add3A_490 : i32
      %dma_wait3A_492 = arith.constant 0 : i32
      %dma_wait3A_493 = tpu.memref_slice %arg7[%add3A_491, %dma_wait3A_492] : memref<250x40xi32, #tpu.memory_space<vmem>> -> memref<1x40xi32, #tpu.memory_space<vmem>>
      %dma_wait3A_494 = tpu.memref_squeeze %dma_wait3A_493 : memref<1x40xi32, #tpu.memory_space<vmem>> -> memref<40xi32, #tpu.memory_space<vmem>>
      %dma_wait3A_495 = arith.constant 0 : i32
      %dma_wait3A_496 = arith.constant 0 : i32
      %dma_wait3A_497 = tpu.memref_slice %arg2[%arg0, %dma_wait3A_495, %dma_wait3A_496] : memref<2x10000x128xf32, #tpu.memory_space<hbm>> -> memref<1x10000x128xf32, #tpu.memory_space<hbm>>
      %dma_wait3A_498 = tpu.memref_squeeze %dma_wait3A_497 : memref<1x10000x128xf32, #tpu.memory_space<hbm>> -> memref<10000x128xf32, #tpu.memory_space<hbm>>
      %dma_wait3A_499 = arith.constant 0 : i32
      %dma_wait3A_500 = arith.constant 0 : i32
      %dma_wait3A_501 = tpu.memref_slice %dma_wait3A_498[%dma_wait3A_499, %dma_wait3A_500] : memref<10000x128xf32, #tpu.memory_space<hbm>> -> memref<10000x128xf32, #tpu.memory_space<hbm>>
      tpu.wait_indirect_dma semaphore(%arg18 : memref<!tpu.dma_semaphore, #tpu.memory_space<semaphore_mem>>) src(%dma_wait3A_501 : memref<10000x128xf32, #tpu.memory_space<hbm>>) dst(%arg13 : memref<40x128xf32, #tpu.memory_space<vmem>>)
      %sub3A_502 = arith.constant 1 : i32
      %sub3A_503 = arith.subi %add3A_491, %sub3A_502 : i32
      %dma_wait3A_504 = arith.constant 0 : i32
      %dma_wait3A_505 = tpu.memref_slice %arg8[%sub3A_503, %dma_wait3A_504] : memref<250x40xi32, #tpu.memory_space<vmem>> -> memref<1x40xi32, #tpu.memory_space<vmem>>
      %dma_wait3A_506 = tpu.memref_squeeze %dma_wait3A_505 : memref<1x40xi32, #tpu.memory_space<vmem>> -> memref<40xi32, #tpu.memory_space<vmem>>
      %dma_wait3A_507 = arith.constant 0 : i32
      %dma_wait3A_508 = arith.constant 0 : i32
      %dma_wait3A_509 = tpu.memref_slice %arg9[%dma_wait3A_507, %dma_wait3A_508] : memref<10000x128xf32, #tpu.memory_space<vmem_shared>> -> memref<10000x128xf32, #tpu.memory_space<vmem_shared>>
      tpu.wait_indirect_dma semaphore(%arg22 : memref<!tpu.dma_semaphore, #tpu.memory_space<semaphore_mem>>) src(%arg12 : memref<40x128xf32, #tpu.memory_space<vmem>>) dst(%dma_wait3A_509 : memref<10000x128xf32, #tpu.memory_space<vmem_shared>>)
      %add3A_510 = arith.constant 4 : i32
      %add3A_511 = arith.addi %add3A_491, %add3A_510 : i32
      %dma_start3A_512 = arith.constant 0 : i32
      %dma_start3A_513 = tpu.memref_slice %arg7[%add3A_511, %dma_start3A_512] : memref<250x40xi32, #tpu.memory_space<vmem>> -> memref<1x40xi32, #tpu.memory_space<vmem>>
      %dma_start3A_514 = tpu.memref_squeeze %dma_start3A_513 : memref<1x40xi32, #tpu.memory_space<vmem>> -> memref<40xi32, #tpu.memory_space<vmem>>
      %dma_start3A_515 = arith.constant 0 : i32
      %dma_start3A_516 = arith.constant 0 : i32
      %dma_start3A_517 = tpu.memref_slice %arg2[%arg0, %dma_start3A_515, %dma_start3A_516] : memref<2x10000x128xf32, #tpu.memory_space<hbm>> -> memref<1x10000x128xf32, #tpu.memory_space<hbm>>
      %dma_start3A_518 = tpu.memref_squeeze %dma_start3A_517 : memref<1x10000x128xf32, #tpu.memory_space<hbm>> -> memref<10000x128xf32, #tpu.memory_space<hbm>>
      %dma_start3A_519 = arith.constant 0 : i32
      %dma_start3A_520 = arith.constant 0 : i32
      %dma_start3A_521 = tpu.memref_slice %dma_start3A_518[%dma_start3A_519, %dma_start3A_520] : memref<10000x128xf32, #tpu.memory_space<hbm>> -> memref<10000x128xf32, #tpu.memory_space<hbm>>
      tpu.enqueue_indirect_dma source(%dma_start3A_521 : memref<10000x128xf32, #tpu.memory_space<hbm>>) target(%arg12 : memref<40x128xf32, #tpu.memory_space<vmem>>) offsets(%dma_start3A_514 : memref<40xi32, #tpu.memory_space<vmem>>) semaphore(%arg17 : memref<!tpu.dma_semaphore, #tpu.memory_space<semaphore_mem>>)
      %dma_start3A_522 = arith.constant 0 : i32
      %dma_start3A_523 = tpu.memref_slice %arg8[%add3A_491, %dma_start3A_522] : memref<250x40xi32, #tpu.memory_space<vmem>> -> memref<1x40xi32, #tpu.memory_space<vmem>>
      %dma_start3A_524 = tpu.memref_squeeze %dma_start3A_523 : memref<1x40xi32, #tpu.memory_space<vmem>> -> memref<40xi32, #tpu.memory_space<vmem>>
      %dma_start3A_525 = arith.constant 0 : i32
      %dma_start3A_526 = arith.constant 0 : i32
      %dma_start3A_527 = tpu.memref_slice %arg9[%dma_start3A_525, %dma_start3A_526] : memref<10000x128xf32, #tpu.memory_space<vmem_shared>> -> memref<10000x128xf32, #tpu.memory_space<vmem_shared>>
      tpu.enqueue_indirect_dma source(%arg13 : memref<40x128xf32, #tpu.memory_space<vmem>>) target(%dma_start3A_527 : memref<10000x128xf32, #tpu.memory_space<vmem_shared>>) offsets(%dma_start3A_524 : memref<40xi32, #tpu.memory_space<vmem>>) semaphore(%arg23 : memref<!tpu.dma_semaphore, #tpu.memory_space<semaphore_mem>>) {add = true}
      %mul3A_528 = arith.constant 5 : i32
      %mul3A_529 = arith.muli %scan3A_369, %mul3A_528 : i32
      %add3A_530 = arith.constant 4 : i32
      %add3A_531 = arith.addi %mul3A_529, %add3A_530 : i32
      %dma_wait3A_532 = arith.constant 0 : i32
      %dma_wait3A_533 = tpu.memref_slice %arg7[%add3A_531, %dma_wait3A_532] : memref<250x40xi32, #tpu.memory_space<vmem>> -> memref<1x40xi32, #tpu.memory_space<vmem>>
      %dma_wait3A_534 = tpu.memref_squeeze %dma_wait3A_533 : memref<1x40xi32, #tpu.memory_space<vmem>> -> memref<40xi32, #tpu.memory_space<vmem>>
      %dma_wait3A_535 = arith.constant 0 : i32
      %dma_wait3A_536 = arith.constant 0 : i32
      %dma_wait3A_537 = tpu.memref_slice %arg2[%arg0, %dma_wait3A_535, %dma_wait3A_536] : memref<2x10000x128xf32, #tpu.memory_space<hbm>> -> memref<1x10000x128xf32, #tpu.memory_space<hbm>>
      %dma_wait3A_538 = tpu.memref_squeeze %dma_wait3A_537 : memref<1x10000x128xf32, #tpu.memory_space<hbm>> -> memref<10000x128xf32, #tpu.memory_space<hbm>>
      %dma_wait3A_539 = arith.constant 0 : i32
      %dma_wait3A_540 = arith.constant 0 : i32
      %dma_wait3A_541 = tpu.memref_slice %dma_wait3A_538[%dma_wait3A_539, %dma_wait3A_540] : memref<10000x128xf32, #tpu.memory_space<hbm>> -> memref<10000x128xf32, #tpu.memory_space<hbm>>
      tpu.wait_indirect_dma semaphore(%arg19 : memref<!tpu.dma_semaphore, #tpu.memory_space<semaphore_mem>>) src(%dma_wait3A_541 : memref<10000x128xf32, #tpu.memory_space<hbm>>) dst(%arg14 : memref<40x128xf32, #tpu.memory_space<vmem>>)
      %sub3A_542 = arith.constant 1 : i32
      %sub3A_543 = arith.subi %add3A_531, %sub3A_542 : i32
      %dma_wait3A_544 = arith.constant 0 : i32
      %dma_wait3A_545 = tpu.memref_slice %arg8[%sub3A_543, %dma_wait3A_544] : memref<250x40xi32, #tpu.memory_space<vmem>> -> memref<1x40xi32, #tpu.memory_space<vmem>>
      %dma_wait3A_546 = tpu.memref_squeeze %dma_wait3A_545 : memref<1x40xi32, #tpu.memory_space<vmem>> -> memref<40xi32, #tpu.memory_space<vmem>>
      %dma_wait3A_547 = arith.constant 0 : i32
      %dma_wait3A_548 = arith.constant 0 : i32
      %dma_wait3A_549 = tpu.memref_slice %arg9[%dma_wait3A_547, %dma_wait3A_548] : memref<10000x128xf32, #tpu.memory_space<vmem_shared>> -> memref<10000x128xf32, #tpu.memory_space<vmem_shared>>
      tpu.wait_indirect_dma semaphore(%arg23 : memref<!tpu.dma_semaphore, #tpu.memory_space<semaphore_mem>>) src(%arg13 : memref<40x128xf32, #tpu.memory_space<vmem>>) dst(%dma_wait3A_549 : memref<10000x128xf32, #tpu.memory_space<vmem_shared>>)
      %add3A_550 = arith.constant 4 : i32
      %add3A_551 = arith.addi %add3A_531, %add3A_550 : i32
      %dma_start3A_552 = arith.constant 0 : i32
      %dma_start3A_553 = tpu.memref_slice %arg7[%add3A_551, %dma_start3A_552] : memref<250x40xi32, #tpu.memory_space<vmem>> -> memref<1x40xi32, #tpu.memory_space<vmem>>
      %dma_start3A_554 = tpu.memref_squeeze %dma_start3A_553 : memref<1x40xi32, #tpu.memory_space<vmem>> -> memref<40xi32, #tpu.memory_space<vmem>>
      %dma_start3A_555 = arith.constant 0 : i32
      %dma_start3A_556 = arith.constant 0 : i32
      %dma_start3A_557 = tpu.memref_slice %arg2[%arg0, %dma_start3A_555, %dma_start3A_556] : memref<2x10000x128xf32, #tpu.memory_space<hbm>> -> memref<1x10000x128xf32, #tpu.memory_space<hbm>>
      %dma_start3A_558 = tpu.memref_squeeze %dma_start3A_557 : memref<1x10000x128xf32, #tpu.memory_space<hbm>> -> memref<10000x128xf32, #tpu.memory_space<hbm>>
      %dma_start3A_559 = arith.constant 0 : i32
      %dma_start3A_560 = arith.constant 0 : i32
      %dma_start3A_561 = tpu.memref_slice %dma_start3A_558[%dma_start3A_559, %dma_start3A_560] : memref<10000x128xf32, #tpu.memory_space<hbm>> -> memref<10000x128xf32, #tpu.memory_space<hbm>>
      tpu.enqueue_indirect_dma source(%dma_start3A_561 : memref<10000x128xf32, #tpu.memory_space<hbm>>) target(%arg13 : memref<40x128xf32, #tpu.memory_space<vmem>>) offsets(%dma_start3A_554 : memref<40xi32, #tpu.memory_space<vmem>>) semaphore(%arg18 : memref<!tpu.dma_semaphore, #tpu.memory_space<semaphore_mem>>)
      %dma_start3A_562 = arith.constant 0 : i32
      %dma_start3A_563 = tpu.memref_slice %arg8[%add3A_531, %dma_start3A_562] : memref<250x40xi32, #tpu.memory_space<vmem>> -> memref<1x40xi32, #tpu.memory_space<vmem>>
      %dma_start3A_564 = tpu.memref_squeeze %dma_start3A_563 : memref<1x40xi32, #tpu.memory_space<vmem>> -> memref<40xi32, #tpu.memory_space<vmem>>
      %dma_start3A_565 = arith.constant 0 : i32
      %dma_start3A_566 = arith.constant 0 : i32
      %dma_start3A_567 = tpu.memref_slice %arg9[%dma_start3A_565, %dma_start3A_566] : memref<10000x128xf32, #tpu.memory_space<vmem_shared>> -> memref<10000x128xf32, #tpu.memory_space<vmem_shared>>
      tpu.enqueue_indirect_dma source(%arg14 : memref<40x128xf32, #tpu.memory_space<vmem>>) target(%dma_start3A_567 : memref<10000x128xf32, #tpu.memory_space<vmem_shared>>) offsets(%dma_start3A_564 : memref<40xi32, #tpu.memory_space<vmem>>) semaphore(%arg24 : memref<!tpu.dma_semaphore, #tpu.memory_space<semaphore_mem>>) {add = true}
    }
    %scan3A_220 = arith.constant 48 : i32
    %dma_wait3A_221 = arith.constant 245 : i32
    %dma_wait3A_222 = arith.constant 0 : i32
    %dma_wait3A_223 = tpu.memref_slice %arg7[%dma_wait3A_221, %dma_wait3A_222] : memref<250x40xi32, #tpu.memory_space<vmem>> -> memref<1x40xi32, #tpu.memory_space<vmem>>
    %dma_wait3A_224 = tpu.memref_squeeze %dma_wait3A_223 : memref<1x40xi32, #tpu.memory_space<vmem>> -> memref<40xi32, #tpu.memory_space<vmem>>
    %dma_wait3A_225 = arith.constant 0 : i32
    %dma_wait3A_226 = arith.constant 0 : i32
    %dma_wait3A_227 = tpu.memref_slice %arg2[%arg0, %dma_wait3A_225, %dma_wait3A_226] : memref<2x10000x128xf32, #tpu.memory_space<hbm>> -> memref<1x10000x128xf32, #tpu.memory_space<hbm>>
    %dma_wait3A_228 = tpu.memref_squeeze %dma_wait3A_227 : memref<1x10000x128xf32, #tpu.memory_space<hbm>> -> memref<10000x128xf32, #tpu.memory_space<hbm>>
    %dma_wait3A_229 = arith.constant 0 : i32
    %dma_wait3A_230 = arith.constant 0 : i32
    %dma_wait3A_231 = tpu.memref_slice %dma_wait3A_228[%dma_wait3A_229, %dma_wait3A_230] : memref<10000x128xf32, #tpu.memory_space<hbm>> -> memref<10000x128xf32, #tpu.memory_space<hbm>>
    tpu.wait_indirect_dma semaphore(%arg15 : memref<!tpu.dma_semaphore, #tpu.memory_space<semaphore_mem>>) src(%dma_wait3A_231 : memref<10000x128xf32, #tpu.memory_space<hbm>>) dst(%arg10 : memref<40x128xf32, #tpu.memory_space<vmem>>)
    %dma_wait3A_232 = arith.constant 244 : i32
    %dma_wait3A_233 = arith.constant 0 : i32
    %dma_wait3A_234 = tpu.memref_slice %arg8[%dma_wait3A_232, %dma_wait3A_233] : memref<250x40xi32, #tpu.memory_space<vmem>> -> memref<1x40xi32, #tpu.memory_space<vmem>>
    %dma_wait3A_235 = tpu.memref_squeeze %dma_wait3A_234 : memref<1x40xi32, #tpu.memory_space<vmem>> -> memref<40xi32, #tpu.memory_space<vmem>>
    %dma_wait3A_236 = arith.constant 0 : i32
    %dma_wait3A_237 = arith.constant 0 : i32
    %dma_wait3A_238 = tpu.memref_slice %arg9[%dma_wait3A_236, %dma_wait3A_237] : memref<10000x128xf32, #tpu.memory_space<vmem_shared>> -> memref<10000x128xf32, #tpu.memory_space<vmem_shared>>
    tpu.wait_indirect_dma semaphore(%arg24 : memref<!tpu.dma_semaphore, #tpu.memory_space<semaphore_mem>>) src(%arg14 : memref<40x128xf32, #tpu.memory_space<vmem>>) dst(%dma_wait3A_238 : memref<10000x128xf32, #tpu.memory_space<vmem_shared>>)
    %dma_start3A_239 = arith.constant 249 : i32
    %dma_start3A_240 = arith.constant 0 : i32
    %dma_start3A_241 = tpu.memref_slice %arg7[%dma_start3A_239, %dma_start3A_240] : memref<250x40xi32, #tpu.memory_space<vmem>> -> memref<1x40xi32, #tpu.memory_space<vmem>>
    %dma_start3A_242 = tpu.memref_squeeze %dma_start3A_241 : memref<1x40xi32, #tpu.memory_space<vmem>> -> memref<40xi32, #tpu.memory_space<vmem>>
    %dma_start3A_243 = arith.constant 0 : i32
    %dma_start3A_244 = arith.constant 0 : i32
    %dma_start3A_245 = tpu.memref_slice %arg2[%arg0, %dma_start3A_243, %dma_start3A_244] : memref<2x10000x128xf32, #tpu.memory_space<hbm>> -> memref<1x10000x128xf32, #tpu.memory_space<hbm>>
    %dma_start3A_246 = tpu.memref_squeeze %dma_start3A_245 : memref<1x10000x128xf32, #tpu.memory_space<hbm>> -> memref<10000x128xf32, #tpu.memory_space<hbm>>
    %dma_start3A_247 = arith.constant 0 : i32
    %dma_start3A_248 = arith.constant 0 : i32
    %dma_start3A_249 = tpu.memref_slice %dma_start3A_246[%dma_start3A_247, %dma_start3A_248] : memref<10000x128xf32, #tpu.memory_space<hbm>> -> memref<10000x128xf32, #tpu.memory_space<hbm>>
    tpu.enqueue_indirect_dma source(%dma_start3A_249 : memref<10000x128xf32, #tpu.memory_space<hbm>>) target(%arg14 : memref<40x128xf32, #tpu.memory_space<vmem>>) offsets(%dma_start3A_242 : memref<40xi32, #tpu.memory_space<vmem>>) semaphore(%arg19 : memref<!tpu.dma_semaphore, #tpu.memory_space<semaphore_mem>>)
    %dma_start3A_250 = arith.constant 245 : i32
    %dma_start3A_251 = arith.constant 0 : i32
    %dma_start3A_252 = tpu.memref_slice %arg8[%dma_start3A_250, %dma_start3A_251] : memref<250x40xi32, #tpu.memory_space<vmem>> -> memref<1x40xi32, #tpu.memory_space<vmem>>
    %dma_start3A_253 = tpu.memref_squeeze %dma_start3A_252 : memref<1x40xi32, #tpu.memory_space<vmem>> -> memref<40xi32, #tpu.memory_space<vmem>>
    %dma_start3A_254 = arith.constant 0 : i32
    %dma_start3A_255 = arith.constant 0 : i32
    %dma_start3A_256 = tpu.memref_slice %arg9[%dma_start3A_254, %dma_start3A_255] : memref<10000x128xf32, #tpu.memory_space<vmem_shared>> -> memref<10000x128xf32, #tpu.memory_space<vmem_shared>>
    tpu.enqueue_indirect_dma source(%arg10 : memref<40x128xf32, #tpu.memory_space<vmem>>) target(%dma_start3A_256 : memref<10000x128xf32, #tpu.memory_space<vmem_shared>>) offsets(%dma_start3A_253 : memref<40xi32, #tpu.memory_space<vmem>>) semaphore(%arg20 : memref<!tpu.dma_semaphore, #tpu.memory_space<semaphore_mem>>) {add = true}
    %dma_wait3A_257 = arith.constant 246 : i32
    %dma_wait3A_258 = arith.constant 0 : i32
    %dma_wait3A_259 = tpu.memref_slice %arg7[%dma_wait3A_257, %dma_wait3A_258] : memref<250x40xi32, #tpu.memory_space<vmem>> -> memref<1x40xi32, #tpu.memory_space<vmem>>
    %dma_wait3A_260 = tpu.memref_squeeze %dma_wait3A_259 : memref<1x40xi32, #tpu.memory_space<vmem>> -> memref<40xi32, #tpu.memory_space<vmem>>
    %dma_wait3A_261 = arith.constant 0 : i32
    %dma_wait3A_262 = arith.constant 0 : i32
    %dma_wait3A_263 = tpu.memref_slice %arg2[%arg0, %dma_wait3A_261, %dma_wait3A_262] : memref<2x10000x128xf32, #tpu.memory_space<hbm>> -> memref<1x10000x128xf32, #tpu.memory_space<hbm>>
    %dma_wait3A_264 = tpu.memref_squeeze %dma_wait3A_263 : memref<1x10000x128xf32, #tpu.memory_space<hbm>> -> memref<10000x128xf32, #tpu.memory_space<hbm>>
    %dma_wait3A_265 = arith.constant 0 : i32
    %dma_wait3A_266 = arith.constant 0 : i32
    %dma_wait3A_267 = tpu.memref_slice %dma_wait3A_264[%dma_wait3A_265, %dma_wait3A_266] : memref<10000x128xf32, #tpu.memory_space<hbm>> -> memref<10000x128xf32, #tpu.memory_space<hbm>>
    tpu.wait_indirect_dma semaphore(%arg16 : memref<!tpu.dma_semaphore, #tpu.memory_space<semaphore_mem>>) src(%dma_wait3A_267 : memref<10000x128xf32, #tpu.memory_space<hbm>>) dst(%arg11 : memref<40x128xf32, #tpu.memory_space<vmem>>)
    %dma_wait3A_268 = arith.constant 245 : i32
    %dma_wait3A_269 = arith.constant 0 : i32
    %dma_wait3A_270 = tpu.memref_slice %arg8[%dma_wait3A_268, %dma_wait3A_269] : memref<250x40xi32, #tpu.memory_space<vmem>> -> memref<1x40xi32, #tpu.memory_space<vmem>>
    %dma_wait3A_271 = tpu.memref_squeeze %dma_wait3A_270 : memref<1x40xi32, #tpu.memory_space<vmem>> -> memref<40xi32, #tpu.memory_space<vmem>>
    %dma_wait3A_272 = arith.constant 0 : i32
    %dma_wait3A_273 = arith.constant 0 : i32
    %dma_wait3A_274 = tpu.memref_slice %arg9[%dma_wait3A_272, %dma_wait3A_273] : memref<10000x128xf32, #tpu.memory_space<vmem_shared>> -> memref<10000x128xf32, #tpu.memory_space<vmem_shared>>
    tpu.wait_indirect_dma semaphore(%arg20 : memref<!tpu.dma_semaphore, #tpu.memory_space<semaphore_mem>>) src(%arg10 : memref<40x128xf32, #tpu.memory_space<vmem>>) dst(%dma_wait3A_274 : memref<10000x128xf32, #tpu.memory_space<vmem_shared>>)
    %dma_start3A_275 = arith.constant 246 : i32
    %dma_start3A_276 = arith.constant 0 : i32
    %dma_start3A_277 = tpu.memref_slice %arg8[%dma_start3A_275, %dma_start3A_276] : memref<250x40xi32, #tpu.memory_space<vmem>> -> memref<1x40xi32, #tpu.memory_space<vmem>>
    %dma_start3A_278 = tpu.memref_squeeze %dma_start3A_277 : memref<1x40xi32, #tpu.memory_space<vmem>> -> memref<40xi32, #tpu.memory_space<vmem>>
    %dma_start3A_279 = arith.constant 0 : i32
    %dma_start3A_280 = arith.constant 0 : i32
    %dma_start3A_281 = tpu.memref_slice %arg9[%dma_start3A_279, %dma_start3A_280] : memref<10000x128xf32, #tpu.memory_space<vmem_shared>> -> memref<10000x128xf32, #tpu.memory_space<vmem_shared>>
    tpu.enqueue_indirect_dma source(%arg11 : memref<40x128xf32, #tpu.memory_space<vmem>>) target(%dma_start3A_281 : memref<10000x128xf32, #tpu.memory_space<vmem_shared>>) offsets(%dma_start3A_278 : memref<40xi32, #tpu.memory_space<vmem>>) semaphore(%arg21 : memref<!tpu.dma_semaphore, #tpu.memory_space<semaphore_mem>>) {add = true}
    %dma_wait3A_282 = arith.constant 247 : i32
    %dma_wait3A_283 = arith.constant 0 : i32
    %dma_wait3A_284 = tpu.memref_slice %arg7[%dma_wait3A_282, %dma_wait3A_283] : memref<250x40xi32, #tpu.memory_space<vmem>> -> memref<1x40xi32, #tpu.memory_space<vmem>>
    %dma_wait3A_285 = tpu.memref_squeeze %dma_wait3A_284 : memref<1x40xi32, #tpu.memory_space<vmem>> -> memref<40xi32, #tpu.memory_space<vmem>>
    %dma_wait3A_286 = arith.constant 0 : i32
    %dma_wait3A_287 = arith.constant 0 : i32
    %dma_wait3A_288 = tpu.memref_slice %arg2[%arg0, %dma_wait3A_286, %dma_wait3A_287] : memref<2x10000x128xf32, #tpu.memory_space<hbm>> -> memref<1x10000x128xf32, #tpu.memory_space<hbm>>
    %dma_wait3A_289 = tpu.memref_squeeze %dma_wait3A_288 : memref<1x10000x128xf32, #tpu.memory_space<hbm>> -> memref<10000x128xf32, #tpu.memory_space<hbm>>
    %dma_wait3A_290 = arith.constant 0 : i32
    %dma_wait3A_291 = arith.constant 0 : i32
    %dma_wait3A_292 = tpu.memref_slice %dma_wait3A_289[%dma_wait3A_290, %dma_wait3A_291] : memref<10000x128xf32, #tpu.memory_space<hbm>> -> memref<10000x128xf32, #tpu.memory_space<hbm>>
    tpu.wait_indirect_dma semaphore(%arg17 : memref<!tpu.dma_semaphore, #tpu.memory_space<semaphore_mem>>) src(%dma_wait3A_292 : memref<10000x128xf32, #tpu.memory_space<hbm>>) dst(%arg12 : memref<40x128xf32, #tpu.memory_space<vmem>>)
    %dma_wait3A_293 = arith.constant 246 : i32
    %dma_wait3A_294 = arith.constant 0 : i32
    %dma_wait3A_295 = tpu.memref_slice %arg8[%dma_wait3A_293, %dma_wait3A_294] : memref<250x40xi32, #tpu.memory_space<vmem>> -> memref<1x40xi32, #tpu.memory_space<vmem>>
    %dma_wait3A_296 = tpu.memref_squeeze %dma_wait3A_295 : memref<1x40xi32, #tpu.memory_space<vmem>> -> memref<40xi32, #tpu.memory_space<vmem>>
    %dma_wait3A_297 = arith.constant 0 : i32
    %dma_wait3A_298 = arith.constant 0 : i32
    %dma_wait3A_299 = tpu.memref_slice %arg9[%dma_wait3A_297, %dma_wait3A_298] : memref<10000x128xf32, #tpu.memory_space<vmem_shared>> -> memref<10000x128xf32, #tpu.memory_space<vmem_shared>>
    tpu.wait_indirect_dma semaphore(%arg21 : memref<!tpu.dma_semaphore, #tpu.memory_space<semaphore_mem>>) src(%arg11 : memref<40x128xf32, #tpu.memory_space<vmem>>) dst(%dma_wait3A_299 : memref<10000x128xf32, #tpu.memory_space<vmem_shared>>)
    %dma_start3A_300 = arith.constant 247 : i32
    %dma_start3A_301 = arith.constant 0 : i32
    %dma_start3A_302 = tpu.memref_slice %arg8[%dma_start3A_300, %dma_start3A_301] : memref<250x40xi32, #tpu.memory_space<vmem>> -> memref<1x40xi32, #tpu.memory_space<vmem>>
    %dma_start3A_303 = tpu.memref_squeeze %dma_start3A_302 : memref<1x40xi32, #tpu.memory_space<vmem>> -> memref<40xi32, #tpu.memory_space<vmem>>
    %dma_start3A_304 = arith.constant 0 : i32
    %dma_start3A_305 = arith.constant 0 : i32
    %dma_start3A_306 = tpu.memref_slice %arg9[%dma_start3A_304, %dma_start3A_305] : memref<10000x128xf32, #tpu.memory_space<vmem_shared>> -> memref<10000x128xf32, #tpu.memory_space<vmem_shared>>
    tpu.enqueue_indirect_dma source(%arg12 : memref<40x128xf32, #tpu.memory_space<vmem>>) target(%dma_start3A_306 : memref<10000x128xf32, #tpu.memory_space<vmem_shared>>) offsets(%dma_start3A_303 : memref<40xi32, #tpu.memory_space<vmem>>) semaphore(%arg22 : memref<!tpu.dma_semaphore, #tpu.memory_space<semaphore_mem>>) {add = true}
    %dma_wait3A_307 = arith.constant 248 : i32
    %dma_wait3A_308 = arith.constant 0 : i32
    %dma_wait3A_309 = tpu.memref_slice %arg7[%dma_wait3A_307, %dma_wait3A_308] : memref<250x40xi32, #tpu.memory_space<vmem>> -> memref<1x40xi32, #tpu.memory_space<vmem>>
    %dma_wait3A_310 = tpu.memref_squeeze %dma_wait3A_309 : memref<1x40xi32, #tpu.memory_space<vmem>> -> memref<40xi32, #tpu.memory_space<vmem>>
    %dma_wait3A_311 = arith.constant 0 : i32
    %dma_wait3A_312 = arith.constant 0 : i32
    %dma_wait3A_313 = tpu.memref_slice %arg2[%arg0, %dma_wait3A_311, %dma_wait3A_312] : memref<2x10000x128xf32, #tpu.memory_space<hbm>> -> memref<1x10000x128xf32, #tpu.memory_space<hbm>>
    %dma_wait3A_314 = tpu.memref_squeeze %dma_wait3A_313 : memref<1x10000x128xf32, #tpu.memory_space<hbm>> -> memref<10000x128xf32, #tpu.memory_space<hbm>>
    %dma_wait3A_315 = arith.constant 0 : i32
    %dma_wait3A_316 = arith.constant 0 : i32
    %dma_wait3A_317 = tpu.memref_slice %dma_wait3A_314[%dma_wait3A_315, %dma_wait3A_316] : memref<10000x128xf32, #tpu.memory_space<hbm>> -> memref<10000x128xf32, #tpu.memory_space<hbm>>
    tpu.wait_indirect_dma semaphore(%arg18 : memref<!tpu.dma_semaphore, #tpu.memory_space<semaphore_mem>>) src(%dma_wait3A_317 : memref<10000x128xf32, #tpu.memory_space<hbm>>) dst(%arg13 : memref<40x128xf32, #tpu.memory_space<vmem>>)
    %dma_wait3A_318 = arith.constant 247 : i32
    %dma_wait3A_319 = arith.constant 0 : i32
    %dma_wait3A_320 = tpu.memref_slice %arg8[%dma_wait3A_318, %dma_wait3A_319] : memref<250x40xi32, #tpu.memory_space<vmem>> -> memref<1x40xi32, #tpu.memory_space<vmem>>
    %dma_wait3A_321 = tpu.memref_squeeze %dma_wait3A_320 : memref<1x40xi32, #tpu.memory_space<vmem>> -> memref<40xi32, #tpu.memory_space<vmem>>
    %dma_wait3A_322 = arith.constant 0 : i32
    %dma_wait3A_323 = arith.constant 0 : i32
    %dma_wait3A_324 = tpu.memref_slice %arg9[%dma_wait3A_322, %dma_wait3A_323] : memref<10000x128xf32, #tpu.memory_space<vmem_shared>> -> memref<10000x128xf32, #tpu.memory_space<vmem_shared>>
    tpu.wait_indirect_dma semaphore(%arg22 : memref<!tpu.dma_semaphore, #tpu.memory_space<semaphore_mem>>) src(%arg12 : memref<40x128xf32, #tpu.memory_space<vmem>>) dst(%dma_wait3A_324 : memref<10000x128xf32, #tpu.memory_space<vmem_shared>>)
    %dma_start3A_325 = arith.constant 248 : i32
    %dma_start3A_326 = arith.constant 0 : i32
    %dma_start3A_327 = tpu.memref_slice %arg8[%dma_start3A_325, %dma_start3A_326] : memref<250x40xi32, #tpu.memory_space<vmem>> -> memref<1x40xi32, #tpu.memory_space<vmem>>
    %dma_start3A_328 = tpu.memref_squeeze %dma_start3A_327 : memref<1x40xi32, #tpu.memory_space<vmem>> -> memref<40xi32, #tpu.memory_space<vmem>>
    %dma_start3A_329 = arith.constant 0 : i32
    %dma_start3A_330 = arith.constant 0 : i32
    %dma_start3A_331 = tpu.memref_slice %arg9[%dma_start3A_329, %dma_start3A_330] : memref<10000x128xf32, #tpu.memory_space<vmem_shared>> -> memref<10000x128xf32, #tpu.memory_space<vmem_shared>>
    tpu.enqueue_indirect_dma source(%arg13 : memref<40x128xf32, #tpu.memory_space<vmem>>) target(%dma_start3A_331 : memref<10000x128xf32, #tpu.memory_space<vmem_shared>>) offsets(%dma_start3A_328 : memref<40xi32, #tpu.memory_space<vmem>>) semaphore(%arg23 : memref<!tpu.dma_semaphore, #tpu.memory_space<semaphore_mem>>) {add = true}
    %dma_wait3A_332 = arith.constant 249 : i32
    %dma_wait3A_333 = arith.constant 0 : i32
    %dma_wait3A_334 = tpu.memref_slice %arg7[%dma_wait3A_332, %dma_wait3A_333] : memref<250x40xi32, #tpu.memory_space<vmem>> -> memref<1x40xi32, #tpu.memory_space<vmem>>
    %dma_wait3A_335 = tpu.memref_squeeze %dma_wait3A_334 : memref<1x40xi32, #tpu.memory_space<vmem>> -> memref<40xi32, #tpu.memory_space<vmem>>
    %dma_wait3A_336 = arith.constant 0 : i32
    %dma_wait3A_337 = arith.constant 0 : i32
    %dma_wait3A_338 = tpu.memref_slice %arg2[%arg0, %dma_wait3A_336, %dma_wait3A_337] : memref<2x10000x128xf32, #tpu.memory_space<hbm>> -> memref<1x10000x128xf32, #tpu.memory_space<hbm>>
    %dma_wait3A_339 = tpu.memref_squeeze %dma_wait3A_338 : memref<1x10000x128xf32, #tpu.memory_space<hbm>> -> memref<10000x128xf32, #tpu.memory_space<hbm>>
    %dma_wait3A_340 = arith.constant 0 : i32
    %dma_wait3A_341 = arith.constant 0 : i32
    %dma_wait3A_342 = tpu.memref_slice %dma_wait3A_339[%dma_wait3A_340, %dma_wait3A_341] : memref<10000x128xf32, #tpu.memory_space<hbm>> -> memref<10000x128xf32, #tpu.memory_space<hbm>>
    tpu.wait_indirect_dma semaphore(%arg19 : memref<!tpu.dma_semaphore, #tpu.memory_space<semaphore_mem>>) src(%dma_wait3A_342 : memref<10000x128xf32, #tpu.memory_space<hbm>>) dst(%arg14 : memref<40x128xf32, #tpu.memory_space<vmem>>)
    %dma_wait3A_343 = arith.constant 248 : i32
    %dma_wait3A_344 = arith.constant 0 : i32
    %dma_wait3A_345 = tpu.memref_slice %arg8[%dma_wait3A_343, %dma_wait3A_344] : memref<250x40xi32, #tpu.memory_space<vmem>> -> memref<1x40xi32, #tpu.memory_space<vmem>>
    %dma_wait3A_346 = tpu.memref_squeeze %dma_wait3A_345 : memref<1x40xi32, #tpu.memory_space<vmem>> -> memref<40xi32, #tpu.memory_space<vmem>>
    %dma_wait3A_347 = arith.constant 0 : i32
    %dma_wait3A_348 = arith.constant 0 : i32
    %dma_wait3A_349 = tpu.memref_slice %arg9[%dma_wait3A_347, %dma_wait3A_348] : memref<10000x128xf32, #tpu.memory_space<vmem_shared>> -> memref<10000x128xf32, #tpu.memory_space<vmem_shared>>
    tpu.wait_indirect_dma semaphore(%arg23 : memref<!tpu.dma_semaphore, #tpu.memory_space<semaphore_mem>>) src(%arg13 : memref<40x128xf32, #tpu.memory_space<vmem>>) dst(%dma_wait3A_349 : memref<10000x128xf32, #tpu.memory_space<vmem_shared>>)
    %dma_start3A_350 = arith.constant 249 : i32
    %dma_start3A_351 = arith.constant 0 : i32
    %dma_start3A_352 = tpu.memref_slice %arg8[%dma_start3A_350, %dma_start3A_351] : memref<250x40xi32, #tpu.memory_space<vmem>> -> memref<1x40xi32, #tpu.memory_space<vmem>>
    %dma_start3A_353 = tpu.memref_squeeze %dma_start3A_352 : memref<1x40xi32, #tpu.memory_space<vmem>> -> memref<40xi32, #tpu.memory_space<vmem>>
    %dma_start3A_354 = arith.constant 0 : i32
    %dma_start3A_355 = arith.constant 0 : i32
    %dma_start3A_356 = tpu.memref_slice %arg9[%dma_start3A_354, %dma_start3A_355] : memref<10000x128xf32, #tpu.memory_space<vmem_shared>> -> memref<10000x128xf32, #tpu.memory_space<vmem_shared>>
    tpu.enqueue_indirect_dma source(%arg14 : memref<40x128xf32, #tpu.memory_space<vmem>>) target(%dma_start3A_356 : memref<10000x128xf32, #tpu.memory_space<vmem_shared>>) offsets(%dma_start3A_353 : memref<40xi32, #tpu.memory_space<vmem>>) semaphore(%arg24 : memref<!tpu.dma_semaphore, #tpu.memory_space<semaphore_mem>>) {add = true}
    %dma_wait3A_357 = arith.constant 249 : i32
    %dma_wait3A_358 = arith.constant 0 : i32
    %dma_wait3A_359 = tpu.memref_slice %arg8[%dma_wait3A_357, %dma_wait3A_358] : memref<250x40xi32, #tpu.memory_space<vmem>> -> memref<1x40xi32, #tpu.memory_space<vmem>>
    %dma_wait3A_360 = tpu.memref_squeeze %dma_wait3A_359 : memref<1x40xi32, #tpu.memory_space<vmem>> -> memref<40xi32, #tpu.memory_space<vmem>>
    %dma_wait3A_361 = arith.constant 0 : i32
    %dma_wait3A_362 = arith.constant 0 : i32
    %dma_wait3A_363 = tpu.memref_slice %arg9[%dma_wait3A_361, %dma_wait3A_362] : memref<10000x128xf32, #tpu.memory_space<vmem_shared>> -> memref<10000x128xf32, #tpu.memory_space<vmem_shared>>
    tpu.wait_indirect_dma semaphore(%arg24 : memref<!tpu.dma_semaphore, #tpu.memory_space<semaphore_mem>>) src(%arg14 : memref<40x128xf32, #tpu.memory_space<vmem>>) dst(%dma_wait3A_363 : memref<10000x128xf32, #tpu.memory_space<vmem_shared>>)
    %barrier3A_364 = arith.constant 0 : index
    tpu.barrier barrier_id(%barrier3A_364)
    %mul3A_365 = arith.constant 625 : i32
    %mul3A_366 = arith.muli %arg1, %mul3A_365 : i32
    %mul3A_367 = arith.constant 625 : i32
    %mul3A_368 = arith.muli %arg1, %mul3A_367 : i32
    "tpu.region"() ({
      %run_scoped3A = tpu.sem_alloc : memref<!tpu.dma_semaphore, #tpu.memory_space<semaphore_mem>>
      %dma_start3A_369 = arith.constant 0 : i32
      %dma_start3A_370 = tpu.memref_slice %arg6[%arg0, %mul3A_368, %dma_start3A_369] : memref<2x10000x128xf32, #tpu.memory_space<hbm>> -> memref<1x625x128xf32, #tpu.memory_space<hbm>>
      %dma_start3A_371 = tpu.memref_squeeze %dma_start3A_370 : memref<1x625x128xf32, #tpu.memory_space<hbm>> -> memref<625x128xf32, #tpu.memory_space<hbm>>
      %dma_start3A_372 = arith.constant 0 : i32
      %dma_start3A_373 = tpu.memref_slice %arg9[%mul3A_366, %dma_start3A_372] : memref<10000x128xf32, #tpu.memory_space<vmem_shared>> -> memref<625x128xf32, #tpu.memory_space<vmem_shared>>
      tpu.enqueue_dma source(%dma_start3A_373 : memref<625x128xf32, #tpu.memory_space<vmem_shared>>) target(%dma_start3A_371 : memref<625x128xf32, #tpu.memory_space<hbm>>) target_semaphore(%run_scoped3A : memref<!tpu.dma_semaphore, #tpu.memory_space<semaphore_mem>>)
      %dma_wait3A_374 = arith.constant 0 : i32
      %dma_wait3A_375 = tpu.memref_slice %arg6[%arg0, %mul3A_368, %dma_wait3A_374] : memref<2x10000x128xf32, #tpu.memory_space<hbm>> -> memref<1x625x128xf32, #tpu.memory_space<hbm>>
      %dma_wait3A_376 = tpu.memref_squeeze %dma_wait3A_375 : memref<1x625x128xf32, #tpu.memory_space<hbm>> -> memref<625x128xf32, #tpu.memory_space<hbm>>
      %dma_wait3A_377 = arith.constant 0 : i32
      %dma_wait3A_378 = tpu.memref_slice %arg9[%mul3A_366, %dma_wait3A_377] : memref<10000x128xf32, #tpu.memory_space<vmem_shared>> -> memref<625x128xf32, #tpu.memory_space<vmem_shared>>
      tpu.wait_dma2 semaphore(%run_scoped3A : memref<!tpu.dma_semaphore, #tpu.memory_space<semaphore_mem>>) src(%dma_wait3A_378 : memref<625x128xf32, #tpu.memory_space<vmem_shared>>) dst(%dma_wait3A_376 : memref<625x128xf32, #tpu.memory_space<hbm>>)
      tpu.yield
    }) : () -> ()
    return
  }
}

#map = affine_map<(d0, d1) -> (0, 0, 0)>
#map1 = affine_map<(d0, d1) -> (0, 0)>
module attributes {stable_mosaic.version = 14 : i64} {
  func.func @_agg_body(%arg0: i32, %arg1: i32, %arg2: memref<2x10000x128xf32, #tpu.memory_space<hbm>>, %arg3: memref<16x250x40xi32, #tpu.memory_space<hbm>>, %arg4: memref<16x250x40xi32, #tpu.memory_space<hbm>>, %arg5: memref<625x128xf32, #tpu.memory_space<hbm>>, %arg6: memref<2x10000x128xf32, #tpu.memory_space<hbm>>, %arg7: memref<250x40xi32, #tpu.memory_space<vmem>>, %arg8: memref<250x40xi32, #tpu.memory_space<vmem>>, %arg9: memref<10000x128xf32, #tpu.memory_space<vmem_shared>>, %arg10: memref<40x128xf32, #tpu.memory_space<vmem>>, %arg11: memref<40x128xf32, #tpu.memory_space<vmem>>, %arg12: memref<40x128xf32, #tpu.memory_space<vmem>>, %arg13: memref<40x128xf32, #tpu.memory_space<vmem>>, %arg14: memref<40x128xf32, #tpu.memory_space<vmem>>, %arg15: memref<!tpu.dma_semaphore, #tpu.memory_space<semaphore_mem>>, %arg16: memref<!tpu.dma_semaphore, #tpu.memory_space<semaphore_mem>>, %arg17: memref<!tpu.dma_semaphore, #tpu.memory_space<semaphore_mem>>, %arg18: memref<!tpu.dma_semaphore, #tpu.memory_space<semaphore_mem>>, %arg19: memref<!tpu.dma_semaphore, #tpu.memory_space<semaphore_mem>>, %arg20: memref<!tpu.dma_semaphore, #tpu.memory_space<semaphore_mem>>, %arg21: memref<!tpu.dma_semaphore, #tpu.memory_space<semaphore_mem>>, %arg22: memref<!tpu.dma_semaphore, #tpu.memory_space<semaphore_mem>>, %arg23: memref<!tpu.dma_semaphore, #tpu.memory_space<semaphore_mem>>, %arg24: memref<!tpu.dma_semaphore, #tpu.memory_space<semaphore_mem>>) attributes {dimension_semantics = [#tpu.dimension_semantics<core_parallel>, #tpu.dimension_semantics<subcore_parallel>], iteration_bounds = array<i64: 2, 16>, scalar_prefetch = 0 : i64, scratch_operands = 18 : i64, tpu.core_type = #tpu.core_type<sc_vector_subcore>, window_params = [{transform_indices = #map}, {transform_indices = #map}, {transform_indices = #map}, {transform_indices = #map1}, {transform_indices = #map}]} {
    "tpu.region"() ({
      %run_scoped3A = tpu.sem_alloc : memref<!tpu.dma_semaphore, #tpu.memory_space<semaphore_mem>>
      %dma_start3A_369 = arith.constant 0 : i32
      %dma_start3A_370 = arith.constant 0 : i32
      %dma_start3A_371 = tpu.memref_slice %arg3[%arg1, %dma_start3A_369, %dma_start3A_370] : memref<16x250x40xi32, #tpu.memory_space<hbm>> -> memref<1x250x40xi32, #tpu.memory_space<hbm>>
      %dma_start3A_372 = tpu.memref_squeeze %dma_start3A_371 : memref<1x250x40xi32, #tpu.memory_space<hbm>> -> memref<250x40xi32, #tpu.memory_space<hbm>>
      %dma_start3A_373 = arith.constant 0 : i32
      %dma_start3A_374 = arith.constant 0 : i32
      %dma_start3A_375 = tpu.memref_slice %arg3[%arg1, %dma_start3A_373, %dma_start3A_374] : memref<16x250x40xi32, #tpu.memory_space<hbm>> -> memref<1x250x40xi32, #tpu.memory_space<hbm>>
      %dma_start3A_376 = tpu.memref_squeeze %dma_start3A_375 : memref<1x250x40xi32, #tpu.memory_space<hbm>> -> memref<250x40xi32, #tpu.memory_space<hbm>>
      tpu.enqueue_dma source(%dma_start3A_376 : memref<250x40xi32, #tpu.memory_space<hbm>>) target(%arg7 : memref<250x40xi32, #tpu.memory_space<vmem>>) target_semaphore(%run_scoped3A : memref<!tpu.dma_semaphore, #tpu.memory_space<semaphore_mem>>)
      %dma_wait3A_377 = arith.constant 0 : i32
      %dma_wait3A_378 = arith.constant 0 : i32
      %dma_wait3A_379 = tpu.memref_slice %arg3[%arg1, %dma_wait3A_377, %dma_wait3A_378] : memref<16x250x40xi32, #tpu.memory_space<hbm>> -> memref<1x250x40xi32, #tpu.memory_space<hbm>>
      %dma_wait3A_380 = tpu.memref_squeeze %dma_wait3A_379 : memref<1x250x40xi32, #tpu.memory_space<hbm>> -> memref<250x40xi32, #tpu.memory_space<hbm>>
      %dma_wait3A_381 = arith.constant 0 : i32
      %dma_wait3A_382 = arith.constant 0 : i32
      %dma_wait3A_383 = tpu.memref_slice %arg3[%arg1, %dma_wait3A_381, %dma_wait3A_382] : memref<16x250x40xi32, #tpu.memory_space<hbm>> -> memref<1x250x40xi32, #tpu.memory_space<hbm>>
      %dma_wait3A_384 = tpu.memref_squeeze %dma_wait3A_383 : memref<1x250x40xi32, #tpu.memory_space<hbm>> -> memref<250x40xi32, #tpu.memory_space<hbm>>
      tpu.wait_dma2 semaphore(%run_scoped3A : memref<!tpu.dma_semaphore, #tpu.memory_space<semaphore_mem>>) src(%dma_wait3A_384 : memref<250x40xi32, #tpu.memory_space<hbm>>) dst(%arg7 : memref<250x40xi32, #tpu.memory_space<vmem>>)
      tpu.yield
    }) : () -> ()
    "tpu.region"() ({
      %run_scoped3A = tpu.sem_alloc : memref<!tpu.dma_semaphore, #tpu.memory_space<semaphore_mem>>
      %dma_start3A_369 = arith.constant 0 : i32
      %dma_start3A_370 = arith.constant 0 : i32
      %dma_start3A_371 = tpu.memref_slice %arg4[%arg1, %dma_start3A_369, %dma_start3A_370] : memref<16x250x40xi32, #tpu.memory_space<hbm>> -> memref<1x250x40xi32, #tpu.memory_space<hbm>>
      %dma_start3A_372 = tpu.memref_squeeze %dma_start3A_371 : memref<1x250x40xi32, #tpu.memory_space<hbm>> -> memref<250x40xi32, #tpu.memory_space<hbm>>
      %dma_start3A_373 = arith.constant 0 : i32
      %dma_start3A_374 = arith.constant 0 : i32
      %dma_start3A_375 = tpu.memref_slice %arg4[%arg1, %dma_start3A_373, %dma_start3A_374] : memref<16x250x40xi32, #tpu.memory_space<hbm>> -> memref<1x250x40xi32, #tpu.memory_space<hbm>>
      %dma_start3A_376 = tpu.memref_squeeze %dma_start3A_375 : memref<1x250x40xi32, #tpu.memory_space<hbm>> -> memref<250x40xi32, #tpu.memory_space<hbm>>
      tpu.enqueue_dma source(%dma_start3A_376 : memref<250x40xi32, #tpu.memory_space<hbm>>) target(%arg8 : memref<250x40xi32, #tpu.memory_space<vmem>>) target_semaphore(%run_scoped3A : memref<!tpu.dma_semaphore, #tpu.memory_space<semaphore_mem>>)
      %dma_wait3A_377 = arith.constant 0 : i32
      %dma_wait3A_378 = arith.constant 0 : i32
      %dma_wait3A_379 = tpu.memref_slice %arg4[%arg1, %dma_wait3A_377, %dma_wait3A_378] : memref<16x250x40xi32, #tpu.memory_space<hbm>> -> memref<1x250x40xi32, #tpu.memory_space<hbm>>
      %dma_wait3A_380 = tpu.memref_squeeze %dma_wait3A_379 : memref<1x250x40xi32, #tpu.memory_space<hbm>> -> memref<250x40xi32, #tpu.memory_space<hbm>>
      %dma_wait3A_381 = arith.constant 0 : i32
      %dma_wait3A_382 = arith.constant 0 : i32
      %dma_wait3A_383 = tpu.memref_slice %arg4[%arg1, %dma_wait3A_381, %dma_wait3A_382] : memref<16x250x40xi32, #tpu.memory_space<hbm>> -> memref<1x250x40xi32, #tpu.memory_space<hbm>>
      %dma_wait3A_384 = tpu.memref_squeeze %dma_wait3A_383 : memref<1x250x40xi32, #tpu.memory_space<hbm>> -> memref<250x40xi32, #tpu.memory_space<hbm>>
      tpu.wait_dma2 semaphore(%run_scoped3A : memref<!tpu.dma_semaphore, #tpu.memory_space<semaphore_mem>>) src(%dma_wait3A_384 : memref<250x40xi32, #tpu.memory_space<hbm>>) dst(%arg8 : memref<250x40xi32, #tpu.memory_space<vmem>>)
      tpu.yield
    }) : () -> ()
    %mul3A = arith.constant 625 : i32
    %mul3A_0 = arith.muli %arg1, %mul3A : i32
    "tpu.region"() ({
      %run_scoped3A = tpu.sem_alloc : memref<!tpu.dma_semaphore, #tpu.memory_space<semaphore_mem>>
      %dma_start3A_369 = arith.constant 0 : i32
      %dma_start3A_370 = tpu.memref_slice %arg9[%mul3A_0, %dma_start3A_369] : memref<10000x128xf32, #tpu.memory_space<vmem_shared>> -> memref<625x128xf32, #tpu.memory_space<vmem_shared>>
      tpu.enqueue_dma source(%arg5 : memref<625x128xf32, #tpu.memory_space<hbm>>) target(%dma_start3A_370 : memref<625x128xf32, #tpu.memory_space<vmem_shared>>) target_semaphore(%run_scoped3A : memref<!tpu.dma_semaphore, #tpu.memory_space<semaphore_mem>>)
      %dma_wait3A_371 = arith.constant 0 : i32
      %dma_wait3A_372 = tpu.memref_slice %arg9[%mul3A_0, %dma_wait3A_371] : memref<10000x128xf32, #tpu.memory_space<vmem_shared>> -> memref<625x128xf32, #tpu.memory_space<vmem_shared>>
      tpu.wait_dma2 semaphore(%run_scoped3A : memref<!tpu.dma_semaphore, #tpu.memory_space<semaphore_mem>>) src(%arg5 : memref<625x128xf32, #tpu.memory_space<hbm>>) dst(%dma_wait3A_372 : memref<625x128xf32, #tpu.memory_space<vmem_shared>>)
      tpu.yield
    }) : () -> ()
    %barrier3A = arith.constant 0 : index
    tpu.barrier barrier_id(%barrier3A)
    %dma_start3A = arith.constant 0 : i32
    %dma_start3A_1 = arith.constant 0 : i32
    %dma_start3A_2 = tpu.memref_slice %arg7[%dma_start3A, %dma_start3A_1] : memref<250x40xi32, #tpu.memory_space<vmem>> -> memref<1x40xi32, #tpu.memory_space<vmem>>
    %dma_start3A_3 = tpu.memref_squeeze %dma_start3A_2 : memref<1x40xi32, #tpu.memory_space<vmem>> -> memref<40xi32, #tpu.memory_space<vmem>>
    %dma_start3A_4 = arith.constant 0 : i32
    %dma_start3A_5 = arith.constant 0 : i32
    %dma_start3A_6 = tpu.memref_slice %arg2[%arg0, %dma_start3A_4, %dma_start3A_5] : memref<2x10000x128xf32, #tpu.memory_space<hbm>> -> memref<1x10000x128xf32, #tpu.memory_space<hbm>>
    %dma_start3A_7 = tpu.memref_squeeze %dma_start3A_6 : memref<1x10000x128xf32, #tpu.memory_space<hbm>> -> memref<10000x128xf32, #tpu.memory_space<hbm>>
    %dma_start3A_8 = arith.constant 0 : i32
    %dma_start3A_9 = arith.constant 0 : i32
    %dma_start3A_10 = tpu.memref_slice %dma_start3A_7[%dma_start3A_8, %dma_start3A_9] : memref<10000x128xf32, #tpu.memory_space<hbm>> -> memref<10000x128xf32, #tpu.memory_space<hbm>>
    tpu.enqueue_indirect_dma source(%dma_start3A_10 : memref<10000x128xf32, #tpu.memory_space<hbm>>) target(%arg10 : memref<40x128xf32, #tpu.memory_space<vmem>>) offsets(%dma_start3A_3 : memref<40xi32, #tpu.memory_space<vmem>>) semaphore(%arg15 : memref<!tpu.dma_semaphore, #tpu.memory_space<semaphore_mem>>)
    %dma_start3A_11 = arith.constant 1 : i32
    %dma_start3A_12 = arith.constant 0 : i32
    %dma_start3A_13 = tpu.memref_slice %arg7[%dma_start3A_11, %dma_start3A_12] : memref<250x40xi32, #tpu.memory_space<vmem>> -> memref<1x40xi32, #tpu.memory_space<vmem>>
    %dma_start3A_14 = tpu.memref_squeeze %dma_start3A_13 : memref<1x40xi32, #tpu.memory_space<vmem>> -> memref<40xi32, #tpu.memory_space<vmem>>
    %dma_start3A_15 = arith.constant 0 : i32
    %dma_start3A_16 = arith.constant 0 : i32
    %dma_start3A_17 = tpu.memref_slice %arg2[%arg0, %dma_start3A_15, %dma_start3A_16] : memref<2x10000x128xf32, #tpu.memory_space<hbm>> -> memref<1x10000x128xf32, #tpu.memory_space<hbm>>
    %dma_start3A_18 = tpu.memref_squeeze %dma_start3A_17 : memref<1x10000x128xf32, #tpu.memory_space<hbm>> -> memref<10000x128xf32, #tpu.memory_space<hbm>>
    %dma_start3A_19 = arith.constant 0 : i32
    %dma_start3A_20 = arith.constant 0 : i32
    %dma_start3A_21 = tpu.memref_slice %dma_start3A_18[%dma_start3A_19, %dma_start3A_20] : memref<10000x128xf32, #tpu.memory_space<hbm>> -> memref<10000x128xf32, #tpu.memory_space<hbm>>
    tpu.enqueue_indirect_dma source(%dma_start3A_21 : memref<10000x128xf32, #tpu.memory_space<hbm>>) target(%arg11 : memref<40x128xf32, #tpu.memory_space<vmem>>) offsets(%dma_start3A_14 : memref<40xi32, #tpu.memory_space<vmem>>) semaphore(%arg16 : memref<!tpu.dma_semaphore, #tpu.memory_space<semaphore_mem>>)
    %dma_start3A_22 = arith.constant 2 : i32
    %dma_start3A_23 = arith.constant 0 : i32
    %dma_start3A_24 = tpu.memref_slice %arg7[%dma_start3A_22, %dma_start3A_23] : memref<250x40xi32, #tpu.memory_space<vmem>> -> memref<1x40xi32, #tpu.memory_space<vmem>>
    %dma_start3A_25 = tpu.memref_squeeze %dma_start3A_24 : memref<1x40xi32, #tpu.memory_space<vmem>> -> memref<40xi32, #tpu.memory_space<vmem>>
    %dma_start3A_26 = arith.constant 0 : i32
    %dma_start3A_27 = arith.constant 0 : i32
    %dma_start3A_28 = tpu.memref_slice %arg2[%arg0, %dma_start3A_26, %dma_start3A_27] : memref<2x10000x128xf32, #tpu.memory_space<hbm>> -> memref<1x10000x128xf32, #tpu.memory_space<hbm>>
    %dma_start3A_29 = tpu.memref_squeeze %dma_start3A_28 : memref<1x10000x128xf32, #tpu.memory_space<hbm>> -> memref<10000x128xf32, #tpu.memory_space<hbm>>
    %dma_start3A_30 = arith.constant 0 : i32
    %dma_start3A_31 = arith.constant 0 : i32
    %dma_start3A_32 = tpu.memref_slice %dma_start3A_29[%dma_start3A_30, %dma_start3A_31] : memref<10000x128xf32, #tpu.memory_space<hbm>> -> memref<10000x128xf32, #tpu.memory_space<hbm>>
    tpu.enqueue_indirect_dma source(%dma_start3A_32 : memref<10000x128xf32, #tpu.memory_space<hbm>>) target(%arg12 : memref<40x128xf32, #tpu.memory_space<vmem>>) offsets(%dma_start3A_25 : memref<40xi32, #tpu.memory_space<vmem>>) semaphore(%arg17 : memref<!tpu.dma_semaphore, #tpu.memory_space<semaphore_mem>>)
    %dma_start3A_33 = arith.constant 3 : i32
    %dma_start3A_34 = arith.constant 0 : i32
    %dma_start3A_35 = tpu.memref_slice %arg7[%dma_start3A_33, %dma_start3A_34] : memref<250x40xi32, #tpu.memory_space<vmem>> -> memref<1x40xi32, #tpu.memory_space<vmem>>
    %dma_start3A_36 = tpu.memref_squeeze %dma_start3A_35 : memref<1x40xi32, #tpu.memory_space<vmem>> -> memref<40xi32, #tpu.memory_space<vmem>>
    %dma_start3A_37 = arith.constant 0 : i32
    %dma_start3A_38 = arith.constant 0 : i32
    %dma_start3A_39 = tpu.memref_slice %arg2[%arg0, %dma_start3A_37, %dma_start3A_38] : memref<2x10000x128xf32, #tpu.memory_space<hbm>> -> memref<1x10000x128xf32, #tpu.memory_space<hbm>>
    %dma_start3A_40 = tpu.memref_squeeze %dma_start3A_39 : memref<1x10000x128xf32, #tpu.memory_space<hbm>> -> memref<10000x128xf32, #tpu.memory_space<hbm>>
    %dma_start3A_41 = arith.constant 0 : i32
    %dma_start3A_42 = arith.constant 0 : i32
    %dma_start3A_43 = tpu.memref_slice %dma_start3A_40[%dma_start3A_41, %dma_start3A_42] : memref<10000x128xf32, #tpu.memory_space<hbm>> -> memref<10000x128xf32, #tpu.memory_space<hbm>>
    tpu.enqueue_indirect_dma source(%dma_start3A_43 : memref<10000x128xf32, #tpu.memory_space<hbm>>) target(%arg13 : memref<40x128xf32, #tpu.memory_space<vmem>>) offsets(%dma_start3A_36 : memref<40xi32, #tpu.memory_space<vmem>>) semaphore(%arg18 : memref<!tpu.dma_semaphore, #tpu.memory_space<semaphore_mem>>)
    %dma_wait3A = arith.constant 0 : i32
    %dma_wait3A_44 = arith.constant 0 : i32
    %dma_wait3A_45 = tpu.memref_slice %arg7[%dma_wait3A, %dma_wait3A_44] : memref<250x40xi32, #tpu.memory_space<vmem>> -> memref<1x40xi32, #tpu.memory_space<vmem>>
    %dma_wait3A_46 = tpu.memref_squeeze %dma_wait3A_45 : memref<1x40xi32, #tpu.memory_space<vmem>> -> memref<40xi32, #tpu.memory_space<vmem>>
    %dma_wait3A_47 = arith.constant 0 : i32
    %dma_wait3A_48 = arith.constant 0 : i32
    %dma_wait3A_49 = tpu.memref_slice %arg2[%arg0, %dma_wait3A_47, %dma_wait3A_48] : memref<2x10000x128xf32, #tpu.memory_space<hbm>> -> memref<1x10000x128xf32, #tpu.memory_space<hbm>>
    %dma_wait3A_50 = tpu.memref_squeeze %dma_wait3A_49 : memref<1x10000x128xf32, #tpu.memory_space<hbm>> -> memref<10000x128xf32, #tpu.memory_space<hbm>>
    %dma_wait3A_51 = arith.constant 0 : i32
    %dma_wait3A_52 = arith.constant 0 : i32
    %dma_wait3A_53 = tpu.memref_slice %dma_wait3A_50[%dma_wait3A_51, %dma_wait3A_52] : memref<10000x128xf32, #tpu.memory_space<hbm>> -> memref<10000x128xf32, #tpu.memory_space<hbm>>
    tpu.wait_indirect_dma semaphore(%arg15 : memref<!tpu.dma_semaphore, #tpu.memory_space<semaphore_mem>>) src(%dma_wait3A_53 : memref<10000x128xf32, #tpu.memory_space<hbm>>) dst(%arg10 : memref<40x128xf32, #tpu.memory_space<vmem>>)
    %dma_start3A_54 = arith.constant 4 : i32
    %dma_start3A_55 = arith.constant 0 : i32
    %dma_start3A_56 = tpu.memref_slice %arg7[%dma_start3A_54, %dma_start3A_55] : memref<250x40xi32, #tpu.memory_space<vmem>> -> memref<1x40xi32, #tpu.memory_space<vmem>>
    %dma_start3A_57 = tpu.memref_squeeze %dma_start3A_56 : memref<1x40xi32, #tpu.memory_space<vmem>> -> memref<40xi32, #tpu.memory_space<vmem>>
    %dma_start3A_58 = arith.constant 0 : i32
    %dma_start3A_59 = arith.constant 0 : i32
    %dma_start3A_60 = tpu.memref_slice %arg2[%arg0, %dma_start3A_58, %dma_start3A_59] : memref<2x10000x128xf32, #tpu.memory_space<hbm>> -> memref<1x10000x128xf32, #tpu.memory_space<hbm>>
    %dma_start3A_61 = tpu.memref_squeeze %dma_start3A_60 : memref<1x10000x128xf32, #tpu.memory_space<hbm>> -> memref<10000x128xf32, #tpu.memory_space<hbm>>
    %dma_start3A_62 = arith.constant 0 : i32
    %dma_start3A_63 = arith.constant 0 : i32
    %dma_start3A_64 = tpu.memref_slice %dma_start3A_61[%dma_start3A_62, %dma_start3A_63] : memref<10000x128xf32, #tpu.memory_space<hbm>> -> memref<10000x128xf32, #tpu.memory_space<hbm>>
    tpu.enqueue_indirect_dma source(%dma_start3A_64 : memref<10000x128xf32, #tpu.memory_space<hbm>>) target(%arg14 : memref<40x128xf32, #tpu.memory_space<vmem>>) offsets(%dma_start3A_57 : memref<40xi32, #tpu.memory_space<vmem>>) semaphore(%arg19 : memref<!tpu.dma_semaphore, #tpu.memory_space<semaphore_mem>>)
    %dma_start3A_65 = arith.constant 0 : i32
    %dma_start3A_66 = arith.constant 0 : i32
    %dma_start3A_67 = tpu.memref_slice %arg8[%dma_start3A_65, %dma_start3A_66] : memref<250x40xi32, #tpu.memory_space<vmem>> -> memref<1x40xi32, #tpu.memory_space<vmem>>
    %dma_start3A_68 = tpu.memref_squeeze %dma_start3A_67 : memref<1x40xi32, #tpu.memory_space<vmem>> -> memref<40xi32, #tpu.memory_space<vmem>>
    %dma_start3A_69 = arith.constant 0 : i32
    %dma_start3A_70 = arith.constant 0 : i32
    %dma_start3A_71 = tpu.memref_slice %arg9[%dma_start3A_69, %dma_start3A_70] : memref<10000x128xf32, #tpu.memory_space<vmem_shared>> -> memref<10000x128xf32, #tpu.memory_space<vmem_shared>>
    tpu.enqueue_indirect_dma source(%arg10 : memref<40x128xf32, #tpu.memory_space<vmem>>) target(%dma_start3A_71 : memref<10000x128xf32, #tpu.memory_space<vmem_shared>>) offsets(%dma_start3A_68 : memref<40xi32, #tpu.memory_space<vmem>>) semaphore(%arg20 : memref<!tpu.dma_semaphore, #tpu.memory_space<semaphore_mem>>) {add = true}
    %dma_wait3A_72 = arith.constant 1 : i32
    %dma_wait3A_73 = arith.constant 0 : i32
    %dma_wait3A_74 = tpu.memref_slice %arg7[%dma_wait3A_72, %dma_wait3A_73] : memref<250x40xi32, #tpu.memory_space<vmem>> -> memref<1x40xi32, #tpu.memory_space<vmem>>
    %dma_wait3A_75 = tpu.memref_squeeze %dma_wait3A_74 : memref<1x40xi32, #tpu.memory_space<vmem>> -> memref<40xi32, #tpu.memory_space<vmem>>
    %dma_wait3A_76 = arith.constant 0 : i32
    %dma_wait3A_77 = arith.constant 0 : i32
    %dma_wait3A_78 = tpu.memref_slice %arg2[%arg0, %dma_wait3A_76, %dma_wait3A_77] : memref<2x10000x128xf32, #tpu.memory_space<hbm>> -> memref<1x10000x128xf32, #tpu.memory_space<hbm>>
    %dma_wait3A_79 = tpu.memref_squeeze %dma_wait3A_78 : memref<1x10000x128xf32, #tpu.memory_space<hbm>> -> memref<10000x128xf32, #tpu.memory_space<hbm>>
    %dma_wait3A_80 = arith.constant 0 : i32
    %dma_wait3A_81 = arith.constant 0 : i32
    %dma_wait3A_82 = tpu.memref_slice %dma_wait3A_79[%dma_wait3A_80, %dma_wait3A_81] : memref<10000x128xf32, #tpu.memory_space<hbm>> -> memref<10000x128xf32, #tpu.memory_space<hbm>>
    tpu.wait_indirect_dma semaphore(%arg16 : memref<!tpu.dma_semaphore, #tpu.memory_space<semaphore_mem>>) src(%dma_wait3A_82 : memref<10000x128xf32, #tpu.memory_space<hbm>>) dst(%arg11 : memref<40x128xf32, #tpu.memory_space<vmem>>)
    %dma_wait3A_83 = arith.constant 0 : i32
    %dma_wait3A_84 = arith.constant 0 : i32
    %dma_wait3A_85 = tpu.memref_slice %arg8[%dma_wait3A_83, %dma_wait3A_84] : memref<250x40xi32, #tpu.memory_space<vmem>> -> memref<1x40xi32, #tpu.memory_space<vmem>>
    %dma_wait3A_86 = tpu.memref_squeeze %dma_wait3A_85 : memref<1x40xi32, #tpu.memory_space<vmem>> -> memref<40xi32, #tpu.memory_space<vmem>>
    %dma_wait3A_87 = arith.constant 0 : i32
    %dma_wait3A_88 = arith.constant 0 : i32
    %dma_wait3A_89 = tpu.memref_slice %arg9[%dma_wait3A_87, %dma_wait3A_88] : memref<10000x128xf32, #tpu.memory_space<vmem_shared>> -> memref<10000x128xf32, #tpu.memory_space<vmem_shared>>
    tpu.wait_indirect_dma semaphore(%arg20 : memref<!tpu.dma_semaphore, #tpu.memory_space<semaphore_mem>>) src(%arg10 : memref<40x128xf32, #tpu.memory_space<vmem>>) dst(%dma_wait3A_89 : memref<10000x128xf32, #tpu.memory_space<vmem_shared>>)
    %dma_start3A_90 = arith.constant 5 : i32
    %dma_start3A_91 = arith.constant 0 : i32
    %dma_start3A_92 = tpu.memref_slice %arg7[%dma_start3A_90, %dma_start3A_91] : memref<250x40xi32, #tpu.memory_space<vmem>> -> memref<1x40xi32, #tpu.memory_space<vmem>>
    %dma_start3A_93 = tpu.memref_squeeze %dma_start3A_92 : memref<1x40xi32, #tpu.memory_space<vmem>> -> memref<40xi32, #tpu.memory_space<vmem>>
    %dma_start3A_94 = arith.constant 0 : i32
    %dma_start3A_95 = arith.constant 0 : i32
    %dma_start3A_96 = tpu.memref_slice %arg2[%arg0, %dma_start3A_94, %dma_start3A_95] : memref<2x10000x128xf32, #tpu.memory_space<hbm>> -> memref<1x10000x128xf32, #tpu.memory_space<hbm>>
    %dma_start3A_97 = tpu.memref_squeeze %dma_start3A_96 : memref<1x10000x128xf32, #tpu.memory_space<hbm>> -> memref<10000x128xf32, #tpu.memory_space<hbm>>
    %dma_start3A_98 = arith.constant 0 : i32
    %dma_start3A_99 = arith.constant 0 : i32
    %dma_start3A_100 = tpu.memref_slice %dma_start3A_97[%dma_start3A_98, %dma_start3A_99] : memref<10000x128xf32, #tpu.memory_space<hbm>> -> memref<10000x128xf32, #tpu.memory_space<hbm>>
    tpu.enqueue_indirect_dma source(%dma_start3A_100 : memref<10000x128xf32, #tpu.memory_space<hbm>>) target(%arg10 : memref<40x128xf32, #tpu.memory_space<vmem>>) offsets(%dma_start3A_93 : memref<40xi32, #tpu.memory_space<vmem>>) semaphore(%arg15 : memref<!tpu.dma_semaphore, #tpu.memory_space<semaphore_mem>>)
    %dma_start3A_101 = arith.constant 1 : i32
    %dma_start3A_102 = arith.constant 0 : i32
    %dma_start3A_103 = tpu.memref_slice %arg8[%dma_start3A_101, %dma_start3A_102] : memref<250x40xi32, #tpu.memory_space<vmem>> -> memref<1x40xi32, #tpu.memory_space<vmem>>
    %dma_start3A_104 = tpu.memref_squeeze %dma_start3A_103 : memref<1x40xi32, #tpu.memory_space<vmem>> -> memref<40xi32, #tpu.memory_space<vmem>>
    %dma_start3A_105 = arith.constant 0 : i32
    %dma_start3A_106 = arith.constant 0 : i32
    %dma_start3A_107 = tpu.memref_slice %arg9[%dma_start3A_105, %dma_start3A_106] : memref<10000x128xf32, #tpu.memory_space<vmem_shared>> -> memref<10000x128xf32, #tpu.memory_space<vmem_shared>>
    tpu.enqueue_indirect_dma source(%arg11 : memref<40x128xf32, #tpu.memory_space<vmem>>) target(%dma_start3A_107 : memref<10000x128xf32, #tpu.memory_space<vmem_shared>>) offsets(%dma_start3A_104 : memref<40xi32, #tpu.memory_space<vmem>>) semaphore(%arg21 : memref<!tpu.dma_semaphore, #tpu.memory_space<semaphore_mem>>) {add = true}
    %dma_wait3A_108 = arith.constant 2 : i32
    %dma_wait3A_109 = arith.constant 0 : i32
    %dma_wait3A_110 = tpu.memref_slice %arg7[%dma_wait3A_108, %dma_wait3A_109] : memref<250x40xi32, #tpu.memory_space<vmem>> -> memref<1x40xi32, #tpu.memory_space<vmem>>
    %dma_wait3A_111 = tpu.memref_squeeze %dma_wait3A_110 : memref<1x40xi32, #tpu.memory_space<vmem>> -> memref<40xi32, #tpu.memory_space<vmem>>
    %dma_wait3A_112 = arith.constant 0 : i32
    %dma_wait3A_113 = arith.constant 0 : i32
    %dma_wait3A_114 = tpu.memref_slice %arg2[%arg0, %dma_wait3A_112, %dma_wait3A_113] : memref<2x10000x128xf32, #tpu.memory_space<hbm>> -> memref<1x10000x128xf32, #tpu.memory_space<hbm>>
    %dma_wait3A_115 = tpu.memref_squeeze %dma_wait3A_114 : memref<1x10000x128xf32, #tpu.memory_space<hbm>> -> memref<10000x128xf32, #tpu.memory_space<hbm>>
    %dma_wait3A_116 = arith.constant 0 : i32
    %dma_wait3A_117 = arith.constant 0 : i32
    %dma_wait3A_118 = tpu.memref_slice %dma_wait3A_115[%dma_wait3A_116, %dma_wait3A_117] : memref<10000x128xf32, #tpu.memory_space<hbm>> -> memref<10000x128xf32, #tpu.memory_space<hbm>>
    tpu.wait_indirect_dma semaphore(%arg17 : memref<!tpu.dma_semaphore, #tpu.memory_space<semaphore_mem>>) src(%dma_wait3A_118 : memref<10000x128xf32, #tpu.memory_space<hbm>>) dst(%arg12 : memref<40x128xf32, #tpu.memory_space<vmem>>)
    %dma_wait3A_119 = arith.constant 1 : i32
    %dma_wait3A_120 = arith.constant 0 : i32
    %dma_wait3A_121 = tpu.memref_slice %arg8[%dma_wait3A_119, %dma_wait3A_120] : memref<250x40xi32, #tpu.memory_space<vmem>> -> memref<1x40xi32, #tpu.memory_space<vmem>>
    %dma_wait3A_122 = tpu.memref_squeeze %dma_wait3A_121 : memref<1x40xi32, #tpu.memory_space<vmem>> -> memref<40xi32, #tpu.memory_space<vmem>>
    %dma_wait3A_123 = arith.constant 0 : i32
    %dma_wait3A_124 = arith.constant 0 : i32
    %dma_wait3A_125 = tpu.memref_slice %arg9[%dma_wait3A_123, %dma_wait3A_124] : memref<10000x128xf32, #tpu.memory_space<vmem_shared>> -> memref<10000x128xf32, #tpu.memory_space<vmem_shared>>
    tpu.wait_indirect_dma semaphore(%arg21 : memref<!tpu.dma_semaphore, #tpu.memory_space<semaphore_mem>>) src(%arg11 : memref<40x128xf32, #tpu.memory_space<vmem>>) dst(%dma_wait3A_125 : memref<10000x128xf32, #tpu.memory_space<vmem_shared>>)
    %dma_start3A_126 = arith.constant 6 : i32
    %dma_start3A_127 = arith.constant 0 : i32
    %dma_start3A_128 = tpu.memref_slice %arg7[%dma_start3A_126, %dma_start3A_127] : memref<250x40xi32, #tpu.memory_space<vmem>> -> memref<1x40xi32, #tpu.memory_space<vmem>>
    %dma_start3A_129 = tpu.memref_squeeze %dma_start3A_128 : memref<1x40xi32, #tpu.memory_space<vmem>> -> memref<40xi32, #tpu.memory_space<vmem>>
    %dma_start3A_130 = arith.constant 0 : i32
    %dma_start3A_131 = arith.constant 0 : i32
    %dma_start3A_132 = tpu.memref_slice %arg2[%arg0, %dma_start3A_130, %dma_start3A_131] : memref<2x10000x128xf32, #tpu.memory_space<hbm>> -> memref<1x10000x128xf32, #tpu.memory_space<hbm>>
    %dma_start3A_133 = tpu.memref_squeeze %dma_start3A_132 : memref<1x10000x128xf32, #tpu.memory_space<hbm>> -> memref<10000x128xf32, #tpu.memory_space<hbm>>
    %dma_start3A_134 = arith.constant 0 : i32
    %dma_start3A_135 = arith.constant 0 : i32
    %dma_start3A_136 = tpu.memref_slice %dma_start3A_133[%dma_start3A_134, %dma_start3A_135] : memref<10000x128xf32, #tpu.memory_space<hbm>> -> memref<10000x128xf32, #tpu.memory_space<hbm>>
    tpu.enqueue_indirect_dma source(%dma_start3A_136 : memref<10000x128xf32, #tpu.memory_space<hbm>>) target(%arg11 : memref<40x128xf32, #tpu.memory_space<vmem>>) offsets(%dma_start3A_129 : memref<40xi32, #tpu.memory_space<vmem>>) semaphore(%arg16 : memref<!tpu.dma_semaphore, #tpu.memory_space<semaphore_mem>>)
    %dma_start3A_137 = arith.constant 2 : i32
    %dma_start3A_138 = arith.constant 0 : i32
    %dma_start3A_139 = tpu.memref_slice %arg8[%dma_start3A_137, %dma_start3A_138] : memref<250x40xi32, #tpu.memory_space<vmem>> -> memref<1x40xi32, #tpu.memory_space<vmem>>
    %dma_start3A_140 = tpu.memref_squeeze %dma_start3A_139 : memref<1x40xi32, #tpu.memory_space<vmem>> -> memref<40xi32, #tpu.memory_space<vmem>>
    %dma_start3A_141 = arith.constant 0 : i32
    %dma_start3A_142 = arith.constant 0 : i32
    %dma_start3A_143 = tpu.memref_slice %arg9[%dma_start3A_141, %dma_start3A_142] : memref<10000x128xf32, #tpu.memory_space<vmem_shared>> -> memref<10000x128xf32, #tpu.memory_space<vmem_shared>>
    tpu.enqueue_indirect_dma source(%arg12 : memref<40x128xf32, #tpu.memory_space<vmem>>) target(%dma_start3A_143 : memref<10000x128xf32, #tpu.memory_space<vmem_shared>>) offsets(%dma_start3A_140 : memref<40xi32, #tpu.memory_space<vmem>>) semaphore(%arg22 : memref<!tpu.dma_semaphore, #tpu.memory_space<semaphore_mem>>) {add = true}
    %dma_wait3A_144 = arith.constant 3 : i32
    %dma_wait3A_145 = arith.constant 0 : i32
    %dma_wait3A_146 = tpu.memref_slice %arg7[%dma_wait3A_144, %dma_wait3A_145] : memref<250x40xi32, #tpu.memory_space<vmem>> -> memref<1x40xi32, #tpu.memory_space<vmem>>
    %dma_wait3A_147 = tpu.memref_squeeze %dma_wait3A_146 : memref<1x40xi32, #tpu.memory_space<vmem>> -> memref<40xi32, #tpu.memory_space<vmem>>
    %dma_wait3A_148 = arith.constant 0 : i32
    %dma_wait3A_149 = arith.constant 0 : i32
    %dma_wait3A_150 = tpu.memref_slice %arg2[%arg0, %dma_wait3A_148, %dma_wait3A_149] : memref<2x10000x128xf32, #tpu.memory_space<hbm>> -> memref<1x10000x128xf32, #tpu.memory_space<hbm>>
    %dma_wait3A_151 = tpu.memref_squeeze %dma_wait3A_150 : memref<1x10000x128xf32, #tpu.memory_space<hbm>> -> memref<10000x128xf32, #tpu.memory_space<hbm>>
    %dma_wait3A_152 = arith.constant 0 : i32
    %dma_wait3A_153 = arith.constant 0 : i32
    %dma_wait3A_154 = tpu.memref_slice %dma_wait3A_151[%dma_wait3A_152, %dma_wait3A_153] : memref<10000x128xf32, #tpu.memory_space<hbm>> -> memref<10000x128xf32, #tpu.memory_space<hbm>>
    tpu.wait_indirect_dma semaphore(%arg18 : memref<!tpu.dma_semaphore, #tpu.memory_space<semaphore_mem>>) src(%dma_wait3A_154 : memref<10000x128xf32, #tpu.memory_space<hbm>>) dst(%arg13 : memref<40x128xf32, #tpu.memory_space<vmem>>)
    %dma_wait3A_155 = arith.constant 2 : i32
    %dma_wait3A_156 = arith.constant 0 : i32
    %dma_wait3A_157 = tpu.memref_slice %arg8[%dma_wait3A_155, %dma_wait3A_156] : memref<250x40xi32, #tpu.memory_space<vmem>> -> memref<1x40xi32, #tpu.memory_space<vmem>>
    %dma_wait3A_158 = tpu.memref_squeeze %dma_wait3A_157 : memref<1x40xi32, #tpu.memory_space<vmem>> -> memref<40xi32, #tpu.memory_space<vmem>>
    %dma_wait3A_159 = arith.constant 0 : i32
    %dma_wait3A_160 = arith.constant 0 : i32
    %dma_wait3A_161 = tpu.memref_slice %arg9[%dma_wait3A_159, %dma_wait3A_160] : memref<10000x128xf32, #tpu.memory_space<vmem_shared>> -> memref<10000x128xf32, #tpu.memory_space<vmem_shared>>
    tpu.wait_indirect_dma semaphore(%arg22 : memref<!tpu.dma_semaphore, #tpu.memory_space<semaphore_mem>>) src(%arg12 : memref<40x128xf32, #tpu.memory_space<vmem>>) dst(%dma_wait3A_161 : memref<10000x128xf32, #tpu.memory_space<vmem_shared>>)
    %dma_start3A_162 = arith.constant 7 : i32
    %dma_start3A_163 = arith.constant 0 : i32
    %dma_start3A_164 = tpu.memref_slice %arg7[%dma_start3A_162, %dma_start3A_163] : memref<250x40xi32, #tpu.memory_space<vmem>> -> memref<1x40xi32, #tpu.memory_space<vmem>>
    %dma_start3A_165 = tpu.memref_squeeze %dma_start3A_164 : memref<1x40xi32, #tpu.memory_space<vmem>> -> memref<40xi32, #tpu.memory_space<vmem>>
    %dma_start3A_166 = arith.constant 0 : i32
    %dma_start3A_167 = arith.constant 0 : i32
    %dma_start3A_168 = tpu.memref_slice %arg2[%arg0, %dma_start3A_166, %dma_start3A_167] : memref<2x10000x128xf32, #tpu.memory_space<hbm>> -> memref<1x10000x128xf32, #tpu.memory_space<hbm>>
    %dma_start3A_169 = tpu.memref_squeeze %dma_start3A_168 : memref<1x10000x128xf32, #tpu.memory_space<hbm>> -> memref<10000x128xf32, #tpu.memory_space<hbm>>
    %dma_start3A_170 = arith.constant 0 : i32
    %dma_start3A_171 = arith.constant 0 : i32
    %dma_start3A_172 = tpu.memref_slice %dma_start3A_169[%dma_start3A_170, %dma_start3A_171] : memref<10000x128xf32, #tpu.memory_space<hbm>> -> memref<10000x128xf32, #tpu.memory_space<hbm>>
    tpu.enqueue_indirect_dma source(%dma_start3A_172 : memref<10000x128xf32, #tpu.memory_space<hbm>>) target(%arg12 : memref<40x128xf32, #tpu.memory_space<vmem>>) offsets(%dma_start3A_165 : memref<40xi32, #tpu.memory_space<vmem>>) semaphore(%arg17 : memref<!tpu.dma_semaphore, #tpu.memory_space<semaphore_mem>>)
    %dma_start3A_173 = arith.constant 3 : i32
    %dma_start3A_174 = arith.constant 0 : i32
    %dma_start3A_175 = tpu.memref_slice %arg8[%dma_start3A_173, %dma_start3A_174] : memref<250x40xi32, #tpu.memory_space<vmem>> -> memref<1x40xi32, #tpu.memory_space<vmem>>
    %dma_start3A_176 = tpu.memref_squeeze %dma_start3A_175 : memref<1x40xi32, #tpu.memory_space<vmem>> -> memref<40xi32, #tpu.memory_space<vmem>>
    %dma_start3A_177 = arith.constant 0 : i32
    %dma_start3A_178 = arith.constant 0 : i32
    %dma_start3A_179 = tpu.memref_slice %arg9[%dma_start3A_177, %dma_start3A_178] : memref<10000x128xf32, #tpu.memory_space<vmem_shared>> -> memref<10000x128xf32, #tpu.memory_space<vmem_shared>>
    tpu.enqueue_indirect_dma source(%arg13 : memref<40x128xf32, #tpu.memory_space<vmem>>) target(%dma_start3A_179 : memref<10000x128xf32, #tpu.memory_space<vmem_shared>>) offsets(%dma_start3A_176 : memref<40xi32, #tpu.memory_space<vmem>>) semaphore(%arg23 : memref<!tpu.dma_semaphore, #tpu.memory_space<semaphore_mem>>) {add = true}
    %dma_wait3A_180 = arith.constant 4 : i32
    %dma_wait3A_181 = arith.constant 0 : i32
    %dma_wait3A_182 = tpu.memref_slice %arg7[%dma_wait3A_180, %dma_wait3A_181] : memref<250x40xi32, #tpu.memory_space<vmem>> -> memref<1x40xi32, #tpu.memory_space<vmem>>
    %dma_wait3A_183 = tpu.memref_squeeze %dma_wait3A_182 : memref<1x40xi32, #tpu.memory_space<vmem>> -> memref<40xi32, #tpu.memory_space<vmem>>
    %dma_wait3A_184 = arith.constant 0 : i32
    %dma_wait3A_185 = arith.constant 0 : i32
    %dma_wait3A_186 = tpu.memref_slice %arg2[%arg0, %dma_wait3A_184, %dma_wait3A_185] : memref<2x10000x128xf32, #tpu.memory_space<hbm>> -> memref<1x10000x128xf32, #tpu.memory_space<hbm>>
    %dma_wait3A_187 = tpu.memref_squeeze %dma_wait3A_186 : memref<1x10000x128xf32, #tpu.memory_space<hbm>> -> memref<10000x128xf32, #tpu.memory_space<hbm>>
    %dma_wait3A_188 = arith.constant 0 : i32
    %dma_wait3A_189 = arith.constant 0 : i32
    %dma_wait3A_190 = tpu.memref_slice %dma_wait3A_187[%dma_wait3A_188, %dma_wait3A_189] : memref<10000x128xf32, #tpu.memory_space<hbm>> -> memref<10000x128xf32, #tpu.memory_space<hbm>>
    tpu.wait_indirect_dma semaphore(%arg19 : memref<!tpu.dma_semaphore, #tpu.memory_space<semaphore_mem>>) src(%dma_wait3A_190 : memref<10000x128xf32, #tpu.memory_space<hbm>>) dst(%arg14 : memref<40x128xf32, #tpu.memory_space<vmem>>)
    %dma_wait3A_191 = arith.constant 3 : i32
    %dma_wait3A_192 = arith.constant 0 : i32
    %dma_wait3A_193 = tpu.memref_slice %arg8[%dma_wait3A_191, %dma_wait3A_192] : memref<250x40xi32, #tpu.memory_space<vmem>> -> memref<1x40xi32, #tpu.memory_space<vmem>>
    %dma_wait3A_194 = tpu.memref_squeeze %dma_wait3A_193 : memref<1x40xi32, #tpu.memory_space<vmem>> -> memref<40xi32, #tpu.memory_space<vmem>>
    %dma_wait3A_195 = arith.constant 0 : i32
    %dma_wait3A_196 = arith.constant 0 : i32
    %dma_wait3A_197 = tpu.memref_slice %arg9[%dma_wait3A_195, %dma_wait3A_196] : memref<10000x128xf32, #tpu.memory_space<vmem_shared>> -> memref<10000x128xf32, #tpu.memory_space<vmem_shared>>
    tpu.wait_indirect_dma semaphore(%arg23 : memref<!tpu.dma_semaphore, #tpu.memory_space<semaphore_mem>>) src(%arg13 : memref<40x128xf32, #tpu.memory_space<vmem>>) dst(%dma_wait3A_197 : memref<10000x128xf32, #tpu.memory_space<vmem_shared>>)
    %dma_start3A_198 = arith.constant 8 : i32
    %dma_start3A_199 = arith.constant 0 : i32
    %dma_start3A_200 = tpu.memref_slice %arg7[%dma_start3A_198, %dma_start3A_199] : memref<250x40xi32, #tpu.memory_space<vmem>> -> memref<1x40xi32, #tpu.memory_space<vmem>>
    %dma_start3A_201 = tpu.memref_squeeze %dma_start3A_200 : memref<1x40xi32, #tpu.memory_space<vmem>> -> memref<40xi32, #tpu.memory_space<vmem>>
    %dma_start3A_202 = arith.constant 0 : i32
    %dma_start3A_203 = arith.constant 0 : i32
    %dma_start3A_204 = tpu.memref_slice %arg2[%arg0, %dma_start3A_202, %dma_start3A_203] : memref<2x10000x128xf32, #tpu.memory_space<hbm>> -> memref<1x10000x128xf32, #tpu.memory_space<hbm>>
    %dma_start3A_205 = tpu.memref_squeeze %dma_start3A_204 : memref<1x10000x128xf32, #tpu.memory_space<hbm>> -> memref<10000x128xf32, #tpu.memory_space<hbm>>
    %dma_start3A_206 = arith.constant 0 : i32
    %dma_start3A_207 = arith.constant 0 : i32
    %dma_start3A_208 = tpu.memref_slice %dma_start3A_205[%dma_start3A_206, %dma_start3A_207] : memref<10000x128xf32, #tpu.memory_space<hbm>> -> memref<10000x128xf32, #tpu.memory_space<hbm>>
    tpu.enqueue_indirect_dma source(%dma_start3A_208 : memref<10000x128xf32, #tpu.memory_space<hbm>>) target(%arg13 : memref<40x128xf32, #tpu.memory_space<vmem>>) offsets(%dma_start3A_201 : memref<40xi32, #tpu.memory_space<vmem>>) semaphore(%arg18 : memref<!tpu.dma_semaphore, #tpu.memory_space<semaphore_mem>>)
    %dma_start3A_209 = arith.constant 4 : i32
    %dma_start3A_210 = arith.constant 0 : i32
    %dma_start3A_211 = tpu.memref_slice %arg8[%dma_start3A_209, %dma_start3A_210] : memref<250x40xi32, #tpu.memory_space<vmem>> -> memref<1x40xi32, #tpu.memory_space<vmem>>
    %dma_start3A_212 = tpu.memref_squeeze %dma_start3A_211 : memref<1x40xi32, #tpu.memory_space<vmem>> -> memref<40xi32, #tpu.memory_space<vmem>>
    %dma_start3A_213 = arith.constant 0 : i32
    %dma_start3A_214 = arith.constant 0 : i32
    %dma_start3A_215 = tpu.memref_slice %arg9[%dma_start3A_213, %dma_start3A_214] : memref<10000x128xf32, #tpu.memory_space<vmem_shared>> -> memref<10000x128xf32, #tpu.memory_space<vmem_shared>>
    tpu.enqueue_indirect_dma source(%arg14 : memref<40x128xf32, #tpu.memory_space<vmem>>) target(%dma_start3A_215 : memref<10000x128xf32, #tpu.memory_space<vmem_shared>>) offsets(%dma_start3A_212 : memref<40xi32, #tpu.memory_space<vmem>>) semaphore(%arg24 : memref<!tpu.dma_semaphore, #tpu.memory_space<semaphore_mem>>) {add = true}
    %scan3A = arith.constant 0 : i32
    %scan3A_216 = arith.constant 1 : i32
    %scan3A_217 = arith.constant 48 : i32
    %scan3A_218 = arith.addi %scan3A_216, %scan3A_217 : i32
    %scan3A_219 = arith.constant 1 : i32
    scf.for %scan3A_369 = %scan3A_216 to %scan3A_218 step %scan3A_219  : i32 {
      %mul3A_370 = arith.constant 5 : i32
      %mul3A_371 = arith.muli %scan3A_369, %mul3A_370 : i32
      %add3A = arith.constant 0 : i32
      %add3A_372 = arith.addi %mul3A_371, %add3A : i32
      %dma_wait3A_373 = arith.constant 0 : i32
      %dma_wait3A_374 = tpu.memref_slice %arg7[%add3A_372, %dma_wait3A_373] : memref<250x40xi32, #tpu.memory_space<vmem>> -> memref<1x40xi32, #tpu.memory_space<vmem>>
      %dma_wait3A_375 = tpu.memref_squeeze %dma_wait3A_374 : memref<1x40xi32, #tpu.memory_space<vmem>> -> memref<40xi32, #tpu.memory_space<vmem>>
      %dma_wait3A_376 = arith.constant 0 : i32
      %dma_wait3A_377 = arith.constant 0 : i32
      %dma_wait3A_378 = tpu.memref_slice %arg2[%arg0, %dma_wait3A_376, %dma_wait3A_377] : memref<2x10000x128xf32, #tpu.memory_space<hbm>> -> memref<1x10000x128xf32, #tpu.memory_space<hbm>>
      %dma_wait3A_379 = tpu.memref_squeeze %dma_wait3A_378 : memref<1x10000x128xf32, #tpu.memory_space<hbm>> -> memref<10000x128xf32, #tpu.memory_space<hbm>>
      %dma_wait3A_380 = arith.constant 0 : i32
      %dma_wait3A_381 = arith.constant 0 : i32
      %dma_wait3A_382 = tpu.memref_slice %dma_wait3A_379[%dma_wait3A_380, %dma_wait3A_381] : memref<10000x128xf32, #tpu.memory_space<hbm>> -> memref<10000x128xf32, #tpu.memory_space<hbm>>
      tpu.wait_indirect_dma semaphore(%arg15 : memref<!tpu.dma_semaphore, #tpu.memory_space<semaphore_mem>>) src(%dma_wait3A_382 : memref<10000x128xf32, #tpu.memory_space<hbm>>) dst(%arg10 : memref<40x128xf32, #tpu.memory_space<vmem>>)
      %sub3A = arith.constant 1 : i32
      %sub3A_383 = arith.subi %add3A_372, %sub3A : i32
      %dma_wait3A_384 = arith.constant 0 : i32
      %dma_wait3A_385 = tpu.memref_slice %arg8[%sub3A_383, %dma_wait3A_384] : memref<250x40xi32, #tpu.memory_space<vmem>> -> memref<1x40xi32, #tpu.memory_space<vmem>>
      %dma_wait3A_386 = tpu.memref_squeeze %dma_wait3A_385 : memref<1x40xi32, #tpu.memory_space<vmem>> -> memref<40xi32, #tpu.memory_space<vmem>>
      %dma_wait3A_387 = arith.constant 0 : i32
      %dma_wait3A_388 = arith.constant 0 : i32
      %dma_wait3A_389 = tpu.memref_slice %arg9[%dma_wait3A_387, %dma_wait3A_388] : memref<10000x128xf32, #tpu.memory_space<vmem_shared>> -> memref<10000x128xf32, #tpu.memory_space<vmem_shared>>
      tpu.wait_indirect_dma semaphore(%arg24 : memref<!tpu.dma_semaphore, #tpu.memory_space<semaphore_mem>>) src(%arg14 : memref<40x128xf32, #tpu.memory_space<vmem>>) dst(%dma_wait3A_389 : memref<10000x128xf32, #tpu.memory_space<vmem_shared>>)
      %add3A_390 = arith.constant 4 : i32
      %add3A_391 = arith.addi %add3A_372, %add3A_390 : i32
      %dma_start3A_392 = arith.constant 0 : i32
      %dma_start3A_393 = tpu.memref_slice %arg7[%add3A_391, %dma_start3A_392] : memref<250x40xi32, #tpu.memory_space<vmem>> -> memref<1x40xi32, #tpu.memory_space<vmem>>
      %dma_start3A_394 = tpu.memref_squeeze %dma_start3A_393 : memref<1x40xi32, #tpu.memory_space<vmem>> -> memref<40xi32, #tpu.memory_space<vmem>>
      %dma_start3A_395 = arith.constant 0 : i32
      %dma_start3A_396 = arith.constant 0 : i32
      %dma_start3A_397 = tpu.memref_slice %arg2[%arg0, %dma_start3A_395, %dma_start3A_396] : memref<2x10000x128xf32, #tpu.memory_space<hbm>> -> memref<1x10000x128xf32, #tpu.memory_space<hbm>>
      %dma_start3A_398 = tpu.memref_squeeze %dma_start3A_397 : memref<1x10000x128xf32, #tpu.memory_space<hbm>> -> memref<10000x128xf32, #tpu.memory_space<hbm>>
      %dma_start3A_399 = arith.constant 0 : i32
      %dma_start3A_400 = arith.constant 0 : i32
      %dma_start3A_401 = tpu.memref_slice %dma_start3A_398[%dma_start3A_399, %dma_start3A_400] : memref<10000x128xf32, #tpu.memory_space<hbm>> -> memref<10000x128xf32, #tpu.memory_space<hbm>>
      tpu.enqueue_indirect_dma source(%dma_start3A_401 : memref<10000x128xf32, #tpu.memory_space<hbm>>) target(%arg14 : memref<40x128xf32, #tpu.memory_space<vmem>>) offsets(%dma_start3A_394 : memref<40xi32, #tpu.memory_space<vmem>>) semaphore(%arg19 : memref<!tpu.dma_semaphore, #tpu.memory_space<semaphore_mem>>)
      %dma_start3A_402 = arith.constant 0 : i32
      %dma_start3A_403 = tpu.memref_slice %arg8[%add3A_372, %dma_start3A_402] : memref<250x40xi32, #tpu.memory_space<vmem>> -> memref<1x40xi32, #tpu.memory_space<vmem>>
      %dma_start3A_404 = tpu.memref_squeeze %dma_start3A_403 : memref<1x40xi32, #tpu.memory_space<vmem>> -> memref<40xi32, #tpu.memory_space<vmem>>
      %dma_start3A_405 = arith.constant 0 : i32
      %dma_start3A_406 = arith.constant 0 : i32
      %dma_start3A_407 = tpu.memref_slice %arg9[%dma_start3A_405, %dma_start3A_406] : memref<10000x128xf32, #tpu.memory_space<vmem_shared>> -> memref<10000x128xf32, #tpu.memory_space<vmem_shared>>
      tpu.enqueue_indirect_dma source(%arg10 : memref<40x128xf32, #tpu.memory_space<vmem>>) target(%dma_start3A_407 : memref<10000x128xf32, #tpu.memory_space<vmem_shared>>) offsets(%dma_start3A_404 : memref<40xi32, #tpu.memory_space<vmem>>) semaphore(%arg20 : memref<!tpu.dma_semaphore, #tpu.memory_space<semaphore_mem>>) {add = true}
      %mul3A_408 = arith.constant 5 : i32
      %mul3A_409 = arith.muli %scan3A_369, %mul3A_408 : i32
      %add3A_410 = arith.constant 1 : i32
      %add3A_411 = arith.addi %mul3A_409, %add3A_410 : i32
      %dma_wait3A_412 = arith.constant 0 : i32
      %dma_wait3A_413 = tpu.memref_slice %arg7[%add3A_411, %dma_wait3A_412] : memref<250x40xi32, #tpu.memory_space<vmem>> -> memref<1x40xi32, #tpu.memory_space<vmem>>
      %dma_wait3A_414 = tpu.memref_squeeze %dma_wait3A_413 : memref<1x40xi32, #tpu.memory_space<vmem>> -> memref<40xi32, #tpu.memory_space<vmem>>
      %dma_wait3A_415 = arith.constant 0 : i32
      %dma_wait3A_416 = arith.constant 0 : i32
      %dma_wait3A_417 = tpu.memref_slice %arg2[%arg0, %dma_wait3A_415, %dma_wait3A_416] : memref<2x10000x128xf32, #tpu.memory_space<hbm>> -> memref<1x10000x128xf32, #tpu.memory_space<hbm>>
      %dma_wait3A_418 = tpu.memref_squeeze %dma_wait3A_417 : memref<1x10000x128xf32, #tpu.memory_space<hbm>> -> memref<10000x128xf32, #tpu.memory_space<hbm>>
      %dma_wait3A_419 = arith.constant 0 : i32
      %dma_wait3A_420 = arith.constant 0 : i32
      %dma_wait3A_421 = tpu.memref_slice %dma_wait3A_418[%dma_wait3A_419, %dma_wait3A_420] : memref<10000x128xf32, #tpu.memory_space<hbm>> -> memref<10000x128xf32, #tpu.memory_space<hbm>>
      tpu.wait_indirect_dma semaphore(%arg16 : memref<!tpu.dma_semaphore, #tpu.memory_space<semaphore_mem>>) src(%dma_wait3A_421 : memref<10000x128xf32, #tpu.memory_space<hbm>>) dst(%arg11 : memref<40x128xf32, #tpu.memory_space<vmem>>)
      %sub3A_422 = arith.constant 1 : i32
      %sub3A_423 = arith.subi %add3A_411, %sub3A_422 : i32
      %dma_wait3A_424 = arith.constant 0 : i32
      %dma_wait3A_425 = tpu.memref_slice %arg8[%sub3A_423, %dma_wait3A_424] : memref<250x40xi32, #tpu.memory_space<vmem>> -> memref<1x40xi32, #tpu.memory_space<vmem>>
      %dma_wait3A_426 = tpu.memref_squeeze %dma_wait3A_425 : memref<1x40xi32, #tpu.memory_space<vmem>> -> memref<40xi32, #tpu.memory_space<vmem>>
      %dma_wait3A_427 = arith.constant 0 : i32
      %dma_wait3A_428 = arith.constant 0 : i32
      %dma_wait3A_429 = tpu.memref_slice %arg9[%dma_wait3A_427, %dma_wait3A_428] : memref<10000x128xf32, #tpu.memory_space<vmem_shared>> -> memref<10000x128xf32, #tpu.memory_space<vmem_shared>>
      tpu.wait_indirect_dma semaphore(%arg20 : memref<!tpu.dma_semaphore, #tpu.memory_space<semaphore_mem>>) src(%arg10 : memref<40x128xf32, #tpu.memory_space<vmem>>) dst(%dma_wait3A_429 : memref<10000x128xf32, #tpu.memory_space<vmem_shared>>)
      %add3A_430 = arith.constant 4 : i32
      %add3A_431 = arith.addi %add3A_411, %add3A_430 : i32
      %dma_start3A_432 = arith.constant 0 : i32
      %dma_start3A_433 = tpu.memref_slice %arg7[%add3A_431, %dma_start3A_432] : memref<250x40xi32, #tpu.memory_space<vmem>> -> memref<1x40xi32, #tpu.memory_space<vmem>>
      %dma_start3A_434 = tpu.memref_squeeze %dma_start3A_433 : memref<1x40xi32, #tpu.memory_space<vmem>> -> memref<40xi32, #tpu.memory_space<vmem>>
      %dma_start3A_435 = arith.constant 0 : i32
      %dma_start3A_436 = arith.constant 0 : i32
      %dma_start3A_437 = tpu.memref_slice %arg2[%arg0, %dma_start3A_435, %dma_start3A_436] : memref<2x10000x128xf32, #tpu.memory_space<hbm>> -> memref<1x10000x128xf32, #tpu.memory_space<hbm>>
      %dma_start3A_438 = tpu.memref_squeeze %dma_start3A_437 : memref<1x10000x128xf32, #tpu.memory_space<hbm>> -> memref<10000x128xf32, #tpu.memory_space<hbm>>
      %dma_start3A_439 = arith.constant 0 : i32
      %dma_start3A_440 = arith.constant 0 : i32
      %dma_start3A_441 = tpu.memref_slice %dma_start3A_438[%dma_start3A_439, %dma_start3A_440] : memref<10000x128xf32, #tpu.memory_space<hbm>> -> memref<10000x128xf32, #tpu.memory_space<hbm>>
      tpu.enqueue_indirect_dma source(%dma_start3A_441 : memref<10000x128xf32, #tpu.memory_space<hbm>>) target(%arg10 : memref<40x128xf32, #tpu.memory_space<vmem>>) offsets(%dma_start3A_434 : memref<40xi32, #tpu.memory_space<vmem>>) semaphore(%arg15 : memref<!tpu.dma_semaphore, #tpu.memory_space<semaphore_mem>>)
      %dma_start3A_442 = arith.constant 0 : i32
      %dma_start3A_443 = tpu.memref_slice %arg8[%add3A_411, %dma_start3A_442] : memref<250x40xi32, #tpu.memory_space<vmem>> -> memref<1x40xi32, #tpu.memory_space<vmem>>
      %dma_start3A_444 = tpu.memref_squeeze %dma_start3A_443 : memref<1x40xi32, #tpu.memory_space<vmem>> -> memref<40xi32, #tpu.memory_space<vmem>>
      %dma_start3A_445 = arith.constant 0 : i32
      %dma_start3A_446 = arith.constant 0 : i32
      %dma_start3A_447 = tpu.memref_slice %arg9[%dma_start3A_445, %dma_start3A_446] : memref<10000x128xf32, #tpu.memory_space<vmem_shared>> -> memref<10000x128xf32, #tpu.memory_space<vmem_shared>>
      tpu.enqueue_indirect_dma source(%arg11 : memref<40x128xf32, #tpu.memory_space<vmem>>) target(%dma_start3A_447 : memref<10000x128xf32, #tpu.memory_space<vmem_shared>>) offsets(%dma_start3A_444 : memref<40xi32, #tpu.memory_space<vmem>>) semaphore(%arg21 : memref<!tpu.dma_semaphore, #tpu.memory_space<semaphore_mem>>) {add = true}
      %mul3A_448 = arith.constant 5 : i32
      %mul3A_449 = arith.muli %scan3A_369, %mul3A_448 : i32
      %add3A_450 = arith.constant 2 : i32
      %add3A_451 = arith.addi %mul3A_449, %add3A_450 : i32
      %dma_wait3A_452 = arith.constant 0 : i32
      %dma_wait3A_453 = tpu.memref_slice %arg7[%add3A_451, %dma_wait3A_452] : memref<250x40xi32, #tpu.memory_space<vmem>> -> memref<1x40xi32, #tpu.memory_space<vmem>>
      %dma_wait3A_454 = tpu.memref_squeeze %dma_wait3A_453 : memref<1x40xi32, #tpu.memory_space<vmem>> -> memref<40xi32, #tpu.memory_space<vmem>>
      %dma_wait3A_455 = arith.constant 0 : i32
      %dma_wait3A_456 = arith.constant 0 : i32
      %dma_wait3A_457 = tpu.memref_slice %arg2[%arg0, %dma_wait3A_455, %dma_wait3A_456] : memref<2x10000x128xf32, #tpu.memory_space<hbm>> -> memref<1x10000x128xf32, #tpu.memory_space<hbm>>
      %dma_wait3A_458 = tpu.memref_squeeze %dma_wait3A_457 : memref<1x10000x128xf32, #tpu.memory_space<hbm>> -> memref<10000x128xf32, #tpu.memory_space<hbm>>
      %dma_wait3A_459 = arith.constant 0 : i32
      %dma_wait3A_460 = arith.constant 0 : i32
      %dma_wait3A_461 = tpu.memref_slice %dma_wait3A_458[%dma_wait3A_459, %dma_wait3A_460] : memref<10000x128xf32, #tpu.memory_space<hbm>> -> memref<10000x128xf32, #tpu.memory_space<hbm>>
      tpu.wait_indirect_dma semaphore(%arg17 : memref<!tpu.dma_semaphore, #tpu.memory_space<semaphore_mem>>) src(%dma_wait3A_461 : memref<10000x128xf32, #tpu.memory_space<hbm>>) dst(%arg12 : memref<40x128xf32, #tpu.memory_space<vmem>>)
      %sub3A_462 = arith.constant 1 : i32
      %sub3A_463 = arith.subi %add3A_451, %sub3A_462 : i32
      %dma_wait3A_464 = arith.constant 0 : i32
      %dma_wait3A_465 = tpu.memref_slice %arg8[%sub3A_463, %dma_wait3A_464] : memref<250x40xi32, #tpu.memory_space<vmem>> -> memref<1x40xi32, #tpu.memory_space<vmem>>
      %dma_wait3A_466 = tpu.memref_squeeze %dma_wait3A_465 : memref<1x40xi32, #tpu.memory_space<vmem>> -> memref<40xi32, #tpu.memory_space<vmem>>
      %dma_wait3A_467 = arith.constant 0 : i32
      %dma_wait3A_468 = arith.constant 0 : i32
      %dma_wait3A_469 = tpu.memref_slice %arg9[%dma_wait3A_467, %dma_wait3A_468] : memref<10000x128xf32, #tpu.memory_space<vmem_shared>> -> memref<10000x128xf32, #tpu.memory_space<vmem_shared>>
      tpu.wait_indirect_dma semaphore(%arg21 : memref<!tpu.dma_semaphore, #tpu.memory_space<semaphore_mem>>) src(%arg11 : memref<40x128xf32, #tpu.memory_space<vmem>>) dst(%dma_wait3A_469 : memref<10000x128xf32, #tpu.memory_space<vmem_shared>>)
      %add3A_470 = arith.constant 4 : i32
      %add3A_471 = arith.addi %add3A_451, %add3A_470 : i32
      %dma_start3A_472 = arith.constant 0 : i32
      %dma_start3A_473 = tpu.memref_slice %arg7[%add3A_471, %dma_start3A_472] : memref<250x40xi32, #tpu.memory_space<vmem>> -> memref<1x40xi32, #tpu.memory_space<vmem>>
      %dma_start3A_474 = tpu.memref_squeeze %dma_start3A_473 : memref<1x40xi32, #tpu.memory_space<vmem>> -> memref<40xi32, #tpu.memory_space<vmem>>
      %dma_start3A_475 = arith.constant 0 : i32
      %dma_start3A_476 = arith.constant 0 : i32
      %dma_start3A_477 = tpu.memref_slice %arg2[%arg0, %dma_start3A_475, %dma_start3A_476] : memref<2x10000x128xf32, #tpu.memory_space<hbm>> -> memref<1x10000x128xf32, #tpu.memory_space<hbm>>
      %dma_start3A_478 = tpu.memref_squeeze %dma_start3A_477 : memref<1x10000x128xf32, #tpu.memory_space<hbm>> -> memref<10000x128xf32, #tpu.memory_space<hbm>>
      %dma_start3A_479 = arith.constant 0 : i32
      %dma_start3A_480 = arith.constant 0 : i32
      %dma_start3A_481 = tpu.memref_slice %dma_start3A_478[%dma_start3A_479, %dma_start3A_480] : memref<10000x128xf32, #tpu.memory_space<hbm>> -> memref<10000x128xf32, #tpu.memory_space<hbm>>
      tpu.enqueue_indirect_dma source(%dma_start3A_481 : memref<10000x128xf32, #tpu.memory_space<hbm>>) target(%arg11 : memref<40x128xf32, #tpu.memory_space<vmem>>) offsets(%dma_start3A_474 : memref<40xi32, #tpu.memory_space<vmem>>) semaphore(%arg16 : memref<!tpu.dma_semaphore, #tpu.memory_space<semaphore_mem>>)
      %dma_start3A_482 = arith.constant 0 : i32
      %dma_start3A_483 = tpu.memref_slice %arg8[%add3A_451, %dma_start3A_482] : memref<250x40xi32, #tpu.memory_space<vmem>> -> memref<1x40xi32, #tpu.memory_space<vmem>>
      %dma_start3A_484 = tpu.memref_squeeze %dma_start3A_483 : memref<1x40xi32, #tpu.memory_space<vmem>> -> memref<40xi32, #tpu.memory_space<vmem>>
      %dma_start3A_485 = arith.constant 0 : i32
      %dma_start3A_486 = arith.constant 0 : i32
      %dma_start3A_487 = tpu.memref_slice %arg9[%dma_start3A_485, %dma_start3A_486] : memref<10000x128xf32, #tpu.memory_space<vmem_shared>> -> memref<10000x128xf32, #tpu.memory_space<vmem_shared>>
      tpu.enqueue_indirect_dma source(%arg12 : memref<40x128xf32, #tpu.memory_space<vmem>>) target(%dma_start3A_487 : memref<10000x128xf32, #tpu.memory_space<vmem_shared>>) offsets(%dma_start3A_484 : memref<40xi32, #tpu.memory_space<vmem>>) semaphore(%arg22 : memref<!tpu.dma_semaphore, #tpu.memory_space<semaphore_mem>>) {add = true}
      %mul3A_488 = arith.constant 5 : i32
      %mul3A_489 = arith.muli %scan3A_369, %mul3A_488 : i32
      %add3A_490 = arith.constant 3 : i32
      %add3A_491 = arith.addi %mul3A_489, %add3A_490 : i32
      %dma_wait3A_492 = arith.constant 0 : i32
      %dma_wait3A_493 = tpu.memref_slice %arg7[%add3A_491, %dma_wait3A_492] : memref<250x40xi32, #tpu.memory_space<vmem>> -> memref<1x40xi32, #tpu.memory_space<vmem>>
      %dma_wait3A_494 = tpu.memref_squeeze %dma_wait3A_493 : memref<1x40xi32, #tpu.memory_space<vmem>> -> memref<40xi32, #tpu.memory_space<vmem>>
      %dma_wait3A_495 = arith.constant 0 : i32
      %dma_wait3A_496 = arith.constant 0 : i32
      %dma_wait3A_497 = tpu.memref_slice %arg2[%arg0, %dma_wait3A_495, %dma_wait3A_496] : memref<2x10000x128xf32, #tpu.memory_space<hbm>> -> memref<1x10000x128xf32, #tpu.memory_space<hbm>>
      %dma_wait3A_498 = tpu.memref_squeeze %dma_wait3A_497 : memref<1x10000x128xf32, #tpu.memory_space<hbm>> -> memref<10000x128xf32, #tpu.memory_space<hbm>>
      %dma_wait3A_499 = arith.constant 0 : i32
      %dma_wait3A_500 = arith.constant 0 : i32
      %dma_wait3A_501 = tpu.memref_slice %dma_wait3A_498[%dma_wait3A_499, %dma_wait3A_500] : memref<10000x128xf32, #tpu.memory_space<hbm>> -> memref<10000x128xf32, #tpu.memory_space<hbm>>
      tpu.wait_indirect_dma semaphore(%arg18 : memref<!tpu.dma_semaphore, #tpu.memory_space<semaphore_mem>>) src(%dma_wait3A_501 : memref<10000x128xf32, #tpu.memory_space<hbm>>) dst(%arg13 : memref<40x128xf32, #tpu.memory_space<vmem>>)
      %sub3A_502 = arith.constant 1 : i32
      %sub3A_503 = arith.subi %add3A_491, %sub3A_502 : i32
      %dma_wait3A_504 = arith.constant 0 : i32
      %dma_wait3A_505 = tpu.memref_slice %arg8[%sub3A_503, %dma_wait3A_504] : memref<250x40xi32, #tpu.memory_space<vmem>> -> memref<1x40xi32, #tpu.memory_space<vmem>>
      %dma_wait3A_506 = tpu.memref_squeeze %dma_wait3A_505 : memref<1x40xi32, #tpu.memory_space<vmem>> -> memref<40xi32, #tpu.memory_space<vmem>>
      %dma_wait3A_507 = arith.constant 0 : i32
      %dma_wait3A_508 = arith.constant 0 : i32
      %dma_wait3A_509 = tpu.memref_slice %arg9[%dma_wait3A_507, %dma_wait3A_508] : memref<10000x128xf32, #tpu.memory_space<vmem_shared>> -> memref<10000x128xf32, #tpu.memory_space<vmem_shared>>
      tpu.wait_indirect_dma semaphore(%arg22 : memref<!tpu.dma_semaphore, #tpu.memory_space<semaphore_mem>>) src(%arg12 : memref<40x128xf32, #tpu.memory_space<vmem>>) dst(%dma_wait3A_509 : memref<10000x128xf32, #tpu.memory_space<vmem_shared>>)
      %add3A_510 = arith.constant 4 : i32
      %add3A_511 = arith.addi %add3A_491, %add3A_510 : i32
      %dma_start3A_512 = arith.constant 0 : i32
      %dma_start3A_513 = tpu.memref_slice %arg7[%add3A_511, %dma_start3A_512] : memref<250x40xi32, #tpu.memory_space<vmem>> -> memref<1x40xi32, #tpu.memory_space<vmem>>
      %dma_start3A_514 = tpu.memref_squeeze %dma_start3A_513 : memref<1x40xi32, #tpu.memory_space<vmem>> -> memref<40xi32, #tpu.memory_space<vmem>>
      %dma_start3A_515 = arith.constant 0 : i32
      %dma_start3A_516 = arith.constant 0 : i32
      %dma_start3A_517 = tpu.memref_slice %arg2[%arg0, %dma_start3A_515, %dma_start3A_516] : memref<2x10000x128xf32, #tpu.memory_space<hbm>> -> memref<1x10000x128xf32, #tpu.memory_space<hbm>>
      %dma_start3A_518 = tpu.memref_squeeze %dma_start3A_517 : memref<1x10000x128xf32, #tpu.memory_space<hbm>> -> memref<10000x128xf32, #tpu.memory_space<hbm>>
      %dma_start3A_519 = arith.constant 0 : i32
      %dma_start3A_520 = arith.constant 0 : i32
      %dma_start3A_521 = tpu.memref_slice %dma_start3A_518[%dma_start3A_519, %dma_start3A_520] : memref<10000x128xf32, #tpu.memory_space<hbm>> -> memref<10000x128xf32, #tpu.memory_space<hbm>>
      tpu.enqueue_indirect_dma source(%dma_start3A_521 : memref<10000x128xf32, #tpu.memory_space<hbm>>) target(%arg12 : memref<40x128xf32, #tpu.memory_space<vmem>>) offsets(%dma_start3A_514 : memref<40xi32, #tpu.memory_space<vmem>>) semaphore(%arg17 : memref<!tpu.dma_semaphore, #tpu.memory_space<semaphore_mem>>)
      %dma_start3A_522 = arith.constant 0 : i32
      %dma_start3A_523 = tpu.memref_slice %arg8[%add3A_491, %dma_start3A_522] : memref<250x40xi32, #tpu.memory_space<vmem>> -> memref<1x40xi32, #tpu.memory_space<vmem>>
      %dma_start3A_524 = tpu.memref_squeeze %dma_start3A_523 : memref<1x40xi32, #tpu.memory_space<vmem>> -> memref<40xi32, #tpu.memory_space<vmem>>
      %dma_start3A_525 = arith.constant 0 : i32
      %dma_start3A_526 = arith.constant 0 : i32
      %dma_start3A_527 = tpu.memref_slice %arg9[%dma_start3A_525, %dma_start3A_526] : memref<10000x128xf32, #tpu.memory_space<vmem_shared>> -> memref<10000x128xf32, #tpu.memory_space<vmem_shared>>
      tpu.enqueue_indirect_dma source(%arg13 : memref<40x128xf32, #tpu.memory_space<vmem>>) target(%dma_start3A_527 : memref<10000x128xf32, #tpu.memory_space<vmem_shared>>) offsets(%dma_start3A_524 : memref<40xi32, #tpu.memory_space<vmem>>) semaphore(%arg23 : memref<!tpu.dma_semaphore, #tpu.memory_space<semaphore_mem>>) {add = true}
      %mul3A_528 = arith.constant 5 : i32
      %mul3A_529 = arith.muli %scan3A_369, %mul3A_528 : i32
      %add3A_530 = arith.constant 4 : i32
      %add3A_531 = arith.addi %mul3A_529, %add3A_530 : i32
      %dma_wait3A_532 = arith.constant 0 : i32
      %dma_wait3A_533 = tpu.memref_slice %arg7[%add3A_531, %dma_wait3A_532] : memref<250x40xi32, #tpu.memory_space<vmem>> -> memref<1x40xi32, #tpu.memory_space<vmem>>
      %dma_wait3A_534 = tpu.memref_squeeze %dma_wait3A_533 : memref<1x40xi32, #tpu.memory_space<vmem>> -> memref<40xi32, #tpu.memory_space<vmem>>
      %dma_wait3A_535 = arith.constant 0 : i32
      %dma_wait3A_536 = arith.constant 0 : i32
      %dma_wait3A_537 = tpu.memref_slice %arg2[%arg0, %dma_wait3A_535, %dma_wait3A_536] : memref<2x10000x128xf32, #tpu.memory_space<hbm>> -> memref<1x10000x128xf32, #tpu.memory_space<hbm>>
      %dma_wait3A_538 = tpu.memref_squeeze %dma_wait3A_537 : memref<1x10000x128xf32, #tpu.memory_space<hbm>> -> memref<10000x128xf32, #tpu.memory_space<hbm>>
      %dma_wait3A_539 = arith.constant 0 : i32
      %dma_wait3A_540 = arith.constant 0 : i32
      %dma_wait3A_541 = tpu.memref_slice %dma_wait3A_538[%dma_wait3A_539, %dma_wait3A_540] : memref<10000x128xf32, #tpu.memory_space<hbm>> -> memref<10000x128xf32, #tpu.memory_space<hbm>>
      tpu.wait_indirect_dma semaphore(%arg19 : memref<!tpu.dma_semaphore, #tpu.memory_space<semaphore_mem>>) src(%dma_wait3A_541 : memref<10000x128xf32, #tpu.memory_space<hbm>>) dst(%arg14 : memref<40x128xf32, #tpu.memory_space<vmem>>)
      %sub3A_542 = arith.constant 1 : i32
      %sub3A_543 = arith.subi %add3A_531, %sub3A_542 : i32
      %dma_wait3A_544 = arith.constant 0 : i32
      %dma_wait3A_545 = tpu.memref_slice %arg8[%sub3A_543, %dma_wait3A_544] : memref<250x40xi32, #tpu.memory_space<vmem>> -> memref<1x40xi32, #tpu.memory_space<vmem>>
      %dma_wait3A_546 = tpu.memref_squeeze %dma_wait3A_545 : memref<1x40xi32, #tpu.memory_space<vmem>> -> memref<40xi32, #tpu.memory_space<vmem>>
      %dma_wait3A_547 = arith.constant 0 : i32
      %dma_wait3A_548 = arith.constant 0 : i32
      %dma_wait3A_549 = tpu.memref_slice %arg9[%dma_wait3A_547, %dma_wait3A_548] : memref<10000x128xf32, #tpu.memory_space<vmem_shared>> -> memref<10000x128xf32, #tpu.memory_space<vmem_shared>>
      tpu.wait_indirect_dma semaphore(%arg23 : memref<!tpu.dma_semaphore, #tpu.memory_space<semaphore_mem>>) src(%arg13 : memref<40x128xf32, #tpu.memory_space<vmem>>) dst(%dma_wait3A_549 : memref<10000x128xf32, #tpu.memory_space<vmem_shared>>)
      %add3A_550 = arith.constant 4 : i32
      %add3A_551 = arith.addi %add3A_531, %add3A_550 : i32
      %dma_start3A_552 = arith.constant 0 : i32
      %dma_start3A_553 = tpu.memref_slice %arg7[%add3A_551, %dma_start3A_552] : memref<250x40xi32, #tpu.memory_space<vmem>> -> memref<1x40xi32, #tpu.memory_space<vmem>>
      %dma_start3A_554 = tpu.memref_squeeze %dma_start3A_553 : memref<1x40xi32, #tpu.memory_space<vmem>> -> memref<40xi32, #tpu.memory_space<vmem>>
      %dma_start3A_555 = arith.constant 0 : i32
      %dma_start3A_556 = arith.constant 0 : i32
      %dma_start3A_557 = tpu.memref_slice %arg2[%arg0, %dma_start3A_555, %dma_start3A_556] : memref<2x10000x128xf32, #tpu.memory_space<hbm>> -> memref<1x10000x128xf32, #tpu.memory_space<hbm>>
      %dma_start3A_558 = tpu.memref_squeeze %dma_start3A_557 : memref<1x10000x128xf32, #tpu.memory_space<hbm>> -> memref<10000x128xf32, #tpu.memory_space<hbm>>
      %dma_start3A_559 = arith.constant 0 : i32
      %dma_start3A_560 = arith.constant 0 : i32
      %dma_start3A_561 = tpu.memref_slice %dma_start3A_558[%dma_start3A_559, %dma_start3A_560] : memref<10000x128xf32, #tpu.memory_space<hbm>> -> memref<10000x128xf32, #tpu.memory_space<hbm>>
      tpu.enqueue_indirect_dma source(%dma_start3A_561 : memref<10000x128xf32, #tpu.memory_space<hbm>>) target(%arg13 : memref<40x128xf32, #tpu.memory_space<vmem>>) offsets(%dma_start3A_554 : memref<40xi32, #tpu.memory_space<vmem>>) semaphore(%arg18 : memref<!tpu.dma_semaphore, #tpu.memory_space<semaphore_mem>>)
      %dma_start3A_562 = arith.constant 0 : i32
      %dma_start3A_563 = tpu.memref_slice %arg8[%add3A_531, %dma_start3A_562] : memref<250x40xi32, #tpu.memory_space<vmem>> -> memref<1x40xi32, #tpu.memory_space<vmem>>
      %dma_start3A_564 = tpu.memref_squeeze %dma_start3A_563 : memref<1x40xi32, #tpu.memory_space<vmem>> -> memref<40xi32, #tpu.memory_space<vmem>>
      %dma_start3A_565 = arith.constant 0 : i32
      %dma_start3A_566 = arith.constant 0 : i32
      %dma_start3A_567 = tpu.memref_slice %arg9[%dma_start3A_565, %dma_start3A_566] : memref<10000x128xf32, #tpu.memory_space<vmem_shared>> -> memref<10000x128xf32, #tpu.memory_space<vmem_shared>>
      tpu.enqueue_indirect_dma source(%arg14 : memref<40x128xf32, #tpu.memory_space<vmem>>) target(%dma_start3A_567 : memref<10000x128xf32, #tpu.memory_space<vmem_shared>>) offsets(%dma_start3A_564 : memref<40xi32, #tpu.memory_space<vmem>>) semaphore(%arg24 : memref<!tpu.dma_semaphore, #tpu.memory_space<semaphore_mem>>) {add = true}
    }
    %scan3A_220 = arith.constant 48 : i32
    %dma_wait3A_221 = arith.constant 245 : i32
    %dma_wait3A_222 = arith.constant 0 : i32
    %dma_wait3A_223 = tpu.memref_slice %arg7[%dma_wait3A_221, %dma_wait3A_222] : memref<250x40xi32, #tpu.memory_space<vmem>> -> memref<1x40xi32, #tpu.memory_space<vmem>>
    %dma_wait3A_224 = tpu.memref_squeeze %dma_wait3A_223 : memref<1x40xi32, #tpu.memory_space<vmem>> -> memref<40xi32, #tpu.memory_space<vmem>>
    %dma_wait3A_225 = arith.constant 0 : i32
    %dma_wait3A_226 = arith.constant 0 : i32
    %dma_wait3A_227 = tpu.memref_slice %arg2[%arg0, %dma_wait3A_225, %dma_wait3A_226] : memref<2x10000x128xf32, #tpu.memory_space<hbm>> -> memref<1x10000x128xf32, #tpu.memory_space<hbm>>
    %dma_wait3A_228 = tpu.memref_squeeze %dma_wait3A_227 : memref<1x10000x128xf32, #tpu.memory_space<hbm>> -> memref<10000x128xf32, #tpu.memory_space<hbm>>
    %dma_wait3A_229 = arith.constant 0 : i32
    %dma_wait3A_230 = arith.constant 0 : i32
    %dma_wait3A_231 = tpu.memref_slice %dma_wait3A_228[%dma_wait3A_229, %dma_wait3A_230] : memref<10000x128xf32, #tpu.memory_space<hbm>> -> memref<10000x128xf32, #tpu.memory_space<hbm>>
    tpu.wait_indirect_dma semaphore(%arg15 : memref<!tpu.dma_semaphore, #tpu.memory_space<semaphore_mem>>) src(%dma_wait3A_231 : memref<10000x128xf32, #tpu.memory_space<hbm>>) dst(%arg10 : memref<40x128xf32, #tpu.memory_space<vmem>>)
    %dma_wait3A_232 = arith.constant 244 : i32
    %dma_wait3A_233 = arith.constant 0 : i32
    %dma_wait3A_234 = tpu.memref_slice %arg8[%dma_wait3A_232, %dma_wait3A_233] : memref<250x40xi32, #tpu.memory_space<vmem>> -> memref<1x40xi32, #tpu.memory_space<vmem>>
    %dma_wait3A_235 = tpu.memref_squeeze %dma_wait3A_234 : memref<1x40xi32, #tpu.memory_space<vmem>> -> memref<40xi32, #tpu.memory_space<vmem>>
    %dma_wait3A_236 = arith.constant 0 : i32
    %dma_wait3A_237 = arith.constant 0 : i32
    %dma_wait3A_238 = tpu.memref_slice %arg9[%dma_wait3A_236, %dma_wait3A_237] : memref<10000x128xf32, #tpu.memory_space<vmem_shared>> -> memref<10000x128xf32, #tpu.memory_space<vmem_shared>>
    tpu.wait_indirect_dma semaphore(%arg24 : memref<!tpu.dma_semaphore, #tpu.memory_space<semaphore_mem>>) src(%arg14 : memref<40x128xf32, #tpu.memory_space<vmem>>) dst(%dma_wait3A_238 : memref<10000x128xf32, #tpu.memory_space<vmem_shared>>)
    %dma_start3A_239 = arith.constant 249 : i32
    %dma_start3A_240 = arith.constant 0 : i32
    %dma_start3A_241 = tpu.memref_slice %arg7[%dma_start3A_239, %dma_start3A_240] : memref<250x40xi32, #tpu.memory_space<vmem>> -> memref<1x40xi32, #tpu.memory_space<vmem>>
    %dma_start3A_242 = tpu.memref_squeeze %dma_start3A_241 : memref<1x40xi32, #tpu.memory_space<vmem>> -> memref<40xi32, #tpu.memory_space<vmem>>
    %dma_start3A_243 = arith.constant 0 : i32
    %dma_start3A_244 = arith.constant 0 : i32
    %dma_start3A_245 = tpu.memref_slice %arg2[%arg0, %dma_start3A_243, %dma_start3A_244] : memref<2x10000x128xf32, #tpu.memory_space<hbm>> -> memref<1x10000x128xf32, #tpu.memory_space<hbm>>
    %dma_start3A_246 = tpu.memref_squeeze %dma_start3A_245 : memref<1x10000x128xf32, #tpu.memory_space<hbm>> -> memref<10000x128xf32, #tpu.memory_space<hbm>>
    %dma_start3A_247 = arith.constant 0 : i32
    %dma_start3A_248 = arith.constant 0 : i32
    %dma_start3A_249 = tpu.memref_slice %dma_start3A_246[%dma_start3A_247, %dma_start3A_248] : memref<10000x128xf32, #tpu.memory_space<hbm>> -> memref<10000x128xf32, #tpu.memory_space<hbm>>
    tpu.enqueue_indirect_dma source(%dma_start3A_249 : memref<10000x128xf32, #tpu.memory_space<hbm>>) target(%arg14 : memref<40x128xf32, #tpu.memory_space<vmem>>) offsets(%dma_start3A_242 : memref<40xi32, #tpu.memory_space<vmem>>) semaphore(%arg19 : memref<!tpu.dma_semaphore, #tpu.memory_space<semaphore_mem>>)
    %dma_start3A_250 = arith.constant 245 : i32
    %dma_start3A_251 = arith.constant 0 : i32
    %dma_start3A_252 = tpu.memref_slice %arg8[%dma_start3A_250, %dma_start3A_251] : memref<250x40xi32, #tpu.memory_space<vmem>> -> memref<1x40xi32, #tpu.memory_space<vmem>>
    %dma_start3A_253 = tpu.memref_squeeze %dma_start3A_252 : memref<1x40xi32, #tpu.memory_space<vmem>> -> memref<40xi32, #tpu.memory_space<vmem>>
    %dma_start3A_254 = arith.constant 0 : i32
    %dma_start3A_255 = arith.constant 0 : i32
    %dma_start3A_256 = tpu.memref_slice %arg9[%dma_start3A_254, %dma_start3A_255] : memref<10000x128xf32, #tpu.memory_space<vmem_shared>> -> memref<10000x128xf32, #tpu.memory_space<vmem_shared>>
    tpu.enqueue_indirect_dma source(%arg10 : memref<40x128xf32, #tpu.memory_space<vmem>>) target(%dma_start3A_256 : memref<10000x128xf32, #tpu.memory_space<vmem_shared>>) offsets(%dma_start3A_253 : memref<40xi32, #tpu.memory_space<vmem>>) semaphore(%arg20 : memref<!tpu.dma_semaphore, #tpu.memory_space<semaphore_mem>>) {add = true}
    %dma_wait3A_257 = arith.constant 246 : i32
    %dma_wait3A_258 = arith.constant 0 : i32
    %dma_wait3A_259 = tpu.memref_slice %arg7[%dma_wait3A_257, %dma_wait3A_258] : memref<250x40xi32, #tpu.memory_space<vmem>> -> memref<1x40xi32, #tpu.memory_space<vmem>>
    %dma_wait3A_260 = tpu.memref_squeeze %dma_wait3A_259 : memref<1x40xi32, #tpu.memory_space<vmem>> -> memref<40xi32, #tpu.memory_space<vmem>>
    %dma_wait3A_261 = arith.constant 0 : i32
    %dma_wait3A_262 = arith.constant 0 : i32
    %dma_wait3A_263 = tpu.memref_slice %arg2[%arg0, %dma_wait3A_261, %dma_wait3A_262] : memref<2x10000x128xf32, #tpu.memory_space<hbm>> -> memref<1x10000x128xf32, #tpu.memory_space<hbm>>
    %dma_wait3A_264 = tpu.memref_squeeze %dma_wait3A_263 : memref<1x10000x128xf32, #tpu.memory_space<hbm>> -> memref<10000x128xf32, #tpu.memory_space<hbm>>
    %dma_wait3A_265 = arith.constant 0 : i32
    %dma_wait3A_266 = arith.constant 0 : i32
    %dma_wait3A_267 = tpu.memref_slice %dma_wait3A_264[%dma_wait3A_265, %dma_wait3A_266] : memref<10000x128xf32, #tpu.memory_space<hbm>> -> memref<10000x128xf32, #tpu.memory_space<hbm>>
    tpu.wait_indirect_dma semaphore(%arg16 : memref<!tpu.dma_semaphore, #tpu.memory_space<semaphore_mem>>) src(%dma_wait3A_267 : memref<10000x128xf32, #tpu.memory_space<hbm>>) dst(%arg11 : memref<40x128xf32, #tpu.memory_space<vmem>>)
    %dma_wait3A_268 = arith.constant 245 : i32
    %dma_wait3A_269 = arith.constant 0 : i32
    %dma_wait3A_270 = tpu.memref_slice %arg8[%dma_wait3A_268, %dma_wait3A_269] : memref<250x40xi32, #tpu.memory_space<vmem>> -> memref<1x40xi32, #tpu.memory_space<vmem>>
    %dma_wait3A_271 = tpu.memref_squeeze %dma_wait3A_270 : memref<1x40xi32, #tpu.memory_space<vmem>> -> memref<40xi32, #tpu.memory_space<vmem>>
    %dma_wait3A_272 = arith.constant 0 : i32
    %dma_wait3A_273 = arith.constant 0 : i32
    %dma_wait3A_274 = tpu.memref_slice %arg9[%dma_wait3A_272, %dma_wait3A_273] : memref<10000x128xf32, #tpu.memory_space<vmem_shared>> -> memref<10000x128xf32, #tpu.memory_space<vmem_shared>>
    tpu.wait_indirect_dma semaphore(%arg20 : memref<!tpu.dma_semaphore, #tpu.memory_space<semaphore_mem>>) src(%arg10 : memref<40x128xf32, #tpu.memory_space<vmem>>) dst(%dma_wait3A_274 : memref<10000x128xf32, #tpu.memory_space<vmem_shared>>)
    %dma_start3A_275 = arith.constant 246 : i32
    %dma_start3A_276 = arith.constant 0 : i32
    %dma_start3A_277 = tpu.memref_slice %arg8[%dma_start3A_275, %dma_start3A_276] : memref<250x40xi32, #tpu.memory_space<vmem>> -> memref<1x40xi32, #tpu.memory_space<vmem>>
    %dma_start3A_278 = tpu.memref_squeeze %dma_start3A_277 : memref<1x40xi32, #tpu.memory_space<vmem>> -> memref<40xi32, #tpu.memory_space<vmem>>
    %dma_start3A_279 = arith.constant 0 : i32
    %dma_start3A_280 = arith.constant 0 : i32
    %dma_start3A_281 = tpu.memref_slice %arg9[%dma_start3A_279, %dma_start3A_280] : memref<10000x128xf32, #tpu.memory_space<vmem_shared>> -> memref<10000x128xf32, #tpu.memory_space<vmem_shared>>
    tpu.enqueue_indirect_dma source(%arg11 : memref<40x128xf32, #tpu.memory_space<vmem>>) target(%dma_start3A_281 : memref<10000x128xf32, #tpu.memory_space<vmem_shared>>) offsets(%dma_start3A_278 : memref<40xi32, #tpu.memory_space<vmem>>) semaphore(%arg21 : memref<!tpu.dma_semaphore, #tpu.memory_space<semaphore_mem>>) {add = true}
    %dma_wait3A_282 = arith.constant 247 : i32
    %dma_wait3A_283 = arith.constant 0 : i32
    %dma_wait3A_284 = tpu.memref_slice %arg7[%dma_wait3A_282, %dma_wait3A_283] : memref<250x40xi32, #tpu.memory_space<vmem>> -> memref<1x40xi32, #tpu.memory_space<vmem>>
    %dma_wait3A_285 = tpu.memref_squeeze %dma_wait3A_284 : memref<1x40xi32, #tpu.memory_space<vmem>> -> memref<40xi32, #tpu.memory_space<vmem>>
    %dma_wait3A_286 = arith.constant 0 : i32
    %dma_wait3A_287 = arith.constant 0 : i32
    %dma_wait3A_288 = tpu.memref_slice %arg2[%arg0, %dma_wait3A_286, %dma_wait3A_287] : memref<2x10000x128xf32, #tpu.memory_space<hbm>> -> memref<1x10000x128xf32, #tpu.memory_space<hbm>>
    %dma_wait3A_289 = tpu.memref_squeeze %dma_wait3A_288 : memref<1x10000x128xf32, #tpu.memory_space<hbm>> -> memref<10000x128xf32, #tpu.memory_space<hbm>>
    %dma_wait3A_290 = arith.constant 0 : i32
    %dma_wait3A_291 = arith.constant 0 : i32
    %dma_wait3A_292 = tpu.memref_slice %dma_wait3A_289[%dma_wait3A_290, %dma_wait3A_291] : memref<10000x128xf32, #tpu.memory_space<hbm>> -> memref<10000x128xf32, #tpu.memory_space<hbm>>
    tpu.wait_indirect_dma semaphore(%arg17 : memref<!tpu.dma_semaphore, #tpu.memory_space<semaphore_mem>>) src(%dma_wait3A_292 : memref<10000x128xf32, #tpu.memory_space<hbm>>) dst(%arg12 : memref<40x128xf32, #tpu.memory_space<vmem>>)
    %dma_wait3A_293 = arith.constant 246 : i32
    %dma_wait3A_294 = arith.constant 0 : i32
    %dma_wait3A_295 = tpu.memref_slice %arg8[%dma_wait3A_293, %dma_wait3A_294] : memref<250x40xi32, #tpu.memory_space<vmem>> -> memref<1x40xi32, #tpu.memory_space<vmem>>
    %dma_wait3A_296 = tpu.memref_squeeze %dma_wait3A_295 : memref<1x40xi32, #tpu.memory_space<vmem>> -> memref<40xi32, #tpu.memory_space<vmem>>
    %dma_wait3A_297 = arith.constant 0 : i32
    %dma_wait3A_298 = arith.constant 0 : i32
    %dma_wait3A_299 = tpu.memref_slice %arg9[%dma_wait3A_297, %dma_wait3A_298] : memref<10000x128xf32, #tpu.memory_space<vmem_shared>> -> memref<10000x128xf32, #tpu.memory_space<vmem_shared>>
    tpu.wait_indirect_dma semaphore(%arg21 : memref<!tpu.dma_semaphore, #tpu.memory_space<semaphore_mem>>) src(%arg11 : memref<40x128xf32, #tpu.memory_space<vmem>>) dst(%dma_wait3A_299 : memref<10000x128xf32, #tpu.memory_space<vmem_shared>>)
    %dma_start3A_300 = arith.constant 247 : i32
    %dma_start3A_301 = arith.constant 0 : i32
    %dma_start3A_302 = tpu.memref_slice %arg8[%dma_start3A_300, %dma_start3A_301] : memref<250x40xi32, #tpu.memory_space<vmem>> -> memref<1x40xi32, #tpu.memory_space<vmem>>
    %dma_start3A_303 = tpu.memref_squeeze %dma_start3A_302 : memref<1x40xi32, #tpu.memory_space<vmem>> -> memref<40xi32, #tpu.memory_space<vmem>>
    %dma_start3A_304 = arith.constant 0 : i32
    %dma_start3A_305 = arith.constant 0 : i32
    %dma_start3A_306 = tpu.memref_slice %arg9[%dma_start3A_304, %dma_start3A_305] : memref<10000x128xf32, #tpu.memory_space<vmem_shared>> -> memref<10000x128xf32, #tpu.memory_space<vmem_shared>>
    tpu.enqueue_indirect_dma source(%arg12 : memref<40x128xf32, #tpu.memory_space<vmem>>) target(%dma_start3A_306 : memref<10000x128xf32, #tpu.memory_space<vmem_shared>>) offsets(%dma_start3A_303 : memref<40xi32, #tpu.memory_space<vmem>>) semaphore(%arg22 : memref<!tpu.dma_semaphore, #tpu.memory_space<semaphore_mem>>) {add = true}
    %dma_wait3A_307 = arith.constant 248 : i32
    %dma_wait3A_308 = arith.constant 0 : i32
    %dma_wait3A_309 = tpu.memref_slice %arg7[%dma_wait3A_307, %dma_wait3A_308] : memref<250x40xi32, #tpu.memory_space<vmem>> -> memref<1x40xi32, #tpu.memory_space<vmem>>
    %dma_wait3A_310 = tpu.memref_squeeze %dma_wait3A_309 : memref<1x40xi32, #tpu.memory_space<vmem>> -> memref<40xi32, #tpu.memory_space<vmem>>
    %dma_wait3A_311 = arith.constant 0 : i32
    %dma_wait3A_312 = arith.constant 0 : i32
    %dma_wait3A_313 = tpu.memref_slice %arg2[%arg0, %dma_wait3A_311, %dma_wait3A_312] : memref<2x10000x128xf32, #tpu.memory_space<hbm>> -> memref<1x10000x128xf32, #tpu.memory_space<hbm>>
    %dma_wait3A_314 = tpu.memref_squeeze %dma_wait3A_313 : memref<1x10000x128xf32, #tpu.memory_space<hbm>> -> memref<10000x128xf32, #tpu.memory_space<hbm>>
    %dma_wait3A_315 = arith.constant 0 : i32
    %dma_wait3A_316 = arith.constant 0 : i32
    %dma_wait3A_317 = tpu.memref_slice %dma_wait3A_314[%dma_wait3A_315, %dma_wait3A_316] : memref<10000x128xf32, #tpu.memory_space<hbm>> -> memref<10000x128xf32, #tpu.memory_space<hbm>>
    tpu.wait_indirect_dma semaphore(%arg18 : memref<!tpu.dma_semaphore, #tpu.memory_space<semaphore_mem>>) src(%dma_wait3A_317 : memref<10000x128xf32, #tpu.memory_space<hbm>>) dst(%arg13 : memref<40x128xf32, #tpu.memory_space<vmem>>)
    %dma_wait3A_318 = arith.constant 247 : i32
    %dma_wait3A_319 = arith.constant 0 : i32
    %dma_wait3A_320 = tpu.memref_slice %arg8[%dma_wait3A_318, %dma_wait3A_319] : memref<250x40xi32, #tpu.memory_space<vmem>> -> memref<1x40xi32, #tpu.memory_space<vmem>>
    %dma_wait3A_321 = tpu.memref_squeeze %dma_wait3A_320 : memref<1x40xi32, #tpu.memory_space<vmem>> -> memref<40xi32, #tpu.memory_space<vmem>>
    %dma_wait3A_322 = arith.constant 0 : i32
    %dma_wait3A_323 = arith.constant 0 : i32
    %dma_wait3A_324 = tpu.memref_slice %arg9[%dma_wait3A_322, %dma_wait3A_323] : memref<10000x128xf32, #tpu.memory_space<vmem_shared>> -> memref<10000x128xf32, #tpu.memory_space<vmem_shared>>
    tpu.wait_indirect_dma semaphore(%arg22 : memref<!tpu.dma_semaphore, #tpu.memory_space<semaphore_mem>>) src(%arg12 : memref<40x128xf32, #tpu.memory_space<vmem>>) dst(%dma_wait3A_324 : memref<10000x128xf32, #tpu.memory_space<vmem_shared>>)
    %dma_start3A_325 = arith.constant 248 : i32
    %dma_start3A_326 = arith.constant 0 : i32
    %dma_start3A_327 = tpu.memref_slice %arg8[%dma_start3A_325, %dma_start3A_326] : memref<250x40xi32, #tpu.memory_space<vmem>> -> memref<1x40xi32, #tpu.memory_space<vmem>>
    %dma_start3A_328 = tpu.memref_squeeze %dma_start3A_327 : memref<1x40xi32, #tpu.memory_space<vmem>> -> memref<40xi32, #tpu.memory_space<vmem>>
    %dma_start3A_329 = arith.constant 0 : i32
    %dma_start3A_330 = arith.constant 0 : i32
    %dma_start3A_331 = tpu.memref_slice %arg9[%dma_start3A_329, %dma_start3A_330] : memref<10000x128xf32, #tpu.memory_space<vmem_shared>> -> memref<10000x128xf32, #tpu.memory_space<vmem_shared>>
    tpu.enqueue_indirect_dma source(%arg13 : memref<40x128xf32, #tpu.memory_space<vmem>>) target(%dma_start3A_331 : memref<10000x128xf32, #tpu.memory_space<vmem_shared>>) offsets(%dma_start3A_328 : memref<40xi32, #tpu.memory_space<vmem>>) semaphore(%arg23 : memref<!tpu.dma_semaphore, #tpu.memory_space<semaphore_mem>>) {add = true}
    %dma_wait3A_332 = arith.constant 249 : i32
    %dma_wait3A_333 = arith.constant 0 : i32
    %dma_wait3A_334 = tpu.memref_slice %arg7[%dma_wait3A_332, %dma_wait3A_333] : memref<250x40xi32, #tpu.memory_space<vmem>> -> memref<1x40xi32, #tpu.memory_space<vmem>>
    %dma_wait3A_335 = tpu.memref_squeeze %dma_wait3A_334 : memref<1x40xi32, #tpu.memory_space<vmem>> -> memref<40xi32, #tpu.memory_space<vmem>>
    %dma_wait3A_336 = arith.constant 0 : i32
    %dma_wait3A_337 = arith.constant 0 : i32
    %dma_wait3A_338 = tpu.memref_slice %arg2[%arg0, %dma_wait3A_336, %dma_wait3A_337] : memref<2x10000x128xf32, #tpu.memory_space<hbm>> -> memref<1x10000x128xf32, #tpu.memory_space<hbm>>
    %dma_wait3A_339 = tpu.memref_squeeze %dma_wait3A_338 : memref<1x10000x128xf32, #tpu.memory_space<hbm>> -> memref<10000x128xf32, #tpu.memory_space<hbm>>
    %dma_wait3A_340 = arith.constant 0 : i32
    %dma_wait3A_341 = arith.constant 0 : i32
    %dma_wait3A_342 = tpu.memref_slice %dma_wait3A_339[%dma_wait3A_340, %dma_wait3A_341] : memref<10000x128xf32, #tpu.memory_space<hbm>> -> memref<10000x128xf32, #tpu.memory_space<hbm>>
    tpu.wait_indirect_dma semaphore(%arg19 : memref<!tpu.dma_semaphore, #tpu.memory_space<semaphore_mem>>) src(%dma_wait3A_342 : memref<10000x128xf32, #tpu.memory_space<hbm>>) dst(%arg14 : memref<40x128xf32, #tpu.memory_space<vmem>>)
    %dma_wait3A_343 = arith.constant 248 : i32
    %dma_wait3A_344 = arith.constant 0 : i32
    %dma_wait3A_345 = tpu.memref_slice %arg8[%dma_wait3A_343, %dma_wait3A_344] : memref<250x40xi32, #tpu.memory_space<vmem>> -> memref<1x40xi32, #tpu.memory_space<vmem>>
    %dma_wait3A_346 = tpu.memref_squeeze %dma_wait3A_345 : memref<1x40xi32, #tpu.memory_space<vmem>> -> memref<40xi32, #tpu.memory_space<vmem>>
    %dma_wait3A_347 = arith.constant 0 : i32
    %dma_wait3A_348 = arith.constant 0 : i32
    %dma_wait3A_349 = tpu.memref_slice %arg9[%dma_wait3A_347, %dma_wait3A_348] : memref<10000x128xf32, #tpu.memory_space<vmem_shared>> -> memref<10000x128xf32, #tpu.memory_space<vmem_shared>>
    tpu.wait_indirect_dma semaphore(%arg23 : memref<!tpu.dma_semaphore, #tpu.memory_space<semaphore_mem>>) src(%arg13 : memref<40x128xf32, #tpu.memory_space<vmem>>) dst(%dma_wait3A_349 : memref<10000x128xf32, #tpu.memory_space<vmem_shared>>)
    %dma_start3A_350 = arith.constant 249 : i32
    %dma_start3A_351 = arith.constant 0 : i32
    %dma_start3A_352 = tpu.memref_slice %arg8[%dma_start3A_350, %dma_start3A_351] : memref<250x40xi32, #tpu.memory_space<vmem>> -> memref<1x40xi32, #tpu.memory_space<vmem>>
    %dma_start3A_353 = tpu.memref_squeeze %dma_start3A_352 : memref<1x40xi32, #tpu.memory_space<vmem>> -> memref<40xi32, #tpu.memory_space<vmem>>
    %dma_start3A_354 = arith.constant 0 : i32
    %dma_start3A_355 = arith.constant 0 : i32
    %dma_start3A_356 = tpu.memref_slice %arg9[%dma_start3A_354, %dma_start3A_355] : memref<10000x128xf32, #tpu.memory_space<vmem_shared>> -> memref<10000x128xf32, #tpu.memory_space<vmem_shared>>
    tpu.enqueue_indirect_dma source(%arg14 : memref<40x128xf32, #tpu.memory_space<vmem>>) target(%dma_start3A_356 : memref<10000x128xf32, #tpu.memory_space<vmem_shared>>) offsets(%dma_start3A_353 : memref<40xi32, #tpu.memory_space<vmem>>) semaphore(%arg24 : memref<!tpu.dma_semaphore, #tpu.memory_space<semaphore_mem>>) {add = true}
    %dma_wait3A_357 = arith.constant 249 : i32
    %dma_wait3A_358 = arith.constant 0 : i32
    %dma_wait3A_359 = tpu.memref_slice %arg8[%dma_wait3A_357, %dma_wait3A_358] : memref<250x40xi32, #tpu.memory_space<vmem>> -> memref<1x40xi32, #tpu.memory_space<vmem>>
    %dma_wait3A_360 = tpu.memref_squeeze %dma_wait3A_359 : memref<1x40xi32, #tpu.memory_space<vmem>> -> memref<40xi32, #tpu.memory_space<vmem>>
    %dma_wait3A_361 = arith.constant 0 : i32
    %dma_wait3A_362 = arith.constant 0 : i32
    %dma_wait3A_363 = tpu.memref_slice %arg9[%dma_wait3A_361, %dma_wait3A_362] : memref<10000x128xf32, #tpu.memory_space<vmem_shared>> -> memref<10000x128xf32, #tpu.memory_space<vmem_shared>>
    tpu.wait_indirect_dma semaphore(%arg24 : memref<!tpu.dma_semaphore, #tpu.memory_space<semaphore_mem>>) src(%arg14 : memref<40x128xf32, #tpu.memory_space<vmem>>) dst(%dma_wait3A_363 : memref<10000x128xf32, #tpu.memory_space<vmem_shared>>)
    %barrier3A_364 = arith.constant 0 : index
    tpu.barrier barrier_id(%barrier3A_364)
    %mul3A_365 = arith.constant 625 : i32
    %mul3A_366 = arith.muli %arg1, %mul3A_365 : i32
    %mul3A_367 = arith.constant 625 : i32
    %mul3A_368 = arith.muli %arg1, %mul3A_367 : i32
    "tpu.region"() ({
      %run_scoped3A = tpu.sem_alloc : memref<!tpu.dma_semaphore, #tpu.memory_space<semaphore_mem>>
      %dma_start3A_369 = arith.constant 0 : i32
      %dma_start3A_370 = tpu.memref_slice %arg6[%arg0, %mul3A_368, %dma_start3A_369] : memref<2x10000x128xf32, #tpu.memory_space<hbm>> -> memref<1x625x128xf32, #tpu.memory_space<hbm>>
      %dma_start3A_371 = tpu.memref_squeeze %dma_start3A_370 : memref<1x625x128xf32, #tpu.memory_space<hbm>> -> memref<625x128xf32, #tpu.memory_space<hbm>>
      %dma_start3A_372 = arith.constant 0 : i32
      %dma_start3A_373 = tpu.memref_slice %arg9[%mul3A_366, %dma_start3A_372] : memref<10000x128xf32, #tpu.memory_space<vmem_shared>> -> memref<625x128xf32, #tpu.memory_space<vmem_shared>>
      tpu.enqueue_dma source(%dma_start3A_373 : memref<625x128xf32, #tpu.memory_space<vmem_shared>>) target(%dma_start3A_371 : memref<625x128xf32, #tpu.memory_space<hbm>>) target_semaphore(%run_scoped3A : memref<!tpu.dma_semaphore, #tpu.memory_space<semaphore_mem>>)
      %dma_wait3A_374 = arith.constant 0 : i32
      %dma_wait3A_375 = tpu.memref_slice %arg6[%arg0, %mul3A_368, %dma_wait3A_374] : memref<2x10000x128xf32, #tpu.memory_space<hbm>> -> memref<1x625x128xf32, #tpu.memory_space<hbm>>
      %dma_wait3A_376 = tpu.memref_squeeze %dma_wait3A_375 : memref<1x625x128xf32, #tpu.memory_space<hbm>> -> memref<625x128xf32, #tpu.memory_space<hbm>>
      %dma_wait3A_377 = arith.constant 0 : i32
      %dma_wait3A_378 = tpu.memref_slice %arg9[%mul3A_366, %dma_wait3A_377] : memref<10000x128xf32, #tpu.memory_space<vmem_shared>> -> memref<625x128xf32, #tpu.memory_space<vmem_shared>>
      tpu.wait_dma2 semaphore(%run_scoped3A : memref<!tpu.dma_semaphore, #tpu.memory_space<semaphore_mem>>) src(%dma_wait3A_378 : memref<625x128xf32, #tpu.memory_space<vmem_shared>>) dst(%dma_wait3A_376 : memref<625x128xf32, #tpu.memory_space<hbm>>)
      tpu.yield
    }) : () -> ()
    return
  }
}

module attributes {stable_mosaic.version = 14 : i64} {
  func.func @_prep_body(%arg0: i32, %arg1: memref<2x5000x16xf32, #tpu.memory_space<vmem>>, %arg2: memref<5000x256xf32, #tpu.memory_space<vmem>>, %arg3: memref<5000x1xf32, #tpu.memory_space<vmem>>, %arg4: memref<2x5000x128xf32, #tpu.memory_space<vmem>>) attributes {dimension_semantics = [#tpu.dimension_semantics<arbitrary>], iteration_bounds = array<i64: 2>, scalar_prefetch = 0 : i64, scratch_operands = 0 : i64, tpu.core_type = #tpu.core_type<tc>, window_params = [{transform_indices = @transform_0, window_bounds = array<i64: 2, 5000, 16>}, {transform_indices = @transform_1, window_bounds = array<i64: 5000, 256>}, {transform_indices = @transform_2, window_bounds = array<i64: 5000, 1>}, {transform_indices = @transform_3, window_bounds = array<i64: 2, 5000, 128>}]} {
    %get3A = arith.constant 0 : index
    %get3A_0 = arith.constant 0 : index
    %get3A_1 = arith.constant 0 : index
    %get3A_2 = vector.load %arg1[%get3A, %get3A_0, %get3A_1] : memref<2x5000x16xf32, #tpu.memory_space<vmem>>, vector<1x5000x1xf32>
    %get3A_3 = vector.shape_cast %get3A_2 : vector<1x5000x1xf32> to vector<5000xf32>
    %get3A_4 = arith.constant 1 : index
    %get3A_5 = arith.constant 0 : index
    %get3A_6 = arith.constant 0 : index
    %get3A_7 = vector.load %arg1[%get3A_4, %get3A_5, %get3A_6] : memref<2x5000x16xf32, #tpu.memory_space<vmem>>, vector<1x5000x1xf32>
    %get3A_8 = vector.shape_cast %get3A_7 : vector<1x5000x1xf32> to vector<5000xf32>
    %add3A = arith.addf %get3A_3, %get3A_8 : vector<5000xf32>
    %add3A_9 = arith.constant 1.000000e+00 : f32
    %add3A_10 = vector.broadcast %add3A_9 : f32 to vector<5000xf32>
    %add3A_11 = arith.addf %add3A, %add3A_10 : vector<5000xf32>
    %rsqrt3A = math.rsqrt %add3A_11 : vector<5000xf32>
    %broadcast_in_dim3A = vector.shape_cast %rsqrt3A : vector<5000xf32> to vector<5000x1xf32>
    %swap3A = arith.constant 0 : index
    %swap3A_12 = arith.constant 0 : index
    %swap3A_13 = vector.load %arg3[%swap3A, %swap3A_12] : memref<5000x1xf32, #tpu.memory_space<vmem>>, vector<5000x1xf32>
    tpu.vector_store %arg3[%swap3A, %swap3A_12], %broadcast_in_dim3A {strides = array<i32>} : memref<5000x1xf32, #tpu.memory_space<vmem>>, vector<5000x1xf32>,
    %get3A_14 = arith.constant 0 : index
    %get3A_15 = arith.constant 0 : index
    %get3A_16 = vector.load %arg2[%get3A_14, %get3A_15] : memref<5000x256xf32, #tpu.memory_space<vmem>>, vector<5000x256xf32>
    %mul3A = vector.broadcast %broadcast_in_dim3A : vector<5000x1xf32> to vector<5000x256xf32>
    %mul3A_17 = arith.mulf %mul3A, %get3A_16 : vector<5000x256xf32>
    %slice3A = vector.extract_strided_slice %mul3A_17 {offsets = [0, 0], sizes = [5000, 128], strides = [1, 1]} : vector<5000x256xf32> to vector<5000x128xf32>
    %swap3A_18 = arith.constant 0 : index
    %swap3A_19 = arith.constant 0 : index
    %swap3A_20 = arith.constant 0 : index
    %swap3A_21 = vector.load %arg4[%swap3A_18, %swap3A_19, %swap3A_20] : memref<2x5000x128xf32, #tpu.memory_space<vmem>>, vector<1x5000x128xf32>
    %swap3A_22 = vector.shape_cast %swap3A_21 : vector<1x5000x128xf32> to vector<5000x128xf32>
    %swap3A_23 = vector.shape_cast %slice3A : vector<5000x128xf32> to vector<1x5000x128xf32>
    tpu.vector_store %arg4[%swap3A_18, %swap3A_19, %swap3A_20], %swap3A_23 {strides = array<i32>} : memref<2x5000x128xf32, #tpu.memory_space<vmem>>, vector<1x5000x128xf32>,
    %slice3A_24 = vector.extract_strided_slice %mul3A_17 {offsets = [0, 128], sizes = [5000, 128], strides = [1, 1]} : vector<5000x256xf32> to vector<5000x128xf32>
    %swap3A_25 = arith.constant 1 : index
    %swap3A_26 = arith.constant 0 : index
    %swap3A_27 = arith.constant 0 : index
    %swap3A_28 = vector.load %arg4[%swap3A_25, %swap3A_26, %swap3A_27] : memref<2x5000x128xf32, #tpu.memory_space<vmem>>, vector<1x5000x128xf32>
    %swap3A_29 = vector.shape_cast %swap3A_28 : vector<1x5000x128xf32> to vector<5000x128xf32>
    %swap3A_30 = vector.shape_cast %slice3A_24 : vector<5000x128xf32> to vector<1x5000x128xf32>
    tpu.vector_store %arg4[%swap3A_25, %swap3A_26, %swap3A_27], %swap3A_30 {strides = array<i32>} : memref<2x5000x128xf32, #tpu.memory_space<vmem>>, vector<1x5000x128xf32>,
    return
  }
  func.func @transform_0(%arg0: i32) -> (i32, i32, i32) {
    %c0_i32 = arith.constant 0 : i32
    %c0_i32_0 = arith.constant 0 : i32
    %c0_i32_1 = arith.constant 0 : i32
    return %c0_i32, %arg0, %c0_i32_0 : i32, i32, i32
  }
  func.func @transform_1(%arg0: i32) -> (i32, i32) {
    %c0_i32 = arith.constant 0 : i32
    %c0_i32_0 = arith.constant 0 : i32
    return %arg0, %c0_i32 : i32, i32
  }
  func.func @transform_2(%arg0: i32) -> (i32, i32) {
    %c0_i32 = arith.constant 0 : i32
    %c0_i32_0 = arith.constant 0 : i32
    return %arg0, %c0_i32 : i32, i32
  }
  func.func @transform_3(%arg0: i32) -> (i32, i32, i32) {
    %c0_i32 = arith.constant 0 : i32
    %c0_i32_0 = arith.constant 0 : i32
    %c0_i32_1 = arith.constant 0 : i32
    return %c0_i32, %arg0, %c0_i32_0 : i32, i32, i32
  }
}

module attributes {stable_mosaic.version = 14 : i64} {
  func.func @_layer_body(%arg0: i32, %arg1: memref<5000x256xf32, #tpu.memory_space<vmem>>, %arg2: memref<2x5000x128xf32, #tpu.memory_space<vmem>>, %arg3: memref<5000x1xf32, #tpu.memory_space<vmem>>, %arg4: memref<256x256xf32, #tpu.memory_space<vmem>>, %arg5: memref<256x256xf32, #tpu.memory_space<vmem>>, %arg6: memref<1x256xf32, #tpu.memory_space<vmem>>, %arg7: memref<5000x256xf32, #tpu.memory_space<vmem>>, %arg8: memref<2x5000x128xf32, #tpu.memory_space<vmem>>) attributes {dimension_semantics = [#tpu.dimension_semantics<arbitrary>], iteration_bounds = array<i64: 2>, scalar_prefetch = 0 : i64, scratch_operands = 0 : i64, tpu.core_type = #tpu.core_type<tc>, window_params = [{transform_indices = @transform_0, window_bounds = array<i64: 5000, 256>}, {transform_indices = @transform_1, window_bounds = array<i64: 2, 5000, 128>}, {transform_indices = @transform_2, window_bounds = array<i64: 5000, 1>}, {pipeline_mode = #tpu.pipeline_mode<synchronous>, transform_indices = @transform_3, window_bounds = array<i64: 256, 256>}, {pipeline_mode = #tpu.pipeline_mode<synchronous>, transform_indices = @transform_4, window_bounds = array<i64: 256, 256>}, {pipeline_mode = #tpu.pipeline_mode<synchronous>, transform_indices = @transform_5, window_bounds = array<i64: 1, 256>}, {transform_indices = @transform_6, window_bounds = array<i64: 5000, 256>}, {transform_indices = @transform_7, window_bounds = array<i64: 2, 5000, 128>}]} {
    %get3A = arith.constant 0 : index
    %get3A_0 = arith.constant 0 : index
    %get3A_1 = vector.load %arg1[%get3A, %get3A_0] : memref<5000x256xf32, #tpu.memory_space<vmem>>, vector<5000x256xf32>
    %get3A_2 = arith.constant 0 : index
    %get3A_3 = arith.constant 0 : index
    %get3A_4 = arith.constant 0 : index
    %get3A_5 = vector.load %arg2[%get3A_2, %get3A_3, %get3A_4] : memref<2x5000x128xf32, #tpu.memory_space<vmem>>, vector<1x5000x128xf32>
    %get3A_6 = vector.shape_cast %get3A_5 : vector<1x5000x128xf32> to vector<5000x128xf32>
    %get3A_7 = arith.constant 1 : index
    %get3A_8 = arith.constant 0 : index
    %get3A_9 = arith.constant 0 : index
    %get3A_10 = vector.load %arg2[%get3A_7, %get3A_8, %get3A_9] : memref<2x5000x128xf32, #tpu.memory_space<vmem>>, vector<1x5000x128xf32>
    %get3A_11 = vector.shape_cast %get3A_10 : vector<1x5000x128xf32> to vector<5000x128xf32>
    %concatenate3A = tpu.concatenate %get3A_6, %get3A_11 in 1 : vector<5000x128xf32>, vector<5000x128xf32> -> vector<5000x256xf32>
    %get3A_12 = arith.constant 0 : index
    %get3A_13 = arith.constant 0 : index
    %get3A_14 = vector.load %arg3[%get3A_12, %get3A_13] : memref<5000x1xf32, #tpu.memory_space<vmem>>, vector<5000x1xf32>
    %mul3A = vector.broadcast %get3A_14 : vector<5000x1xf32> to vector<5000x256xf32>
    %mul3A_15 = arith.mulf %mul3A, %get3A_1 : vector<5000x256xf32>
    %add3A = arith.addf %concatenate3A, %mul3A_15 : vector<5000x256xf32>
    %mul3A_16 = vector.broadcast %get3A_14 : vector<5000x1xf32> to vector<5000x256xf32>
    %mul3A_17 = arith.mulf %mul3A_16, %add3A : vector<5000x256xf32>
    %get3A_18 = arith.constant 0 : index
    %get3A_19 = arith.constant 0 : index
    %get3A_20 = vector.load %arg4[%get3A_18, %get3A_19] : memref<256x256xf32, #tpu.memory_space<vmem>>, vector<256x256xf32>
    %dot_general3A = arith.constant dense<0.000000e+00> : vector<5000x256xf32>
    %dot_general3A_21 = tpu.matmul %get3A_1, %get3A_20, %dot_general3A {dimension_numbers = #tpu.dot_dimension_numbers<[1], [1], [0], [0], [0, 0, 1, 0], [], []>, transpose_lhs_hint = false} : vector<5000x256xf32>, vector<256x256xf32>, vector<5000x256xf32> -> vector<5000x256xf32>
    %get3A_22 = arith.constant 0 : index
    %get3A_23 = arith.constant 0 : index
    %get3A_24 = vector.load %arg5[%get3A_22, %get3A_23] : memref<256x256xf32, #tpu.memory_space<vmem>>, vector<256x256xf32>
    %dot_general3A_25 = arith.constant dense<0.000000e+00> : vector<5000x256xf32>
    %dot_general3A_26 = tpu.matmul %mul3A_17, %get3A_24, %dot_general3A_25 {dimension_numbers = #tpu.dot_dimension_numbers<[1], [1], [0], [0], [0, 0, 1, 0], [], []>, transpose_lhs_hint = false} : vector<5000x256xf32>, vector<256x256xf32>, vector<5000x256xf32> -> vector<5000x256xf32>
    %add3A_27 = arith.addf %dot_general3A_21, %dot_general3A_26 : vector<5000x256xf32>
    %get3A_28 = arith.constant 0 : index
    %get3A_29 = arith.constant 0 : index
    %get3A_30 = vector.load %arg6[%get3A_28, %get3A_29] : memref<1x256xf32, #tpu.memory_space<vmem>>, vector<1x256xf32>
    %add3A_31 = vector.broadcast %get3A_30 : vector<1x256xf32> to vector<5000x256xf32>
    %add3A_32 = arith.addf %add3A_27, %add3A_31 : vector<5000x256xf32>
    %gt3A = arith.constant 0.000000e+00 : f32
    %gt3A_33 = vector.broadcast %gt3A : f32 to vector<5000x256xf32>
    %gt3A_34 = arith.cmpf ogt, %add3A_32, %gt3A_33 : vector<5000x256xf32>
    %min3A = arith.constant 0.000000e+00 : f32
    %min3A_35 = vector.broadcast %min3A : f32 to vector<5000x256xf32>
    %min3A_36 = arith.minimumf %add3A_32, %min3A_35 : vector<5000x256xf32>
    %exp3A = math.exp %min3A_36 : vector<5000x256xf32>
    %sub3A = arith.constant 1.000000e+00 : f32
    %sub3A_37 = vector.broadcast %sub3A : f32 to vector<5000x256xf32>
    %sub3A_38 = arith.subf %exp3A, %sub3A_37 : vector<5000x256xf32>
    %select_n3A = arith.select %gt3A_34, %add3A_32, %sub3A_38 : vector<5000x256xi1>, vector<5000x256xf32>
    %mul3A_39 = vector.broadcast %get3A_14 : vector<5000x1xf32> to vector<5000x256xf32>
    %mul3A_40 = arith.mulf %mul3A_39, %select_n3A : vector<5000x256xf32>
    %slice3A = vector.extract_strided_slice %mul3A_40 {offsets = [0, 0], sizes = [5000, 128], strides = [1, 1]} : vector<5000x256xf32> to vector<5000x128xf32>
    %swap3A = arith.constant 0 : index
    %swap3A_41 = arith.constant 0 : index
    %swap3A_42 = arith.constant 0 : index
    %swap3A_43 = vector.load %arg8[%swap3A, %swap3A_41, %swap3A_42] : memref<2x5000x128xf32, #tpu.memory_space<vmem>>, vector<1x5000x128xf32>
    %swap3A_44 = vector.shape_cast %swap3A_43 : vector<1x5000x128xf32> to vector<5000x128xf32>
    %swap3A_45 = vector.shape_cast %slice3A : vector<5000x128xf32> to vector<1x5000x128xf32>
    tpu.vector_store %arg8[%swap3A, %swap3A_41, %swap3A_42], %swap3A_45 {strides = array<i32>} : memref<2x5000x128xf32, #tpu.memory_space<vmem>>, vector<1x5000x128xf32>,
    %slice3A_46 = vector.extract_strided_slice %mul3A_40 {offsets = [0, 128], sizes = [5000, 128], strides = [1, 1]} : vector<5000x256xf32> to vector<5000x128xf32>
    %swap3A_47 = arith.constant 1 : index
    %swap3A_48 = arith.constant 0 : index
    %swap3A_49 = arith.constant 0 : index
    %swap3A_50 = vector.load %arg8[%swap3A_47, %swap3A_48, %swap3A_49] : memref<2x5000x128xf32, #tpu.memory_space<vmem>>, vector<1x5000x128xf32>
    %swap3A_51 = vector.shape_cast %swap3A_50 : vector<1x5000x128xf32> to vector<5000x128xf32>
    %swap3A_52 = vector.shape_cast %slice3A_46 : vector<5000x128xf32> to vector<1x5000x128xf32>
    tpu.vector_store %arg8[%swap3A_47, %swap3A_48, %swap3A_49], %swap3A_52 {strides = array<i32>} : memref<2x5000x128xf32, #tpu.memory_space<vmem>>, vector<1x5000x128xf32>,
    %swap3A_53 = arith.constant 0 : index
    %swap3A_54 = arith.constant 0 : index
    %swap3A_55 = vector.load %arg7[%swap3A_53, %swap3A_54] : memref<5000x256xf32, #tpu.memory_space<vmem>>, vector<5000x256xf32>
    tpu.vector_store %arg7[%swap3A_53, %swap3A_54], %select_n3A {strides = array<i32>} : memref<5000x256xf32, #tpu.memory_space<vmem>>, vector<5000x256xf32>,
    return
  }
  func.func @transform_0(%arg0: i32) -> (i32, i32) {
    %c0_i32 = arith.constant 0 : i32
    %c0_i32_0 = arith.constant 0 : i32
    return %arg0, %c0_i32 : i32, i32
  }
  func.func @transform_1(%arg0: i32) -> (i32, i32, i32) {
    %c0_i32 = arith.constant 0 : i32
    %c0_i32_0 = arith.constant 0 : i32
    %c0_i32_1 = arith.constant 0 : i32
    return %c0_i32, %arg0, %c0_i32_0 : i32, i32, i32
  }
  func.func @transform_2(%arg0: i32) -> (i32, i32) {
    %c0_i32 = arith.constant 0 : i32
    %c0_i32_0 = arith.constant 0 : i32
    return %arg0, %c0_i32 : i32, i32
  }
  func.func @transform_3(%arg0: i32) -> (i32, i32) {
    %c0_i32 = arith.constant 0 : i32
    %c0_i32_0 = arith.constant 0 : i32
    %c0_i32_1 = arith.constant 0 : i32
    return %c0_i32, %c0_i32_0 : i32, i32
  }
  func.func @transform_4(%arg0: i32) -> (i32, i32) {
    %c0_i32 = arith.constant 0 : i32
    %c0_i32_0 = arith.constant 0 : i32
    %c0_i32_1 = arith.constant 0 : i32
    return %c0_i32, %c0_i32_0 : i32, i32
  }
  func.func @transform_5(%arg0: i32) -> (i32, i32) {
    %c0_i32 = arith.constant 0 : i32
    %c0_i32_0 = arith.constant 0 : i32
    %c0_i32_1 = arith.constant 0 : i32
    return %c0_i32, %c0_i32_0 : i32, i32
  }
  func.func @transform_6(%arg0: i32) -> (i32, i32) {
    %c0_i32 = arith.constant 0 : i32
    %c0_i32_0 = arith.constant 0 : i32
    return %arg0, %c0_i32 : i32, i32
  }
  func.func @transform_7(%arg0: i32) -> (i32, i32, i32) {
    %c0_i32 = arith.constant 0 : i32
    %c0_i32_0 = arith.constant 0 : i32
    %c0_i32_1 = arith.constant 0 : i32
    return %c0_i32, %arg0, %c0_i32_0 : i32, i32, i32
  }
}

module attributes {stable_mosaic.version = 14 : i64} {
  func.func @_layer_body(%arg0: i32, %arg1: memref<5000x256xf32, #tpu.memory_space<vmem>>, %arg2: memref<2x5000x128xf32, #tpu.memory_space<vmem>>, %arg3: memref<5000x1xf32, #tpu.memory_space<vmem>>, %arg4: memref<256x256xf32, #tpu.memory_space<vmem>>, %arg5: memref<256x256xf32, #tpu.memory_space<vmem>>, %arg6: memref<1x256xf32, #tpu.memory_space<vmem>>, %arg7: memref<5000x256xf32, #tpu.memory_space<vmem>>) attributes {dimension_semantics = [#tpu.dimension_semantics<arbitrary>], iteration_bounds = array<i64: 2>, scalar_prefetch = 0 : i64, scratch_operands = 0 : i64, tpu.core_type = #tpu.core_type<tc>, window_params = [{transform_indices = @transform_0, window_bounds = array<i64: 5000, 256>}, {transform_indices = @transform_1, window_bounds = array<i64: 2, 5000, 128>}, {transform_indices = @transform_2, window_bounds = array<i64: 5000, 1>}, {pipeline_mode = #tpu.pipeline_mode<synchronous>, transform_indices = @transform_3, window_bounds = array<i64: 256, 256>}, {pipeline_mode = #tpu.pipeline_mode<synchronous>, transform_indices = @transform_4, window_bounds = array<i64: 256, 256>}, {pipeline_mode = #tpu.pipeline_mode<synchronous>, transform_indices = @transform_5, window_bounds = array<i64: 1, 256>}, {transform_indices = @transform_6, window_bounds = array<i64: 5000, 256>}]} {
    %get3A = arith.constant 0 : index
    %get3A_0 = arith.constant 0 : index
    %get3A_1 = vector.load %arg1[%get3A, %get3A_0] : memref<5000x256xf32, #tpu.memory_space<vmem>>, vector<5000x256xf32>
    %get3A_2 = arith.constant 0 : index
    %get3A_3 = arith.constant 0 : index
    %get3A_4 = arith.constant 0 : index
    %get3A_5 = vector.load %arg2[%get3A_2, %get3A_3, %get3A_4] : memref<2x5000x128xf32, #tpu.memory_space<vmem>>, vector<1x5000x128xf32>
    %get3A_6 = vector.shape_cast %get3A_5 : vector<1x5000x128xf32> to vector<5000x128xf32>
    %get3A_7 = arith.constant 1 : index
    %get3A_8 = arith.constant 0 : index
    %get3A_9 = arith.constant 0 : index
    %get3A_10 = vector.load %arg2[%get3A_7, %get3A_8, %get3A_9] : memref<2x5000x128xf32, #tpu.memory_space<vmem>>, vector<1x5000x128xf32>
    %get3A_11 = vector.shape_cast %get3A_10 : vector<1x5000x128xf32> to vector<5000x128xf32>
    %concatenate3A = tpu.concatenate %get3A_6, %get3A_11 in 1 : vector<5000x128xf32>, vector<5000x128xf32> -> vector<5000x256xf32>
    %get3A_12 = arith.constant 0 : index
    %get3A_13 = arith.constant 0 : index
    %get3A_14 = vector.load %arg3[%get3A_12, %get3A_13] : memref<5000x1xf32, #tpu.memory_space<vmem>>, vector<5000x1xf32>
    %mul3A = vector.broadcast %get3A_14 : vector<5000x1xf32> to vector<5000x256xf32>
    %mul3A_15 = arith.mulf %mul3A, %get3A_1 : vector<5000x256xf32>
    %add3A = arith.addf %concatenate3A, %mul3A_15 : vector<5000x256xf32>
    %mul3A_16 = vector.broadcast %get3A_14 : vector<5000x1xf32> to vector<5000x256xf32>
    %mul3A_17 = arith.mulf %mul3A_16, %add3A : vector<5000x256xf32>
    %get3A_18 = arith.constant 0 : index
    %get3A_19 = arith.constant 0 : index
    %get3A_20 = vector.load %arg4[%get3A_18, %get3A_19] : memref<256x256xf32, #tpu.memory_space<vmem>>, vector<256x256xf32>
    %dot_general3A = arith.constant dense<0.000000e+00> : vector<5000x256xf32>
    %dot_general3A_21 = tpu.matmul %get3A_1, %get3A_20, %dot_general3A {dimension_numbers = #tpu.dot_dimension_numbers<[1], [1], [0], [0], [0, 0, 1, 0], [], []>, transpose_lhs_hint = false} : vector<5000x256xf32>, vector<256x256xf32>, vector<5000x256xf32> -> vector<5000x256xf32>
    %get3A_22 = arith.constant 0 : index
    %get3A_23 = arith.constant 0 : index
    %get3A_24 = vector.load %arg5[%get3A_22, %get3A_23] : memref<256x256xf32, #tpu.memory_space<vmem>>, vector<256x256xf32>
    %dot_general3A_25 = arith.constant dense<0.000000e+00> : vector<5000x256xf32>
    %dot_general3A_26 = tpu.matmul %mul3A_17, %get3A_24, %dot_general3A_25 {dimension_numbers = #tpu.dot_dimension_numbers<[1], [1], [0], [0], [0, 0, 1, 0], [], []>, transpose_lhs_hint = false} : vector<5000x256xf32>, vector<256x256xf32>, vector<5000x256xf32> -> vector<5000x256xf32>
    %add3A_27 = arith.addf %dot_general3A_21, %dot_general3A_26 : vector<5000x256xf32>
    %get3A_28 = arith.constant 0 : index
    %get3A_29 = arith.constant 0 : index
    %get3A_30 = vector.load %arg6[%get3A_28, %get3A_29] : memref<1x256xf32, #tpu.memory_space<vmem>>, vector<1x256xf32>
    %add3A_31 = vector.broadcast %get3A_30 : vector<1x256xf32> to vector<5000x256xf32>
    %add3A_32 = arith.addf %add3A_27, %add3A_31 : vector<5000x256xf32>
    %swap3A = arith.constant 0 : index
    %swap3A_33 = arith.constant 0 : index
    %swap3A_34 = vector.load %arg7[%swap3A, %swap3A_33] : memref<5000x256xf32, #tpu.memory_space<vmem>>, vector<5000x256xf32>
    tpu.vector_store %arg7[%swap3A, %swap3A_33], %add3A_32 {strides = array<i32>} : memref<5000x256xf32, #tpu.memory_space<vmem>>, vector<5000x256xf32>,
    return
  }
  func.func @transform_0(%arg0: i32) -> (i32, i32) {
    %c0_i32 = arith.constant 0 : i32
    %c0_i32_0 = arith.constant 0 : i32
    return %arg0, %c0_i32 : i32, i32
  }
  func.func @transform_1(%arg0: i32) -> (i32, i32, i32) {
    %c0_i32 = arith.constant 0 : i32
    %c0_i32_0 = arith.constant 0 : i32
    %c0_i32_1 = arith.constant 0 : i32
    return %c0_i32, %arg0, %c0_i32_0 : i32, i32, i32
  }
  func.func @transform_2(%arg0: i32) -> (i32, i32) {
    %c0_i32 = arith.constant 0 : i32
    %c0_i32_0 = arith.constant 0 : i32
    return %arg0, %c0_i32 : i32, i32
  }
  func.func @transform_3(%arg0: i32) -> (i32, i32) {
    %c0_i32 = arith.constant 0 : i32
    %c0_i32_0 = arith.constant 0 : i32
    %c0_i32_1 = arith.constant 0 : i32
    return %c0_i32, %c0_i32_0 : i32, i32
  }
  func.func @transform_4(%arg0: i32) -> (i32, i32) {
    %c0_i32 = arith.constant 0 : i32
    %c0_i32_0 = arith.constant 0 : i32
    %c0_i32_1 = arith.constant 0 : i32
    return %c0_i32, %c0_i32_0 : i32, i32
  }
  func.func @transform_5(%arg0: i32) -> (i32, i32) {
    %c0_i32 = arith.constant 0 : i32
    %c0_i32_0 = arith.constant 0 : i32
    %c0_i32_1 = arith.constant 0 : i32
    return %c0_i32, %c0_i32_0 : i32, i32
  }
  func.func @transform_6(%arg0: i32) -> (i32, i32) {
    %c0_i32 = arith.constant 0 : i32
    %c0_i32_0 = arith.constant 0 : i32
    return %arg0, %c0_i32 : i32, i32
  }
}

</mosaic_0001>

<sc_bundles>
// kernel: kernel.11.cloned.1.call-start
scs
__scs_entry_jumppad:
0x0: {  	(pc) =	sbr.rel $0x88, $3  }
0x1: {  	(tag) =	ssettag $0x0;
	lr =	simm.s32 $0x1  }
0x2: {  	[smem:$0x3F99] =	sst lr;
	_ =	strace $0xD0000000  }
0x3: {  	_ = 	snop  }
0x4: {  	_ = 	snop  }
0x5: {  	_ = 	snop  }
0x6: {  	_ = 	snop  }
0x7: {  	_ = 	snop  }
__scs_overlays_trampoline_lowered:
0x8: {  	[smem:$0x3FA8] =	sst s0  }
0x9: {  	[smem:$0x3FA9] =	sst s1  }
0xa: {  	[smem:$0x3FAA] =	sst s2  }
0xb: {  	[smem:$0x3FAB] =	sst s3  }
0xc: {  	[smem:$0x3FAC] =	sst s4  }
0xd: {  	[smem:$0x3FAD] =	sst s5  }
0xe: {  	[smem:$0x3FAE] =	sst s6  }
0xf: {  	[smem:$0x3FAF] =	sst s7  }
0x10: {  	[smem:$0x3FB0] =	sst s8  }
0x11: {  	[smem:$0x3FB1] =	sst s9;
	s0 =	simm.s32 @!p0 $0x0  }
0x12: {  	s1 =	sld [smem:$0x3F97];
	s0 =	simm.s32 @p0 $0x1  }
0x13: {  	[smem:$0x3FB2] =	sst s0;
	s0 =	simm.s32 @!p1 $0x0  }
0x14: {  	s2 =	sld [smem:$0x3F96];
	s0 =	simm.s32 @p1 $0x1  }
0x15: {  	[smem:$0x3FB3] =	sst s0;
	s0 =	simm.s32 @!p2 $0x0  }
0x16: {  	s3 =	sld [smem:$0x3FDB];
	s0 =	simm.s32 @p2 $0x1  }
0x17: {  	s4 =	simm.s32 $0x1BF5;
	[smem:$0x3FB5] =	sst s0  }
0x18: {  	s0 =	sld [smem:$0x3F98];
	_ =	swait.ge [sflag:s4], $0x0  }
0x19: {  	s7 =	sld [smem:$0x3F99]  }
0x1a: {  	s8 =	sadd.s32 $0xFFFFE003, lr  }
0x1b: {  	s9 =	sadd.s32 $0xFFFFFEF7, lr;
	s5 =	simm.s32 $0xFFFFFFFF;
	p2 =	slt.u32 s8, $0xFFFFF086  }
0x1c: {  	p1 =	slt.u32 s9, $0xF7A;
	s5 =	simm.s32 @!p2 $0x0  }
0x1d: {  	s5 =	simm.s32 @p1 $0x1;
	p0 =	seq.s32 s7, s2  }
0x1e: {  	s7 =	smul.u32 @!p0 $0xF7A, s2;
	p2 =	seq.s32 @!p0 s5, $0x0  }
0x1f: {  	s9 =	smul.u32 $0xF7A, s1;
	s8 =	simm.s32 @!p0 $0x1BF5;
	p2 =	por !p2, p0  }
0x20: {  	[sflag:s8] =	ssyncset.s32 @!p0 $0xFFFFF086;
	s6 =	sadd.s32 @!p0 s3, s7;
	s7 =	simm.s32 @!p0 $0x108  }
0x21: {  	s3 =	sadd.s32 s3, s9;
	s6 =	sadd.s32 @!p0 $0x88, s6;
	s7 =	simm.s32 @p2 $0x1082  }
0x22: {  	[simem:s7], [sflag:s8] =	dma.local @!p0 [hbm:s6], $0xF7A  }
0x23: {  	s9 =	sor.u32 $0xD0000000, s2;
	s6 =	simm.s32 $0x108;
	_ =	swait.ge @!p0 [sflag:s8], $0x0  }
0x24: {  	s3 =	sadd.s32 $0x88, s3;
	s6 =	simm.s32 @!p1 $0x1082;
	[sflag:s4] =	ssyncset.s32 $0xFFFFF086  }
0x25: {  	[simem:s6], [sflag:s4] =	dma.local [hbm:s3], $0xF7A  }
0x26: {  	[smem:$0x3F99] =	sst s1;
	(tag) =	ssettag s2;
	_ =	strace s9  }
0x27: {  	s1 =	sld [smem:$0x3FA9]  }
0x28: {  	s2 =	sld [smem:$0x3FAA]  }
0x29: {  	s4 =	sld [smem:$0x3FAC]  }
0x2a: {  	p0 =	seq.s32 s5, $0x0;
	s5 =	sld [smem:$0x3FAD]  }
0x2b: {  	s6 =	sld [smem:$0x3FAE]  }
0x2c: {  	s7 =	sld [smem:$0x3FAF]  }
0x2d: {  	s3 =	simm.s32 $0x108;
	s8 =	sld [smem:$0x3FB0]  }
0x2e: {  	s3 =	simm.s32 @!p0 $0x1082;
	s9 =	sld [smem:$0x3FB1]  }
0x2f: {  	lr =	sadd.s32 s0, s3;
	s0 =	sld [smem:$0x3FA8]  }
0x30: {  	s3 =	sld [smem:$0x3FAB]  }
0x31: {  	[smem:$0x3FB4] =	sst s10  }
0x32: {  	s10 =	sld [smem:$0x3FB2];
	_ =	sdelay $0x3  }
0x33: {  	p0 =	seq.s32 s10, $0x1;
	s10 =	sld [smem:$0x3FB4];
	_ =	sdelay $0x3  }
0x34: {  	[smem:$0x3FB4] =	sst s10  }
0x35: {  	s10 =	sld [smem:$0x3FB3];
	_ =	sdelay $0x3  }
0x36: {  	p1 =	seq.s32 s10, $0x1;
	s10 =	sld [smem:$0x3FB4];
	_ =	sdelay $0x3  }
0x37: {  	[smem:$0x3FB4] =	sst s10  }
0x38: {  	s10 =	sld [smem:$0x3FB5]  }
0x39: {  	_ = 	snop;
	(pc) =	sbr.ind lr, $3  }
0x3a: {  	_ = 	snop  }
0x3b: {  	_ = 	snop  }
0x3c: {  	p2 =	seq.s32 s10, $0x1;
	s10 =	sld [smem:$0x3FB4]  }
0x3d: {  	_ =	shalt  }
0x3e: {  	_ =	shalt  }
0x3f: {  	_ =	shalt  }
0x40: {  	_ =	shalt  }
0x41: {  	_ =	shalt  }
0x42: {  	_ =	shalt  }
0x43: {  	_ =	shalt  }
0x44: {  	_ =	shalt  }
0x45: {  	_ =	shalt  }
0x46: {  	_ =	shalt  }
0x47: {  	_ =	shalt  }
0x48: {  	_ =	shalt  }
0x49: {  	_ =	shalt  }
0x4a: {  	_ =	shalt  }
0x4b: {  	_ =	shalt  }
0x4c: {  	_ =	shalt  }
0x4d: {  	_ =	shalt  }
0x4e: {  	_ =	shalt  }
0x4f: {  	_ =	shalt  }
0x50: {  	_ =	shalt  }
0x51: {  	_ =	shalt  }
0x52: {  	_ =	shalt  }
0x53: {  	_ =	shalt  }
0x54: {  	_ =	shalt  }
0x55: {  	_ =	shalt  }
0x56: {  	_ =	shalt  }
0x57: {  	_ =	shalt  }
0x58: {  	_ =	shalt  }
0x59: {  	_ =	shalt  }
0x5a: {  	_ =	shalt  }
0x5b: {  	_ =	shalt  }
0x5c: {  	_ =	shalt  }
0x5d: {  	_ =	shalt  }
0x5e: {  	_ =	shalt  }
0x5f: {  	_ =	shalt  }
0x60: {  	_ =	shalt  }
0x61: {  	_ =	shalt  }
0x62: {  	_ =	shalt  }
0x63: {  	_ =	shalt  }
0x64: {  	_ =	shalt  }
0x65: {  	_ =	shalt  }
0x66: {  	_ =	shalt  }
0x67: {  	_ =	shalt  }
0x68: {  	_ =	shalt  }
0x69: {  	_ =	shalt  }
0x6a: {  	_ =	shalt  }
0x6b: {  	_ =	shalt  }
0x6c: {  	_ =	shalt  }
0x6d: {  	_ =	shalt  }
0x6e: {  	_ =	shalt  }
0x6f: {  	_ =	shalt  }
0x70: {  	_ =	shalt  }
0x71: {  	_ =	shalt  }
0x72: {  	_ =	shalt  }
0x73: {  	_ =	shalt  }
0x74: {  	_ =	shalt  }
0x75: {  	_ =	shalt  }
0x76: {  	_ =	shalt  }
0x77: {  	_ =	shalt  }
0x78: {  	_ =	shalt  }
0x79: {  	_ =	shalt  }
0x7a: {  	_ =	shalt  }
0x7b: {  	_ =	shalt  }
0x7c: {  	_ =	shalt  }
0x7d: {  	_ =	shalt  }
0x7e: {  	_ =	shalt  }
0x7f: {  	_ =	shalt  }
0x80: {  	_ =	shalt  }
0x81: {  	_ =	shalt  }
0x82: {  	_ =	shalt  }
0x83: {  	_ =	shalt  }
0x84: {  	_ =	shalt  }
0x85: {  	_ =	shalt  }
0x86: {  	_ =	shalt  }
0x87: {  	_ =	shalt  }
.Lfunc_end0:
.L_simem_size_0:
called_computation.1_lowered:
.L_overlay_start_0:
0x88: {  	s2 =	sld [smem:$0x3FD9]  }
0x89: {  	s3 =	sld [smem:$0x3FFE];
	_ =	sdelay $0x1  }
0x8a: {  	s1 =	srdreg.scid  }
0x8b: {  	s0 =	sand.u32 $0x1, s1  }
0x8c: {  	s17 =	sshll.u32 s0, $0xA;
	s2 =	sadd.s32 s3, s2  }
0x8d: {  	s2 =	sadd.s32 s2, s17  }
0x8e: {  	[smem:$0x3FC0] =	sst s2  }
0x8f: {  	_ = 	snop  }
0x90: {  	s2 =	sld [smem:$0x3FD0];
	(tm) =	ssettm $0x1  }
0x91: {  	s18 =	sld [smem:$0x3FFB];
	_ =	sdelay $0x3  }
0x92: {  	_ =	strace s18  }
0x93: {  	s3 =	sld [smem:$0x3FFC];
	_ =	sdelay $0x3  }
0x94: {  	_ =	strace s3  }
0x95: {  	s3 =	sld [smem:$0x3FFD];
	_ =	sdelay $0x3  }
0x96: {  	_ =	strace s3  }
0x97: {  	_ =	strace $0x8FFFFFFF  }
0x98: {  	s19 =	sld [smem:$0x3FDB];
	_ =	sdelay $0x1  }
0x99: {  	s4 =	simm.s32 $_scs_section_size  }
0x9a: {  	s5 =	simm.s32 $_size__tile_overlayer_lowered;
	s6 =	simm.s32 $_tile_overlayer_lowered  }
0x9b: {  	s22 =	simm.s32 $0x1BFF;
	s21 =	sshll.u32 s6, $0x1;
	s3 =	sadd.s32 s4, s19  }
0x9c: {  	s7 =	simm.s32 $0x0;
	s20 =	sshll.u32 s5, $0x1;
	s5 =	sadd.s32 s21, s3  }
0x9d: {  	[timem:s7], [sflag:s22] =	dma.local [hbm:s5], s20  }
0x9e: {  	_ =	swait.ge [sflag:s22], s20  }
0x9f: {  	s4 =	ssub.s32 $0x0, s20;
	[sflag:s22] =	ssyncset.done $0x0  }
0xa0: {  	[sflag:s22] =	ssyncadd.s32 s4;
	_ =	sdelay $0x1  }
0xa1: {  	s23 =	simm.s32 $0x1B8B  }
0xa2: {  	_ =	swait.ge [sflag:s23], $0x1  }
0xa3: {  	[sflag:s23] =	ssyncset.done $0x0  }
0xa4: {  	s25 =	simm.s32 $0x1B8E;
	s24 =	sld [smem:$0x3FFE];
	[sflag:s23] =	ssyncadd.s32 $0xFFFFFFFF  }
0xa5: {  	s26 =	simm.s32 $execute0_lowered;
	[smem:$0x3FD2] =	sst s25  }
0xa6: {  	s5 =	sshll.u32 s26, $0x1;
	_ =	strace $0x80000049;
	[dreg:$0x1] =	wrdreg $0xFFFFFFFF  }
0xa7: {  	s28 =	simm.s32 $_size_execute0_lowered;
	s3 =	sadd.s32 s3, s5;
	[dreg:$0x0] =	wrdreg $0x0  }
0xa8: {  	s5 =	sshll.u32 s28, $0x1;
	[dreg:$0x2] =	wrdreg s3  }
0xa9: {  	[dreg:$0x3] =	wrdreg s5  }
0xaa: {  	[dreg:$0x4] =	wrdreg $0xC0  }
0xab: {  	_ =	task [dreg:s7], $0x5FFFF  }
0xac: {  	[dreg:$0x1] =	wrdreg $0xFFFFFFFF  }
0xad: {  	[dreg:$0x0] =	wrdreg $0x60  }
0xae: {  	[dreg:$0x2] =	wrdreg s2  }
0xaf: {  	[dreg:$0x3] =	wrdreg s24  }
0xb0: {  	[dreg:$0x4] =	wrdreg $0x4E200  }
0xb1: {  	[dreg:$0x5] =	wrdreg $0x9  }
0xb2: {  	_ =	task.clear_ibuf [dreg:s7], $0x6FFFF;
	_ =	strace $0x90000049  }
0xb3: {  	s29 =	simm.s32 $0x9;
	_ =	strace $0x8000004B  }
0xb4: {  	_ =	swait.ge [sflag:s29], $0x1  }
0xb5: {  	[sflag:s29] =	ssyncadd.s32 $0xFFFFFFFF  }
0xb6: {  	_ =	strace $0x9000004B  }
0xb7: {  	_ =	sfence  }
0xb8: {  	s30 =	sld [smem:$0x0];
	_ =	sdelay $0x2  }
0xb9: {  	s31 =	sshll.u32 s1, $0xD;
	s1 =	sshrl.u32 s1, $0x2  }
0xba: {  	s3 =	sand.u32 $0x4000, s31;
	s1 =	sadd.s32 s1, s30  }
0xbb: {  	s0 =	sor.u32 s3, s0;
	s1 =	sshll.u32 s1, $0x11  }
0xbc: {  	s0 =	sor.u32 s1, s0  }
0xbd: {  	s0 =	sadd.s32 $0x8F2B, s0  }
0xbe: {  	[sflag:s0] =	ssyncadd.remote.s32 $0x1  }
0xbf: {  	_ =	sfence.sel $0xFFFF  }
0xc0: {  	[dreg:$0x0] =	wrdreg $0xFFFFFFFF;
	(pc) =	sbr.abs _section_cstart, $3  }
0xc1: {  	[dreg:$0x1] =	wrdreg $0xFFFFFFFF  }
0xc2: {  	_ =	task.clear_ibuf [dreg:s7], $0x2FFFF;
	_ =	strace $0x9FFFFFFF  }
0xc3: {  	(tm) =	ssettm $0x7FFFFFFF  }
tec
execute0_lowered:
.L_overlay_start_1:
0x0: {  	(tag) =	ssettag $0x1  }
0x1: {  	s0 =	rddreg [dreg:$0x0]  }
0x2: {  	s1 =	rddreg [dreg:$0x1]  }
0x3: {  	s2 =	rddreg [dreg:$0x2]  }
0x4: {  	s12 =	stileid.u32;
	s5 =	srdreg.scid  }
0x5: {  	s3 =	simm.s32 $0x0;
	s11 =	simm.s32 $0x2710;
	s14 =	simm.s32 $0x28  }
0x6: {  	s15 =	simm.s32 $0x186A0;
	s16 =	simm.s32 $0x19AA0;
	s18 =	simm.s32 $0x1AEA0  }
0x7: {  	s20 =	simm.s32 $0x1C2A0;
	s21 =	simm.s32 $0x1;
	s23 =	simm.s32 $0x1D6A0  }
0x8: {  	s29 =	simm.s32 $0x3;
	s30 =	simm.s32 $0x7;
	s17 =	simm.s32 $0x8  }
0x9: {  	s28 =	simm.s32 $0x9;
	s19 =	simm.s32 $0xA;
	s4 =	smul.u32 $0x4E2, s12  }
0xa: {  	s22 =	simm.s32 $0x0;
	s5 =	sand.u32 $0x1, s5;
	s7 =	smul.u32 $0x13880, s12  }
0xb: {  	[smem:$0x7FF] =	sst s3;
	s24 =	sadd.s32 $0xB600, s1;
	s31 =	sshll.u32 s12, $0x6  }
0xc: {  	s8 =	smul.u32 $0x138800, s5;
	_ =	strace $0x8000004A;
	s5 =	ssub.s32 $0x2, s5  }
0xd: {  	[dreg:$0x4] =	wrdreg s24;
	s12 =	sor.u32 $0x1C0B, s31;
	s24 =	simm.s32 $0x2  }
0xe: {  	s6 =	sadd.s32 s4, s1;
	s10 =	sshrl.u32 s5, $0x1;
	s13 =	sadd.s32 s7, s2  }
0xf: {  	s9 =	sadd.s32 s7, s8;
	s25 =	ssub.s32 s5, s10;
	s5 =	sadd.s32 $0x1600, s6  }
0x10: {  	s6 =	sadd.s32 $0x6600, s6;
	s26 =	sshrl.u32 s8, $0x3;
	s10 =	simm.s32 $0xB  }
0x11: {  	s13 =	sshrl.u32 s13, $0x3;
	s9 =	sshrl.u32 s9, $0x3;
	s7 =	sadd.s32 s0, s26  }
0x12: {  	s26 =	simm.s32 $0x5;
	s1 =	sadd.s32 s9, s1;
	s9 =	smax.u32 s25, $0x1  }
0x13: {  	s25 =	simm.s32 $0x6;
	s8 =	sadd.s32 $0xDE00, s1;
	s1 =	simm.s32 $0x4  }
.LBB2_1:
0x14: {  	[tilespmem:s3], [sflag:$0xB] =	stream.linear.gather [hbm4b:s5+s3], $0x2710, $0x38;
	[tilespmem:$0x1EAA0] =	vst v63  }
0x15: {  	_ =	swait.ge [sflag:s10], $0x2710  }
0x16: {  	[sflag:s10] =	ssyncset.done $0x0  }
0x17: {  	[sflag:s10] =	ssyncadd.s32 $0xFFFFD8F0  }
0x18: {  	[tilespmem:s11], [sflag:$0xB] =	stream.linear.gather [hbm4b:s6+s3], $0x2710, $0x38;
	[tilespmem:$0x1EAA0] =	vst v63  }
0x19: {  	_ =	swait.ge [sflag:s10], $0x2710  }
0x1a: {  	[sflag:s10] =	ssyncset.done $0x0  }
0x1b: {  	s0 =	rddreg [dreg:$0x4];
	[sflag:s10] =	ssyncadd.s32 $0xFFFFD8F0  }
0x1c: {  	[spmem:s13], [sflag:s12] =	dma.local [hbm:s0], $0x2710  }
0x1d: {  	_ =	swait.ge [sflag:s10], $0x2710  }
0x1e: {  	[sflag:s10] =	ssyncset.done $0x0  }
0x1f: {  	[sflag:s10] =	ssyncadd.s32 $0xFFFFD8F0  }
0x20: {  	[bflag:$0x0] =	sbarrier.arrive $0xFFFF  }
0x21: {  	[tilespmem:s15], [sflag:$0x1] =	stream.indirect.gather [hbm4b:s7+s14], $0x80, s3, s14, $0xb8;
	[tilespmem:$0x1EAA0] =	vst v63  }
0x22: {  	_ = 	snop  }
0x23: {  	[tilespmem:s16], [sflag:$0x2] =	stream.indirect.gather [hbm4b:s7+s14], $0x80, s14, s14, $0xb8;
	[tilespmem:$0x1EAA0] =	vst v63  }
0x24: {  	s4 =	simm.s32 $0x50  }
0x25: {  	[tilespmem:s18], [sflag:$0x3] =	stream.indirect.gather [hbm4b:s7+s14], $0x80, s4, s14, $0xb8;
	[tilespmem:$0x1EAA0] =	vst v63  }
0x26: {  	s4 =	simm.s32 $0x78  }
0x27: {  	[tilespmem:s20], [sflag:$0x4] =	stream.indirect.gather [hbm4b:s7+s14], $0x80, s4, s14, $0xb8;
	[tilespmem:$0x1EAA0] =	vst v63  }
0x28: {  	_ =	swait.ge [sflag:s21], $0x1400  }
0x29: {  	[sflag:s21] =	ssyncset.done $0x0  }
0x2a: {  	s4 =	simm.s32 $0xA0;
	[sflag:s21] =	ssyncadd.s32 $0xFFFFEC00  }
0x2b: {  	[tilespmem:s23], [sflag:$0x5] =	stream.indirect.gather [hbm4b:s7+s14], $0x80, s4, s14, $0xb8;
	[tilespmem:$0x1EAA0] =	vst v63  }
0x2c: {  	_ = 	snop  }
0x2d: {  	[spmem:s2] =	stream.indirect.scatter.add.f32 [tilespmem:s15], [sflag:$0x6], $0x80, s11, s14, $0xb8;
	[tilespmem:$0x1EAA0] =	vst v63  }
0x2e: {  	_ =	swait.ge [sflag:s24], $0x1400  }
0x2f: {  	[sflag:s24] =	ssyncset.done $0x0  }
0x30: {  	[sflag:s24] =	ssyncadd.s32 $0xFFFFEC00  }
0x31: {  	_ =	swait.ge [sflag:s25], $0x1400  }
0x32: {  	[sflag:s25] =	ssyncset.done $0x0  }
0x33: {  	s4 =	simm.s32 $0xC8;
	[sflag:s25] =	ssyncadd.s32 $0xFFFFEC00  }
0x34: {  	[tilespmem:s15], [sflag:$0x1] =	stream.indirect.gather [hbm4b:s7+s14], $0x80, s4, s14, $0xb8;
	[tilespmem:$0x1EAA0] =	vst v63  }
0x35: {  	s4 =	simm.s32 $0x2738  }
0x36: {  	[spmem:s2] =	stream.indirect.scatter.add.f32 [tilespmem:s16], [sflag:$0x7], $0x80, s4, s14, $0xb8;
	[tilespmem:$0x1EAA0] =	vst v63  }
0x37: {  	_ =	swait.ge [sflag:s29], $0x1400  }
0x38: {  	[sflag:s29] =	ssyncset.done $0x0  }
0x39: {  	[sflag:s29] =	ssyncadd.s32 $0xFFFFEC00  }
0x3a: {  	_ =	swait.ge [sflag:s30], $0x1400  }
0x3b: {  	[sflag:s30] =	ssyncset.done $0x0  }
0x3c: {  	s4 =	simm.s32 $0xF0;
	[sflag:s30] =	ssyncadd.s32 $0xFFFFEC00  }
0x3d: {  	[tilespmem:s16], [sflag:$0x2] =	stream.indirect.gather [hbm4b:s7+s14], $0x80, s4, s14, $0xb8;
	[tilespmem:$0x1EAA0] =	vst v63  }
0x3e: {  	s4 =	simm.s32 $0x2760  }
0x3f: {  	[spmem:s2] =	stream.indirect.scatter.add.f32 [tilespmem:s18], [sflag:$0x8], $0x80, s4, s14, $0xb8;
	[tilespmem:$0x1EAA0] =	vst v63  }
0x40: {  	_ =	swait.ge [sflag:s1], $0x1400  }
0x41: {  	[sflag:s1] =	ssyncset.done $0x0  }
0x42: {  	[sflag:s1] =	ssyncadd.s32 $0xFFFFEC00  }
0x43: {  	_ =	swait.ge [sflag:s17], $0x1400  }
0x44: {  	[sflag:s17] =	ssyncset.done $0x0  }
0x45: {  	s4 =	simm.s32 $0x118;
	[sflag:s17] =	ssyncadd.s32 $0xFFFFEC00  }
0x46: {  	[tilespmem:s18], [sflag:$0x3] =	stream.indirect.gather [hbm4b:s7+s14], $0x80, s4, s14, $0xb8;
	[tilespmem:$0x1EAA0] =	vst v63  }
0x47: {  	s4 =	simm.s32 $0x2788  }
0x48: {  	[spmem:s2] =	stream.indirect.scatter.add.f32 [tilespmem:s20], [sflag:$0x9], $0x80, s4, s14, $0xb8;
	[tilespmem:$0x1EAA0] =	vst v63  }
0x49: {  	_ =	swait.ge [sflag:s26], $0x1400  }
0x4a: {  	[sflag:s26] =	ssyncset.done $0x0  }
0x4b: {  	[sflag:s26] =	ssyncadd.s32 $0xFFFFEC00  }
0x4c: {  	_ =	swait.ge [sflag:s28], $0x1400  }
0x4d: {  	[sflag:s28] =	ssyncset.done $0x0  }
0x4e: {  	s4 =	simm.s32 $0x140;
	[sflag:s28] =	ssyncadd.s32 $0xFFFFEC00  }
0x4f: {  	[tilespmem:s20], [sflag:$0x4] =	stream.indirect.gather [hbm4b:s7+s14], $0x80, s4, s14, $0xb8;
	[tilespmem:$0x1EAA0] =	vst v63  }
0x50: {  	s4 =	simm.s32 $0x27B0  }
0x51: {  	[spmem:s2] =	stream.indirect.scatter.add.f32 [tilespmem:s23], [sflag:$0xA], $0x80, s4, s14, $0xb8;
	[tilespmem:$0x1EAA0] =	vst v63  }
0x52: {  	_ =	swait.ge [sflag:s21], $0x1400  }
0x53: {  	[sflag:s21] =	ssyncset.done $0x0  }
0x54: {  	[sflag:s21] =	ssyncadd.s32 $0xFFFFEC00  }
0x55: {  	_ =	swait.ge [sflag:s19], $0x1400  }
0x56: {  	[sflag:s19] =	ssyncset.done $0x0  }
0x57: {  	s4 =	simm.s32 $0x168;
	[sflag:s19] =	ssyncadd.s32 $0xFFFFEC00  }
0x58: {  	[tilespmem:s23], [sflag:$0x5] =	stream.indirect.gather [hbm4b:s7+s14], $0x80, s4, s14, $0xb8;
	[tilespmem:$0x1EAA0] =	vst v63  }
0x59: {  	s4 =	simm.s32 $0x27D8  }
0x5a: {  	[spmem:s2] =	stream.indirect.scatter.add.f32 [tilespmem:s15], [sflag:$0x6], $0x80, s4, s14, $0xb8;
	[tilespmem:$0x1EAA0] =	vst v63  }
0x5b: {  	_ =	swait.ge [sflag:s24], $0x1400  }
0x5c: {  	[sflag:s24] =	ssyncset.done $0x0  }
0x5d: {  	[sflag:s24] =	ssyncadd.s32 $0xFFFFEC00  }
0x5e: {  	_ =	swait.ge [sflag:s25], $0x1400  }
0x5f: {  	[sflag:s25] =	ssyncset.done $0x0  }
0x60: {  	s4 =	simm.s32 $0x190;
	[sflag:s25] =	ssyncadd.s32 $0xFFFFEC00  }
0x61: {  	[tilespmem:s15], [sflag:$0x1] =	stream.indirect.gather [hbm4b:s7+s14], $0x80, s4, s14, $0xb8;
	[tilespmem:$0x1EAA0] =	vst v63  }
0x62: {  	s4 =	simm.s32 $0x2800  }
0x63: {  	[spmem:s2] =	stream.indirect.scatter.add.f32 [tilespmem:s16], [sflag:$0x7], $0x80, s4, s14, $0xb8;
	[tilespmem:$0x1EAA0] =	vst v63  }
0x64: {  	_ =	swait.ge [sflag:s29], $0x1400  }
0x65: {  	[sflag:s29] =	ssyncset.done $0x0  }
0x66: {  	[sflag:s29] =	ssyncadd.s32 $0xFFFFEC00  }
0x67: {  	_ =	swait.ge [sflag:s30], $0x1400  }
0x68: {  	[sflag:s30] =	ssyncset.done $0x0  }
0x69: {  	s4 =	simm.s32 $0x1B8;
	[sflag:s30] =	ssyncadd.s32 $0xFFFFEC00  }
0x6a: {  	[tilespmem:s16], [sflag:$0x2] =	stream.indirect.gather [hbm4b:s7+s14], $0x80, s4, s14, $0xb8;
	[tilespmem:$0x1EAA0] =	vst v63  }
0x6b: {  	s4 =	simm.s32 $0x2828  }
0x6c: {  	[spmem:s2] =	stream.indirect.scatter.add.f32 [tilespmem:s18], [sflag:$0x8], $0x80, s4, s14, $0xb8;
	[tilespmem:$0x1EAA0] =	vst v63  }
0x6d: {  	_ =	swait.ge [sflag:s1], $0x1400  }
0x6e: {  	[sflag:s1] =	ssyncset.done $0x0  }
0x6f: {  	[sflag:s1] =	ssyncadd.s32 $0xFFFFEC00  }
0x70: {  	_ =	swait.ge [sflag:s17], $0x1400  }
0x71: {  	[sflag:s17] =	ssyncset.done $0x0  }
0x72: {  	s4 =	simm.s32 $0x1E0;
	[sflag:s17] =	ssyncadd.s32 $0xFFFFEC00  }
0x73: {  	[tilespmem:s18], [sflag:$0x3] =	stream.indirect.gather [hbm4b:s7+s14], $0x80, s4, s14, $0xb8;
	[tilespmem:$0x1EAA0] =	vst v63  }
0x74: {  	s4 =	simm.s32 $0x2850  }
0x75: {  	[spmem:s2] =	stream.indirect.scatter.add.f32 [tilespmem:s20], [sflag:$0x9], $0x80, s4, s14, $0xb8;
	[tilespmem:$0x1EAA0] =	vst v63  }
0x76: {  	_ =	swait.ge [sflag:s26], $0x1400  }
0x77: {  	[sflag:s26] =	ssyncset.done $0x0  }
0x78: {  	[sflag:s26] =	ssyncadd.s32 $0xFFFFEC00  }
0x79: {  	_ =	swait.ge [sflag:s28], $0x1400  }
0x7a: {  	s31 =	simm.s32 $0x320;
	[sflag:s28] =	ssyncset.done $0x0  }
0x7b: {  	s0 =	simm.s32 $0x2878;
	s4 =	simm.s32 $0x208;
	[sflag:s28] =	ssyncadd.s32 $0xFFFFEC00  }
0x7c: {  	[tilespmem:s20], [sflag:$0x4] =	stream.indirect.gather [hbm4b:s7+s14], $0x80, s4, s14, $0xb8;
	[tilespmem:$0x1EAA0] =	vst v63  }
.LBB2_2:
0x7d: {  	[spmem:s2] =	stream.indirect.scatter.add.f32 [tilespmem:s23], [sflag:$0xA], $0x80, s0, s14, $0xb8;
	[tilespmem:$0x1EAA0] =	vst v63  }
0x7e: {  	s0 =	smov.u32 s31  }
0x7f: {  	p0 =	sne.s32 s31, $0x92E0;
	s31 =	sadd.s32 $0x320, s31;
	_ =	swait.ge [sflag:s21], $0x1400  }
0x80: {  	[sflag:s21] =	ssyncset.done $0x0  }
0x81: {  	[sflag:s21] =	ssyncadd.s32 $0xFFFFEC00  }
0x82: {  	_ =	swait.ge [sflag:s19], $0x1400  }
0x83: {  	s0 =	sshra.s32 s0, $0x2;
	[sflag:s19] =	ssyncset.done $0x0  }
0x84: {  	s4 =	sadd.s32 $0x168, s0;
	[sflag:s19] =	ssyncadd.s32 $0xFFFFEC00  }
0x85: {  	[tilespmem:s23], [sflag:$0x5] =	stream.indirect.gather [hbm4b:s7+s14], $0x80, s4, s14, $0xb8;
	[tilespmem:$0x1EAA0] =	vst v63  }
0x86: {  	s4 =	sadd.s32 $0x27D8, s0  }
0x87: {  	[spmem:s2] =	stream.indirect.scatter.add.f32 [tilespmem:s15], [sflag:$0x6], $0x80, s4, s14, $0xb8;
	[tilespmem:$0x1EAA0] =	vst v63  }
0x88: {  	_ =	swait.ge [sflag:s24], $0x1400  }
0x89: {  	[sflag:s24] =	ssyncset.done $0x0  }
0x8a: {  	[sflag:s24] =	ssyncadd.s32 $0xFFFFEC00  }
0x8b: {  	_ =	swait.ge [sflag:s25], $0x1400  }
0x8c: {  	[sflag:s25] =	ssyncset.done $0x0  }
0x8d: {  	s4 =	sadd.s32 $0x190, s0;
	[sflag:s25] =	ssyncadd.s32 $0xFFFFEC00  }
0x8e: {  	[tilespmem:s15], [sflag:$0x1] =	stream.indirect.gather [hbm4b:s7+s14], $0x80, s4, s14, $0xb8;
	[tilespmem:$0x1EAA0] =	vst v63  }
0x8f: {  	s4 =	sadd.s32 $0x2800, s0  }
0x90: {  	[spmem:s2] =	stream.indirect.scatter.add.f32 [tilespmem:s16], [sflag:$0x7], $0x80, s4, s14, $0xb8;
	[tilespmem:$0x1EAA0] =	vst v63  }
0x91: {  	_ =	swait.ge [sflag:s29], $0x1400  }
0x92: {  	[sflag:s29] =	ssyncset.done $0x0  }
0x93: {  	[sflag:s29] =	ssyncadd.s32 $0xFFFFEC00  }
0x94: {  	_ =	swait.ge [sflag:s30], $0x1400  }
0x95: {  	[sflag:s30] =	ssyncset.done $0x0  }
0x96: {  	s4 =	sadd.s32 $0x1B8, s0;
	[sflag:s30] =	ssyncadd.s32 $0xFFFFEC00  }
0x97: {  	[tilespmem:s16], [sflag:$0x2] =	stream.indirect.gather [hbm4b:s7+s14], $0x80, s4, s14, $0xb8;
	[tilespmem:$0x1EAA0] =	vst v63  }
0x98: {  	s4 =	sadd.s32 $0x2828, s0  }
0x99: {  	[spmem:s2] =	stream.indirect.scatter.add.f32 [tilespmem:s18], [sflag:$0x8], $0x80, s4, s14, $0xb8;
	[tilespmem:$0x1EAA0] =	vst v63  }
0x9a: {  	_ =	swait.ge [sflag:s1], $0x1400  }
0x9b: {  	[sflag:s1] =	ssyncset.done $0x0  }
0x9c: {  	[sflag:s1] =	ssyncadd.s32 $0xFFFFEC00  }
0x9d: {  	_ =	swait.ge [sflag:s17], $0x1400  }
0x9e: {  	[sflag:s17] =	ssyncset.done $0x0  }
0x9f: {  	s4 =	sadd.s32 $0x1E0, s0;
	[sflag:s17] =	ssyncadd.s32 $0xFFFFEC00  }
0xa0: {  	[tilespmem:s18], [sflag:$0x3] =	stream.indirect.gather [hbm4b:s7+s14], $0x80, s4, s14, $0xb8;
	[tilespmem:$0x1EAA0] =	vst v63  }
0xa1: {  	s4 =	sadd.s32 $0x2850, s0  }
0xa2: {  	[spmem:s2] =	stream.indirect.scatter.add.f32 [tilespmem:s20], [sflag:$0x9], $0x80, s4, s14, $0xb8;
	[tilespmem:$0x1EAA0] =	vst v63  }
0xa3: {  	_ =	swait.ge [sflag:s26], $0x1400  }
0xa4: {  	[sflag:s26] =	ssyncset.done $0x0  }
0xa5: {  	[sflag:s26] =	ssyncadd.s32 $0xFFFFEC00  }
.Ltmp0:
0xa6: {  	_ =	swait.ge [sflag:s28], $0x1400;
	(pc) =	sbr.rel @p0 .LBB2_2-.Ltmp0, $4  }
0xa7: {  	[sflag:s28] =	ssyncset.done $0x0  }
0xa8: {  	s4 =	sadd.s32 $0x208, s0;
	[sflag:s28] =	ssyncadd.s32 $0xFFFFEC00  }
0xa9: {  	[tilespmem:s20], [sflag:$0x4] =	stream.indirect.gather [hbm4b:s7+s14], $0x80, s4, s14, $0xb8;
	[tilespmem:$0x1EAA0] =	vst v63  }
0xaa: {  	s0 =	sadd.s32 $0x2878, s0  }
0xab: {  	[spmem:s2] =	stream.indirect.scatter.add.f32 [tilespmem:s23], [sflag:$0xA], $0x80, s0, s14, $0xb8;
	[tilespmem:$0x1EAA0] =	vst v63  }
0xac: {  	_ =	swait.ge [sflag:s21], $0x1400  }
0xad: {  	[sflag:s21] =	ssyncset.done $0x0  }
0xae: {  	[sflag:s21] =	ssyncadd.s32 $0xFFFFEC00  }
0xaf: {  	_ =	swait.ge [sflag:s19], $0x1400  }
0xb0: {  	[sflag:s19] =	ssyncset.done $0x0  }
0xb1: {  	s4 =	simm.s32 $0x26E8;
	[sflag:s19] =	ssyncadd.s32 $0xFFFFEC00  }
0xb2: {  	[tilespmem:s23], [sflag:$0x5] =	stream.indirect.gather [hbm4b:s7+s14], $0x80, s4, s14, $0xb8;
	[tilespmem:$0x1EAA0] =	vst v63  }
0xb3: {  	s31 =	simm.s32 $0x4D58  }
0xb4: {  	[spmem:s2] =	stream.indirect.scatter.add.f32 [tilespmem:s15], [sflag:$0x6], $0x80, s31, s14, $0xb8;
	[tilespmem:$0x1EAA0] =	vst v63  }
0xb5: {  	_ =	swait.ge [sflag:s24], $0x1400  }
0xb6: {  	[sflag:s24] =	ssyncset.done $0x0  }
0xb7: {  	[sflag:s24] =	ssyncadd.s32 $0xFFFFEC00  }
0xb8: {  	_ =	swait.ge [sflag:s25], $0x1400  }
0xb9: {  	[sflag:s25] =	ssyncset.done $0x0  }
0xba: {  	s4 =	simm.s32 $0x4D80;
	[sflag:s25] =	ssyncadd.s32 $0xFFFFEC00  }
0xbb: {  	[spmem:s2] =	stream.indirect.scatter.add.f32 [tilespmem:s16], [sflag:$0x7], $0x80, s4, s14, $0xb8;
	[tilespmem:$0x1EAA0] =	vst v63  }
0xbc: {  	_ =	swait.ge [sflag:s29], $0x1400  }
0xbd: {  	[sflag:s29] =	ssyncset.done $0x0  }
0xbe: {  	[sflag:s29] =	ssyncadd.s32 $0xFFFFEC00  }
0xbf: {  	_ =	swait.ge [sflag:s30], $0x1400  }
0xc0: {  	[sflag:s30] =	ssyncset.done $0x0  }
0xc1: {  	s31 =	simm.s32 $0x4DA8;
	[sflag:s30] =	ssyncadd.s32 $0xFFFFEC00  }
0xc2: {  	[spmem:s2] =	stream.indirect.scatter.add.f32 [tilespmem:s18], [sflag:$0x8], $0x80, s31, s14, $0xb8;
	[tilespmem:$0x1EAA0] =	vst v63  }
0xc3: {  	_ =	swait.ge [sflag:s1], $0x1400  }
0xc4: {  	[sflag:s1] =	ssyncset.done $0x0  }
0xc5: {  	[sflag:s1] =	ssyncadd.s32 $0xFFFFEC00  }
0xc6: {  	_ =	swait.ge [sflag:s17], $0x1400  }
0xc7: {  	[sflag:s17] =	ssyncset.done $0x0  }
0xc8: {  	s4 =	simm.s32 $0x4DD0;
	[sflag:s17] =	ssyncadd.s32 $0xFFFFEC00  }
0xc9: {  	[spmem:s2] =	stream.indirect.scatter.add.f32 [tilespmem:s20], [sflag:$0x9], $0x80, s4, s14, $0xb8;
	[tilespmem:$0x1EAA0] =	vst v63  }
0xca: {  	_ =	swait.ge [sflag:s26], $0x1400  }
0xcb: {  	[sflag:s26] =	ssyncset.done $0x0  }
0xcc: {  	[sflag:s26] =	ssyncadd.s32 $0xFFFFEC00  }
0xcd: {  	_ =	swait.ge [sflag:s28], $0x1400  }
0xce: {  	[sflag:s28] =	ssyncset.done $0x0  }
0xcf: {  	s31 =	simm.s32 $0x4DF8;
	[sflag:s28] =	ssyncadd.s32 $0xFFFFEC00  }
0xd0: {  	[spmem:s2] =	stream.indirect.scatter.add.f32 [tilespmem:s23], [sflag:$0xA], $0x80, s31, s14, $0xb8;
	[tilespmem:$0x1EAA0] =	vst v63  }
0xd1: {  	_ =	swait.ge [sflag:s19], $0x1400  }
0xd2: {  	s22 =	sadd.s32 $0x1, s22;
	[sflag:s19] =	ssyncset.done $0x0  }
0xd3: {  	p0 =	sne.s32 s22, s9;
	[sflag:s19] =	ssyncadd.s32 $0xFFFFEC00  }
.Ltmp1:
0xd4: {  	[bflag:$0x0] =	sbarrier.arrive $0xFFFF;
	(pc) =	sbr.rel @p0 .LBB2_1-.Ltmp1, $4  }
0xd5: {  	[hbm:s8], [sflag:s12] =	dma.local [spmem:s13], $0x2710  }
0xd6: {  	_ =	swait.ge [sflag:s10], $0x2710  }
0xd7: {  	[sflag:s10] =	ssyncset.done $0x0  }
0xd8: {  	[sflag:s10] =	ssyncadd.s32 $0xFFFFD8F0  }
0xd9: {  	_ =	sfence.sel $0x180000  }
0xda: {  	[bflag:$0x0] =	sbarrier.arrive $0xFFFF  }
0xdb: {  	_ =	strace $0x9000004A  }
0xdc: {  	s0 =	stileid.u32;
	[bflag:$0x2] =	sbarrier.arrive $0xFFFF  }
0xdd: {  	p0 =	sne.s32 s0, $0x0;
	s0 =	rddreg [dreg:$0x3]  }
0xde: {  	s0 =	sadd.s32 @!p0 $0x100000, s0  }
0xdf: {  	[sflag:s0] =	ssyncadd.tile.s32 @!p0 $0x1;
	_ =	shalt  }
.Lfunc_end2:
_tile_overlayer_lowered:
.L_overlay_start_2:
0xe0: {  	(tag) =	ssettag $0x2  }
0xe1: {  	s0 =	rddreg [dreg:$0x0];
	s2 =	stileid.u32  }
0xe2: {  	s1 =	rddreg [dreg:$0x1];
	p0 =	sne.s32 s2, $0x0  }
0xe3: {  	s3 =	rddreg [dreg:$0x2];
	[bflag:$0x3] =	sbarrier.arrive $0xFFFF;
	s2 =	simm.s32 @!p0 $0x1C0B  }
0xe4: {  	[timem:s3], [sflag:s2] =	dma.local @!p0 [hbm:s0], s1  }
0xe5: {  	s0 =	simm.s32 @!p0 $0xB  }
0xe6: {  	_ =	swait.ge @!p0 [sflag:s0], s1  }
0xe7: {  	s1 =	ssub.s32 @!p0 $0x0, s1;
	[sflag:s0] =	ssyncset.done @!p0 $0x0  }
0xe8: {  	[sflag:s0] =	ssyncadd.s32 @!p0 s1  }
0xe9: {  	[bflag:$0x3] =	sbarrier.arrive $0xFFFF  }
0xea: {  	_ =	shalt  }

// kernel: kernel.14.cloned.1.call-start
scs
__scs_entry_jumppad:
0x0: {  	(pc) =	sbr.rel $0x88, $3  }
0x1: {  	(tag) =	ssettag $0x0;
	lr =	simm.s32 $0x1  }
0x2: {  	[smem:$0x3F99] =	sst lr;
	_ =	strace $0xD0000000  }
0x3: {  	_ = 	snop  }
0x4: {  	_ = 	snop  }
0x5: {  	_ = 	snop  }
0x6: {  	_ = 	snop  }
0x7: {  	_ = 	snop  }
__scs_overlays_trampoline_lowered:
0x8: {  	[smem:$0x3FA8] =	sst s0  }
0x9: {  	[smem:$0x3FA9] =	sst s1  }
0xa: {  	[smem:$0x3FAA] =	sst s2  }
0xb: {  	[smem:$0x3FAB] =	sst s3  }
0xc: {  	[smem:$0x3FAC] =	sst s4  }
0xd: {  	[smem:$0x3FAD] =	sst s5  }
0xe: {  	[smem:$0x3FAE] =	sst s6  }
0xf: {  	[smem:$0x3FAF] =	sst s7  }
0x10: {  	[smem:$0x3FB0] =	sst s8  }
0x11: {  	[smem:$0x3FB1] =	sst s9;
	s0 =	simm.s32 @!p0 $0x0  }
0x12: {  	s1 =	sld [smem:$0x3F97];
	s0 =	simm.s32 @p0 $0x1  }
0x13: {  	[smem:$0x3FB2] =	sst s0;
	s0 =	simm.s32 @!p1 $0x0  }
0x14: {  	s2 =	sld [smem:$0x3F96];
	s0 =	simm.s32 @p1 $0x1  }
0x15: {  	[smem:$0x3FB3] =	sst s0;
	s0 =	simm.s32 @!p2 $0x0  }
0x16: {  	s3 =	sld [smem:$0x3FDB];
	s0 =	simm.s32 @p2 $0x1  }
0x17: {  	s4 =	simm.s32 $0x1BF5;
	[smem:$0x3FB5] =	sst s0  }
0x18: {  	s0 =	sld [smem:$0x3F98];
	_ =	swait.ge [sflag:s4], $0x0  }
0x19: {  	s7 =	sld [smem:$0x3F99]  }
0x1a: {  	s8 =	sadd.s32 $0xFFFFE003, lr  }
0x1b: {  	s9 =	sadd.s32 $0xFFFFFEF7, lr;
	s5 =	simm.s32 $0xFFFFFFFF;
	p2 =	slt.u32 s8, $0xFFFFF086  }
0x1c: {  	p1 =	slt.u32 s9, $0xF7A;
	s5 =	simm.s32 @!p2 $0x0  }
0x1d: {  	s5 =	simm.s32 @p1 $0x1;
	p0 =	seq.s32 s7, s2  }
0x1e: {  	s7 =	smul.u32 @!p0 $0xF7A, s2;
	p2 =	seq.s32 @!p0 s5, $0x0  }
0x1f: {  	s9 =	smul.u32 $0xF7A, s1;
	s8 =	simm.s32 @!p0 $0x1BF5;
	p2 =	por !p2, p0  }
0x20: {  	[sflag:s8] =	ssyncset.s32 @!p0 $0xFFFFF086;
	s6 =	sadd.s32 @!p0 s3, s7;
	s7 =	simm.s32 @!p0 $0x108  }
0x21: {  	s3 =	sadd.s32 s3, s9;
	s6 =	sadd.s32 @!p0 $0x88, s6;
	s7 =	simm.s32 @p2 $0x1082  }
0x22: {  	[simem:s7], [sflag:s8] =	dma.local @!p0 [hbm:s6], $0xF7A  }
0x23: {  	s9 =	sor.u32 $0xD0000000, s2;
	s6 =	simm.s32 $0x108;
	_ =	swait.ge @!p0 [sflag:s8], $0x0  }
0x24: {  	s3 =	sadd.s32 $0x88, s3;
	s6 =	simm.s32 @!p1 $0x1082;
	[sflag:s4] =	ssyncset.s32 $0xFFFFF086  }
0x25: {  	[simem:s6], [sflag:s4] =	dma.local [hbm:s3], $0xF7A  }
0x26: {  	[smem:$0x3F99] =	sst s1;
	(tag) =	ssettag s2;
	_ =	strace s9  }
0x27: {  	s1 =	sld [smem:$0x3FA9]  }
0x28: {  	s2 =	sld [smem:$0x3FAA]  }
0x29: {  	s4 =	sld [smem:$0x3FAC]  }
0x2a: {  	p0 =	seq.s32 s5, $0x0;
	s5 =	sld [smem:$0x3FAD]  }
0x2b: {  	s6 =	sld [smem:$0x3FAE]  }
0x2c: {  	s7 =	sld [smem:$0x3FAF]  }
0x2d: {  	s3 =	simm.s32 $0x108;
	s8 =	sld [smem:$0x3FB0]  }
0x2e: {  	s3 =	simm.s32 @!p0 $0x1082;
	s9 =	sld [smem:$0x3FB1]  }
0x2f: {  	lr =	sadd.s32 s0, s3;
	s0 =	sld [smem:$0x3FA8]  }
0x30: {  	s3 =	sld [smem:$0x3FAB]  }
0x31: {  	[smem:$0x3FB4] =	sst s10  }
0x32: {  	s10 =	sld [smem:$0x3FB2];
	_ =	sdelay $0x3  }
0x33: {  	p0 =	seq.s32 s10, $0x1;
	s10 =	sld [smem:$0x3FB4];
	_ =	sdelay $0x3  }
0x34: {  	[smem:$0x3FB4] =	sst s10  }
0x35: {  	s10 =	sld [smem:$0x3FB3];
	_ =	sdelay $0x3  }
0x36: {  	p1 =	seq.s32 s10, $0x1;
	s10 =	sld [smem:$0x3FB4];
	_ =	sdelay $0x3  }
0x37: {  	[smem:$0x3FB4] =	sst s10  }
0x38: {  	s10 =	sld [smem:$0x3FB5]  }
0x39: {  	_ = 	snop;
	(pc) =	sbr.ind lr, $3  }
0x3a: {  	_ = 	snop  }
0x3b: {  	_ = 	snop  }
0x3c: {  	p2 =	seq.s32 s10, $0x1;
	s10 =	sld [smem:$0x3FB4]  }
0x3d: {  	_ =	shalt  }
0x3e: {  	_ =	shalt  }
0x3f: {  	_ =	shalt  }
0x40: {  	_ =	shalt  }
0x41: {  	_ =	shalt  }
0x42: {  	_ =	shalt  }
0x43: {  	_ =	shalt  }
0x44: {  	_ =	shalt  }
0x45: {  	_ =	shalt  }
0x46: {  	_ =	shalt  }
0x47: {  	_ =	shalt  }
0x48: {  	_ =	shalt  }
0x49: {  	_ =	shalt  }
0x4a: {  	_ =	shalt  }
0x4b: {  	_ =	shalt  }
0x4c: {  	_ =	shalt  }
0x4d: {  	_ =	shalt  }
0x4e: {  	_ =	shalt  }
0x4f: {  	_ =	shalt  }
0x50: {  	_ =	shalt  }
0x51: {  	_ =	shalt  }
0x52: {  	_ =	shalt  }
0x53: {  	_ =	shalt  }
0x54: {  	_ =	shalt  }
0x55: {  	_ =	shalt  }
0x56: {  	_ =	shalt  }
0x57: {  	_ =	shalt  }
0x58: {  	_ =	shalt  }
0x59: {  	_ =	shalt  }
0x5a: {  	_ =	shalt  }
0x5b: {  	_ =	shalt  }
0x5c: {  	_ =	shalt  }
0x5d: {  	_ =	shalt  }
0x5e: {  	_ =	shalt  }
0x5f: {  	_ =	shalt  }
0x60: {  	_ =	shalt  }
0x61: {  	_ =	shalt  }
0x62: {  	_ =	shalt  }
0x63: {  	_ =	shalt  }
0x64: {  	_ =	shalt  }
0x65: {  	_ =	shalt  }
0x66: {  	_ =	shalt  }
0x67: {  	_ =	shalt  }
0x68: {  	_ =	shalt  }
0x69: {  	_ =	shalt  }
0x6a: {  	_ =	shalt  }
0x6b: {  	_ =	shalt  }
0x6c: {  	_ =	shalt  }
0x6d: {  	_ =	shalt  }
0x6e: {  	_ =	shalt  }
0x6f: {  	_ =	shalt  }
0x70: {  	_ =	shalt  }
0x71: {  	_ =	shalt  }
0x72: {  	_ =	shalt  }
0x73: {  	_ =	shalt  }
0x74: {  	_ =	shalt  }
0x75: {  	_ =	shalt  }
0x76: {  	_ =	shalt  }
0x77: {  	_ =	shalt  }
0x78: {  	_ =	shalt  }
0x79: {  	_ =	shalt  }
0x7a: {  	_ =	shalt  }
0x7b: {  	_ =	shalt  }
0x7c: {  	_ =	shalt  }
0x7d: {  	_ =	shalt  }
0x7e: {  	_ =	shalt  }
0x7f: {  	_ =	shalt  }
0x80: {  	_ =	shalt  }
0x81: {  	_ =	shalt  }
0x82: {  	_ =	shalt  }
0x83: {  	_ =	shalt  }
0x84: {  	_ =	shalt  }
0x85: {  	_ =	shalt  }
0x86: {  	_ =	shalt  }
0x87: {  	_ =	shalt  }
.Lfunc_end0:
.L_simem_size_0:
called_computation.2_lowered:
.L_overlay_start_0:
0x88: {  	s2 =	sld [smem:$0x3FD9]  }
0x89: {  	s3 =	sld [smem:$0x3FFE];
	_ =	sdelay $0x1  }
0x8a: {  	s1 =	srdreg.scid  }
0x8b: {  	s0 =	sand.u32 $0x1, s1  }
0x8c: {  	s17 =	sshll.u32 s0, $0xA;
	s2 =	sadd.s32 s3, s2  }
0x8d: {  	s2 =	sadd.s32 s2, s17  }
0x8e: {  	[smem:$0x3FC0] =	sst s2  }
0x8f: {  	_ = 	snop  }
0x90: {  	s2 =	sld [smem:$0x3FD0];
	(tm) =	ssettm $0x1  }
0x91: {  	s18 =	sld [smem:$0x3FFB];
	_ =	sdelay $0x3  }
0x92: {  	_ =	strace s18  }
0x93: {  	s3 =	sld [smem:$0x3FFC];
	_ =	sdelay $0x3  }
0x94: {  	_ =	strace s3  }
0x95: {  	s3 =	sld [smem:$0x3FFD];
	_ =	sdelay $0x3  }
0x96: {  	_ =	strace s3  }
0x97: {  	_ =	strace $0x8FFFFFFF  }
0x98: {  	s19 =	sld [smem:$0x3FDB];
	_ =	sdelay $0x1  }
0x99: {  	s4 =	simm.s32 $_scs_section_size  }
0x9a: {  	s5 =	simm.s32 $_size__tile_overlayer_lowered;
	s6 =	simm.s32 $_tile_overlayer_lowered  }
0x9b: {  	s22 =	simm.s32 $0x1BFF;
	s21 =	sshll.u32 s6, $0x1;
	s3 =	sadd.s32 s4, s19  }
0x9c: {  	s7 =	simm.s32 $0x0;
	s20 =	sshll.u32 s5, $0x1;
	s5 =	sadd.s32 s21, s3  }
0x9d: {  	[timem:s7], [sflag:s22] =	dma.local [hbm:s5], s20  }
0x9e: {  	_ =	swait.ge [sflag:s22], s20  }
0x9f: {  	s4 =	ssub.s32 $0x0, s20;
	[sflag:s22] =	ssyncset.done $0x0  }
0xa0: {  	[sflag:s22] =	ssyncadd.s32 s4;
	_ =	sdelay $0x1  }
0xa1: {  	s23 =	simm.s32 $0x1B8B  }
0xa2: {  	_ =	swait.ge [sflag:s23], $0x1  }
0xa3: {  	[sflag:s23] =	ssyncset.done $0x0  }
0xa4: {  	s25 =	simm.s32 $0x1B8E;
	s24 =	sld [smem:$0x3FFE];
	[sflag:s23] =	ssyncadd.s32 $0xFFFFFFFF  }
0xa5: {  	s26 =	simm.s32 $execute0_lowered;
	[smem:$0x3FD2] =	sst s25  }
0xa6: {  	s5 =	sshll.u32 s26, $0x1;
	_ =	strace $0x8000004C;
	[dreg:$0x1] =	wrdreg $0xFFFFFFFF  }
0xa7: {  	s28 =	simm.s32 $_size_execute0_lowered;
	s3 =	sadd.s32 s3, s5;
	[dreg:$0x0] =	wrdreg $0x0  }
0xa8: {  	s5 =	sshll.u32 s28, $0x1;
	[dreg:$0x2] =	wrdreg s3  }
0xa9: {  	[dreg:$0x3] =	wrdreg s5  }
0xaa: {  	[dreg:$0x4] =	wrdreg $0xC0  }
0xab: {  	_ =	task [dreg:s7], $0x5FFFF  }
0xac: {  	[dreg:$0x1] =	wrdreg $0xFFFFFFFF  }
0xad: {  	[dreg:$0x0] =	wrdreg $0x60  }
0xae: {  	[dreg:$0x2] =	wrdreg s2  }
0xaf: {  	[dreg:$0x3] =	wrdreg s24  }
0xb0: {  	[dreg:$0x4] =	wrdreg $0x4E200  }
0xb1: {  	[dreg:$0x5] =	wrdreg $0x9  }
0xb2: {  	_ =	task.clear_ibuf [dreg:s7], $0x6FFFF;
	_ =	strace $0x9000004C  }
0xb3: {  	s29 =	simm.s32 $0x9;
	_ =	strace $0x8000004E  }
0xb4: {  	_ =	swait.ge [sflag:s29], $0x1  }
0xb5: {  	[sflag:s29] =	ssyncadd.s32 $0xFFFFFFFF  }
0xb6: {  	_ =	strace $0x9000004E  }
0xb7: {  	_ =	sfence  }
0xb8: {  	s30 =	sld [smem:$0x0];
	_ =	sdelay $0x2  }
0xb9: {  	s31 =	sshll.u32 s1, $0xD;
	s1 =	sshrl.u32 s1, $0x2  }
0xba: {  	s3 =	sand.u32 $0x4000, s31;
	s1 =	sadd.s32 s1, s30  }
0xbb: {  	s0 =	sor.u32 s3, s0;
	s1 =	sshll.u32 s1, $0x11  }
0xbc: {  	s0 =	sor.u32 s1, s0  }
0xbd: {  	s0 =	sadd.s32 $0x8F2B, s0  }
0xbe: {  	[sflag:s0] =	ssyncadd.remote.s32 $0x1  }
0xbf: {  	_ =	sfence.sel $0xFFFF  }
0xc0: {  	[dreg:$0x0] =	wrdreg $0xFFFFFFFF;
	(pc) =	sbr.abs _section_cstart, $3  }
0xc1: {  	[dreg:$0x1] =	wrdreg $0xFFFFFFFF  }
0xc2: {  	_ =	task.clear_ibuf [dreg:s7], $0x2FFFF;
	_ =	strace $0x9FFFFFFF  }
0xc3: {  	(tm) =	ssettm $0x7FFFFFFF  }
tec
execute0_lowered:
.L_overlay_start_1:
0x0: {  	(tag) =	ssettag $0x1  }
0x1: {  	s0 =	rddreg [dreg:$0x0]  }
0x2: {  	s1 =	rddreg [dreg:$0x1]  }
0x3: {  	s2 =	rddreg [dreg:$0x2]  }
0x4: {  	s12 =	stileid.u32;
	s5 =	srdreg.scid  }
0x5: {  	s3 =	simm.s32 $0x0;
	s11 =	simm.s32 $0x2710;
	s14 =	simm.s32 $0x28  }
0x6: {  	s15 =	simm.s32 $0x186A0;
	s16 =	simm.s32 $0x19AA0;
	s18 =	simm.s32 $0x1AEA0  }
0x7: {  	s20 =	simm.s32 $0x1C2A0;
	s21 =	simm.s32 $0x1;
	s23 =	simm.s32 $0x1D6A0  }
0x8: {  	s29 =	simm.s32 $0x3;
	s30 =	simm.s32 $0x7;
	s17 =	simm.s32 $0x8  }
0x9: {  	s28 =	simm.s32 $0x9;
	s19 =	simm.s32 $0xA;
	s4 =	smul.u32 $0x4E2, s12  }
0xa: {  	s22 =	simm.s32 $0x0;
	s5 =	sand.u32 $0x1, s5;
	s7 =	smul.u32 $0x13880, s12  }
0xb: {  	[smem:$0x7FF] =	sst s3;
	s24 =	sadd.s32 $0xB600, s1;
	s31 =	sshll.u32 s12, $0x6  }
0xc: {  	s8 =	smul.u32 $0x138800, s5;
	_ =	strace $0x8000004D;
	s5 =	ssub.s32 $0x2, s5  }
0xd: {  	[dreg:$0x4] =	wrdreg s24;
	s12 =	sor.u32 $0x1C0B, s31;
	s24 =	simm.s32 $0x2  }
0xe: {  	s6 =	sadd.s32 s4, s1;
	s10 =	sshrl.u32 s5, $0x1;
	s13 =	sadd.s32 s7, s2  }
0xf: {  	s9 =	sadd.s32 s7, s8;
	s25 =	ssub.s32 s5, s10;
	s5 =	sadd.s32 $0x1600, s6  }
0x10: {  	s6 =	sadd.s32 $0x6600, s6;
	s26 =	sshrl.u32 s8, $0x3;
	s10 =	simm.s32 $0xB  }
0x11: {  	s13 =	sshrl.u32 s13, $0x3;
	s9 =	sshrl.u32 s9, $0x3;
	s7 =	sadd.s32 s0, s26  }
0x12: {  	s26 =	simm.s32 $0x5;
	s1 =	sadd.s32 s9, s1;
	s9 =	smax.u32 s25, $0x1  }
0x13: {  	s25 =	simm.s32 $0x6;
	s8 =	sadd.s32 $0xDE00, s1;
	s1 =	simm.s32 $0x4  }
.LBB2_1:
0x14: {  	[tilespmem:s3], [sflag:$0xB] =	stream.linear.gather [hbm4b:s5+s3], $0x2710, $0x38;
	[tilespmem:$0x1EAA0] =	vst v63  }
0x15: {  	_ =	swait.ge [sflag:s10], $0x2710  }
0x16: {  	[sflag:s10] =	ssyncset.done $0x0  }
0x17: {  	[sflag:s10] =	ssyncadd.s32 $0xFFFFD8F0  }
0x18: {  	[tilespmem:s11], [sflag:$0xB] =	stream.linear.gather [hbm4b:s6+s3], $0x2710, $0x38;
	[tilespmem:$0x1EAA0] =	vst v63  }
0x19: {  	_ =	swait.ge [sflag:s10], $0x2710  }
0x1a: {  	[sflag:s10] =	ssyncset.done $0x0  }
0x1b: {  	s0 =	rddreg [dreg:$0x4];
	[sflag:s10] =	ssyncadd.s32 $0xFFFFD8F0  }
0x1c: {  	[spmem:s13], [sflag:s12] =	dma.local [hbm:s0], $0x2710  }
0x1d: {  	_ =	swait.ge [sflag:s10], $0x2710  }
0x1e: {  	[sflag:s10] =	ssyncset.done $0x0  }
0x1f: {  	[sflag:s10] =	ssyncadd.s32 $0xFFFFD8F0  }
0x20: {  	[bflag:$0x0] =	sbarrier.arrive $0xFFFF  }
0x21: {  	[tilespmem:s15], [sflag:$0x1] =	stream.indirect.gather [hbm4b:s7+s14], $0x80, s3, s14, $0xb8;
	[tilespmem:$0x1EAA0] =	vst v63  }
0x22: {  	_ = 	snop  }
0x23: {  	[tilespmem:s16], [sflag:$0x2] =	stream.indirect.gather [hbm4b:s7+s14], $0x80, s14, s14, $0xb8;
	[tilespmem:$0x1EAA0] =	vst v63  }
0x24: {  	s4 =	simm.s32 $0x50  }
0x25: {  	[tilespmem:s18], [sflag:$0x3] =	stream.indirect.gather [hbm4b:s7+s14], $0x80, s4, s14, $0xb8;
	[tilespmem:$0x1EAA0] =	vst v63  }
0x26: {  	s4 =	simm.s32 $0x78  }
0x27: {  	[tilespmem:s20], [sflag:$0x4] =	stream.indirect.gather [hbm4b:s7+s14], $0x80, s4, s14, $0xb8;
	[tilespmem:$0x1EAA0] =	vst v63  }
0x28: {  	_ =	swait.ge [sflag:s21], $0x1400  }
0x29: {  	[sflag:s21] =	ssyncset.done $0x0  }
0x2a: {  	s4 =	simm.s32 $0xA0;
	[sflag:s21] =	ssyncadd.s32 $0xFFFFEC00  }
0x2b: {  	[tilespmem:s23], [sflag:$0x5] =	stream.indirect.gather [hbm4b:s7+s14], $0x80, s4, s14, $0xb8;
	[tilespmem:$0x1EAA0] =	vst v63  }
0x2c: {  	_ = 	snop  }
0x2d: {  	[spmem:s2] =	stream.indirect.scatter.add.f32 [tilespmem:s15], [sflag:$0x6], $0x80, s11, s14, $0xb8;
	[tilespmem:$0x1EAA0] =	vst v63  }
0x2e: {  	_ =	swait.ge [sflag:s24], $0x1400  }
0x2f: {  	[sflag:s24] =	ssyncset.done $0x0  }
0x30: {  	[sflag:s24] =	ssyncadd.s32 $0xFFFFEC00  }
0x31: {  	_ =	swait.ge [sflag:s25], $0x1400  }
0x32: {  	[sflag:s25] =	ssyncset.done $0x0  }
0x33: {  	s4 =	simm.s32 $0xC8;
	[sflag:s25] =	ssyncadd.s32 $0xFFFFEC00  }
0x34: {  	[tilespmem:s15], [sflag:$0x1] =	stream.indirect.gather [hbm4b:s7+s14], $0x80, s4, s14, $0xb8;
	[tilespmem:$0x1EAA0] =	vst v63  }
0x35: {  	s4 =	simm.s32 $0x2738  }
0x36: {  	[spmem:s2] =	stream.indirect.scatter.add.f32 [tilespmem:s16], [sflag:$0x7], $0x80, s4, s14, $0xb8;
	[tilespmem:$0x1EAA0] =	vst v63  }
0x37: {  	_ =	swait.ge [sflag:s29], $0x1400  }
0x38: {  	[sflag:s29] =	ssyncset.done $0x0  }
0x39: {  	[sflag:s29] =	ssyncadd.s32 $0xFFFFEC00  }
0x3a: {  	_ =	swait.ge [sflag:s30], $0x1400  }
0x3b: {  	[sflag:s30] =	ssyncset.done $0x0  }
0x3c: {  	s4 =	simm.s32 $0xF0;
	[sflag:s30] =	ssyncadd.s32 $0xFFFFEC00  }
0x3d: {  	[tilespmem:s16], [sflag:$0x2] =	stream.indirect.gather [hbm4b:s7+s14], $0x80, s4, s14, $0xb8;
	[tilespmem:$0x1EAA0] =	vst v63  }
0x3e: {  	s4 =	simm.s32 $0x2760  }
0x3f: {  	[spmem:s2] =	stream.indirect.scatter.add.f32 [tilespmem:s18], [sflag:$0x8], $0x80, s4, s14, $0xb8;
	[tilespmem:$0x1EAA0] =	vst v63  }
0x40: {  	_ =	swait.ge [sflag:s1], $0x1400  }
0x41: {  	[sflag:s1] =	ssyncset.done $0x0  }
0x42: {  	[sflag:s1] =	ssyncadd.s32 $0xFFFFEC00  }
0x43: {  	_ =	swait.ge [sflag:s17], $0x1400  }
0x44: {  	[sflag:s17] =	ssyncset.done $0x0  }
0x45: {  	s4 =	simm.s32 $0x118;
	[sflag:s17] =	ssyncadd.s32 $0xFFFFEC00  }
0x46: {  	[tilespmem:s18], [sflag:$0x3] =	stream.indirect.gather [hbm4b:s7+s14], $0x80, s4, s14, $0xb8;
	[tilespmem:$0x1EAA0] =	vst v63  }
0x47: {  	s4 =	simm.s32 $0x2788  }
0x48: {  	[spmem:s2] =	stream.indirect.scatter.add.f32 [tilespmem:s20], [sflag:$0x9], $0x80, s4, s14, $0xb8;
	[tilespmem:$0x1EAA0] =	vst v63  }
0x49: {  	_ =	swait.ge [sflag:s26], $0x1400  }
0x4a: {  	[sflag:s26] =	ssyncset.done $0x0  }
0x4b: {  	[sflag:s26] =	ssyncadd.s32 $0xFFFFEC00  }
0x4c: {  	_ =	swait.ge [sflag:s28], $0x1400  }
0x4d: {  	[sflag:s28] =	ssyncset.done $0x0  }
0x4e: {  	s4 =	simm.s32 $0x140;
	[sflag:s28] =	ssyncadd.s32 $0xFFFFEC00  }
0x4f: {  	[tilespmem:s20], [sflag:$0x4] =	stream.indirect.gather [hbm4b:s7+s14], $0x80, s4, s14, $0xb8;
	[tilespmem:$0x1EAA0] =	vst v63  }
0x50: {  	s4 =	simm.s32 $0x27B0  }
0x51: {  	[spmem:s2] =	stream.indirect.scatter.add.f32 [tilespmem:s23], [sflag:$0xA], $0x80, s4, s14, $0xb8;
	[tilespmem:$0x1EAA0] =	vst v63  }
0x52: {  	_ =	swait.ge [sflag:s21], $0x1400  }
0x53: {  	[sflag:s21] =	ssyncset.done $0x0  }
0x54: {  	[sflag:s21] =	ssyncadd.s32 $0xFFFFEC00  }
0x55: {  	_ =	swait.ge [sflag:s19], $0x1400  }
0x56: {  	[sflag:s19] =	ssyncset.done $0x0  }
0x57: {  	s4 =	simm.s32 $0x168;
	[sflag:s19] =	ssyncadd.s32 $0xFFFFEC00  }
0x58: {  	[tilespmem:s23], [sflag:$0x5] =	stream.indirect.gather [hbm4b:s7+s14], $0x80, s4, s14, $0xb8;
	[tilespmem:$0x1EAA0] =	vst v63  }
0x59: {  	s4 =	simm.s32 $0x27D8  }
0x5a: {  	[spmem:s2] =	stream.indirect.scatter.add.f32 [tilespmem:s15], [sflag:$0x6], $0x80, s4, s14, $0xb8;
	[tilespmem:$0x1EAA0] =	vst v63  }
0x5b: {  	_ =	swait.ge [sflag:s24], $0x1400  }
0x5c: {  	[sflag:s24] =	ssyncset.done $0x0  }
0x5d: {  	[sflag:s24] =	ssyncadd.s32 $0xFFFFEC00  }
0x5e: {  	_ =	swait.ge [sflag:s25], $0x1400  }
0x5f: {  	[sflag:s25] =	ssyncset.done $0x0  }
0x60: {  	s4 =	simm.s32 $0x190;
	[sflag:s25] =	ssyncadd.s32 $0xFFFFEC00  }
0x61: {  	[tilespmem:s15], [sflag:$0x1] =	stream.indirect.gather [hbm4b:s7+s14], $0x80, s4, s14, $0xb8;
	[tilespmem:$0x1EAA0] =	vst v63  }
0x62: {  	s4 =	simm.s32 $0x2800  }
0x63: {  	[spmem:s2] =	stream.indirect.scatter.add.f32 [tilespmem:s16], [sflag:$0x7], $0x80, s4, s14, $0xb8;
	[tilespmem:$0x1EAA0] =	vst v63  }
0x64: {  	_ =	swait.ge [sflag:s29], $0x1400  }
0x65: {  	[sflag:s29] =	ssyncset.done $0x0  }
0x66: {  	[sflag:s29] =	ssyncadd.s32 $0xFFFFEC00  }
0x67: {  	_ =	swait.ge [sflag:s30], $0x1400  }
0x68: {  	[sflag:s30] =	ssyncset.done $0x0  }
0x69: {  	s4 =	simm.s32 $0x1B8;
	[sflag:s30] =	ssyncadd.s32 $0xFFFFEC00  }
0x6a: {  	[tilespmem:s16], [sflag:$0x2] =	stream.indirect.gather [hbm4b:s7+s14], $0x80, s4, s14, $0xb8;
	[tilespmem:$0x1EAA0] =	vst v63  }
0x6b: {  	s4 =	simm.s32 $0x2828  }
0x6c: {  	[spmem:s2] =	stream.indirect.scatter.add.f32 [tilespmem:s18], [sflag:$0x8], $0x80, s4, s14, $0xb8;
	[tilespmem:$0x1EAA0] =	vst v63  }
0x6d: {  	_ =	swait.ge [sflag:s1], $0x1400  }
0x6e: {  	[sflag:s1] =	ssyncset.done $0x0  }
0x6f: {  	[sflag:s1] =	ssyncadd.s32 $0xFFFFEC00  }
0x70: {  	_ =	swait.ge [sflag:s17], $0x1400  }
0x71: {  	[sflag:s17] =	ssyncset.done $0x0  }
0x72: {  	s4 =	simm.s32 $0x1E0;
	[sflag:s17] =	ssyncadd.s32 $0xFFFFEC00  }
0x73: {  	[tilespmem:s18], [sflag:$0x3] =	stream.indirect.gather [hbm4b:s7+s14], $0x80, s4, s14, $0xb8;
	[tilespmem:$0x1EAA0] =	vst v63  }
0x74: {  	s4 =	simm.s32 $0x2850  }
0x75: {  	[spmem:s2] =	stream.indirect.scatter.add.f32 [tilespmem:s20], [sflag:$0x9], $0x80, s4, s14, $0xb8;
	[tilespmem:$0x1EAA0] =	vst v63  }
0x76: {  	_ =	swait.ge [sflag:s26], $0x1400  }
0x77: {  	[sflag:s26] =	ssyncset.done $0x0  }
0x78: {  	[sflag:s26] =	ssyncadd.s32 $0xFFFFEC00  }
0x79: {  	_ =	swait.ge [sflag:s28], $0x1400  }
0x7a: {  	s31 =	simm.s32 $0x320;
	[sflag:s28] =	ssyncset.done $0x0  }
0x7b: {  	s0 =	simm.s32 $0x2878;
	s4 =	simm.s32 $0x208;
	[sflag:s28] =	ssyncadd.s32 $0xFFFFEC00  }
0x7c: {  	[tilespmem:s20], [sflag:$0x4] =	stream.indirect.gather [hbm4b:s7+s14], $0x80, s4, s14, $0xb8;
	[tilespmem:$0x1EAA0] =	vst v63  }
.LBB2_2:
0x7d: {  	[spmem:s2] =	stream.indirect.scatter.add.f32 [tilespmem:s23], [sflag:$0xA], $0x80, s0, s14, $0xb8;
	[tilespmem:$0x1EAA0] =	vst v63  }
0x7e: {  	s0 =	smov.u32 s31  }
0x7f: {  	p0 =	sne.s32 s31, $0x92E0;
	s31 =	sadd.s32 $0x320, s31;
	_ =	swait.ge [sflag:s21], $0x1400  }
0x80: {  	[sflag:s21] =	ssyncset.done $0x0  }
0x81: {  	[sflag:s21] =	ssyncadd.s32 $0xFFFFEC00  }
0x82: {  	_ =	swait.ge [sflag:s19], $0x1400  }
0x83: {  	s0 =	sshra.s32 s0, $0x2;
	[sflag:s19] =	ssyncset.done $0x0  }
0x84: {  	s4 =	sadd.s32 $0x168, s0;
	[sflag:s19] =	ssyncadd.s32 $0xFFFFEC00  }
0x85: {  	[tilespmem:s23], [sflag:$0x5] =	stream.indirect.gather [hbm4b:s7+s14], $0x80, s4, s14, $0xb8;
	[tilespmem:$0x1EAA0] =	vst v63  }
0x86: {  	s4 =	sadd.s32 $0x27D8, s0  }
0x87: {  	[spmem:s2] =	stream.indirect.scatter.add.f32 [tilespmem:s15], [sflag:$0x6], $0x80, s4, s14, $0xb8;
	[tilespmem:$0x1EAA0] =	vst v63  }
0x88: {  	_ =	swait.ge [sflag:s24], $0x1400  }
0x89: {  	[sflag:s24] =	ssyncset.done $0x0  }
0x8a: {  	[sflag:s24] =	ssyncadd.s32 $0xFFFFEC00  }
0x8b: {  	_ =	swait.ge [sflag:s25], $0x1400  }
0x8c: {  	[sflag:s25] =	ssyncset.done $0x0  }
0x8d: {  	s4 =	sadd.s32 $0x190, s0;
	[sflag:s25] =	ssyncadd.s32 $0xFFFFEC00  }
0x8e: {  	[tilespmem:s15], [sflag:$0x1] =	stream.indirect.gather [hbm4b:s7+s14], $0x80, s4, s14, $0xb8;
	[tilespmem:$0x1EAA0] =	vst v63  }
0x8f: {  	s4 =	sadd.s32 $0x2800, s0  }
0x90: {  	[spmem:s2] =	stream.indirect.scatter.add.f32 [tilespmem:s16], [sflag:$0x7], $0x80, s4, s14, $0xb8;
	[tilespmem:$0x1EAA0] =	vst v63  }
0x91: {  	_ =	swait.ge [sflag:s29], $0x1400  }
0x92: {  	[sflag:s29] =	ssyncset.done $0x0  }
0x93: {  	[sflag:s29] =	ssyncadd.s32 $0xFFFFEC00  }
0x94: {  	_ =	swait.ge [sflag:s30], $0x1400  }
0x95: {  	[sflag:s30] =	ssyncset.done $0x0  }
0x96: {  	s4 =	sadd.s32 $0x1B8, s0;
	[sflag:s30] =	ssyncadd.s32 $0xFFFFEC00  }
0x97: {  	[tilespmem:s16], [sflag:$0x2] =	stream.indirect.gather [hbm4b:s7+s14], $0x80, s4, s14, $0xb8;
	[tilespmem:$0x1EAA0] =	vst v63  }
0x98: {  	s4 =	sadd.s32 $0x2828, s0  }
0x99: {  	[spmem:s2] =	stream.indirect.scatter.add.f32 [tilespmem:s18], [sflag:$0x8], $0x80, s4, s14, $0xb8;
	[tilespmem:$0x1EAA0] =	vst v63  }
0x9a: {  	_ =	swait.ge [sflag:s1], $0x1400  }
0x9b: {  	[sflag:s1] =	ssyncset.done $0x0  }
0x9c: {  	[sflag:s1] =	ssyncadd.s32 $0xFFFFEC00  }
0x9d: {  	_ =	swait.ge [sflag:s17], $0x1400  }
0x9e: {  	[sflag:s17] =	ssyncset.done $0x0  }
0x9f: {  	s4 =	sadd.s32 $0x1E0, s0;
	[sflag:s17] =	ssyncadd.s32 $0xFFFFEC00  }
0xa0: {  	[tilespmem:s18], [sflag:$0x3] =	stream.indirect.gather [hbm4b:s7+s14], $0x80, s4, s14, $0xb8;
	[tilespmem:$0x1EAA0] =	vst v63  }
0xa1: {  	s4 =	sadd.s32 $0x2850, s0  }
0xa2: {  	[spmem:s2] =	stream.indirect.scatter.add.f32 [tilespmem:s20], [sflag:$0x9], $0x80, s4, s14, $0xb8;
	[tilespmem:$0x1EAA0] =	vst v63  }
0xa3: {  	_ =	swait.ge [sflag:s26], $0x1400  }
0xa4: {  	[sflag:s26] =	ssyncset.done $0x0  }
0xa5: {  	[sflag:s26] =	ssyncadd.s32 $0xFFFFEC00  }
.Ltmp0:
0xa6: {  	_ =	swait.ge [sflag:s28], $0x1400;
	(pc) =	sbr.rel @p0 .LBB2_2-.Ltmp0, $4  }
0xa7: {  	[sflag:s28] =	ssyncset.done $0x0  }
0xa8: {  	s4 =	sadd.s32 $0x208, s0;
	[sflag:s28] =	ssyncadd.s32 $0xFFFFEC00  }
0xa9: {  	[tilespmem:s20], [sflag:$0x4] =	stream.indirect.gather [hbm4b:s7+s14], $0x80, s4, s14, $0xb8;
	[tilespmem:$0x1EAA0] =	vst v63  }
0xaa: {  	s0 =	sadd.s32 $0x2878, s0  }
0xab: {  	[spmem:s2] =	stream.indirect.scatter.add.f32 [tilespmem:s23], [sflag:$0xA], $0x80, s0, s14, $0xb8;
	[tilespmem:$0x1EAA0] =	vst v63  }
0xac: {  	_ =	swait.ge [sflag:s21], $0x1400  }
0xad: {  	[sflag:s21] =	ssyncset.done $0x0  }
0xae: {  	[sflag:s21] =	ssyncadd.s32 $0xFFFFEC00  }
0xaf: {  	_ =	swait.ge [sflag:s19], $0x1400  }
0xb0: {  	[sflag:s19] =	ssyncset.done $0x0  }
0xb1: {  	s4 =	simm.s32 $0x26E8;
	[sflag:s19] =	ssyncadd.s32 $0xFFFFEC00  }
0xb2: {  	[tilespmem:s23], [sflag:$0x5] =	stream.indirect.gather [hbm4b:s7+s14], $0x80, s4, s14, $0xb8;
	[tilespmem:$0x1EAA0] =	vst v63  }
0xb3: {  	s31 =	simm.s32 $0x4D58  }
0xb4: {  	[spmem:s2] =	stream.indirect.scatter.add.f32 [tilespmem:s15], [sflag:$0x6], $0x80, s31, s14, $0xb8;
	[tilespmem:$0x1EAA0] =	vst v63  }
0xb5: {  	_ =	swait.ge [sflag:s24], $0x1400  }
0xb6: {  	[sflag:s24] =	ssyncset.done $0x0  }
0xb7: {  	[sflag:s24] =	ssyncadd.s32 $0xFFFFEC00  }
0xb8: {  	_ =	swait.ge [sflag:s25], $0x1400  }
0xb9: {  	[sflag:s25] =	ssyncset.done $0x0  }
0xba: {  	s4 =	simm.s32 $0x4D80;
	[sflag:s25] =	ssyncadd.s32 $0xFFFFEC00  }
0xbb: {  	[spmem:s2] =	stream.indirect.scatter.add.f32 [tilespmem:s16], [sflag:$0x7], $0x80, s4, s14, $0xb8;
	[tilespmem:$0x1EAA0] =	vst v63  }
0xbc: {  	_ =	swait.ge [sflag:s29], $0x1400  }
0xbd: {  	[sflag:s29] =	ssyncset.done $0x0  }
0xbe: {  	[sflag:s29] =	ssyncadd.s32 $0xFFFFEC00  }
0xbf: {  	_ =	swait.ge [sflag:s30], $0x1400  }
0xc0: {  	[sflag:s30] =	ssyncset.done $0x0  }
0xc1: {  	s31 =	simm.s32 $0x4DA8;
	[sflag:s30] =	ssyncadd.s32 $0xFFFFEC00  }
0xc2: {  	[spmem:s2] =	stream.indirect.scatter.add.f32 [tilespmem:s18], [sflag:$0x8], $0x80, s31, s14, $0xb8;
	[tilespmem:$0x1EAA0] =	vst v63  }
0xc3: {  	_ =	swait.ge [sflag:s1], $0x1400  }
0xc4: {  	[sflag:s1] =	ssyncset.done $0x0  }
0xc5: {  	[sflag:s1] =	ssyncadd.s32 $0xFFFFEC00  }
0xc6: {  	_ =	swait.ge [sflag:s17], $0x1400  }
0xc7: {  	[sflag:s17] =	ssyncset.done $0x0  }
0xc8: {  	s4 =	simm.s32 $0x4DD0;
	[sflag:s17] =	ssyncadd.s32 $0xFFFFEC00  }
0xc9: {  	[spmem:s2] =	stream.indirect.scatter.add.f32 [tilespmem:s20], [sflag:$0x9], $0x80, s4, s14, $0xb8;
	[tilespmem:$0x1EAA0] =	vst v63  }
0xca: {  	_ =	swait.ge [sflag:s26], $0x1400  }
0xcb: {  	[sflag:s26] =	ssyncset.done $0x0  }
0xcc: {  	[sflag:s26] =	ssyncadd.s32 $0xFFFFEC00  }
0xcd: {  	_ =	swait.ge [sflag:s28], $0x1400  }
0xce: {  	[sflag:s28] =	ssyncset.done $0x0  }
0xcf: {  	s31 =	simm.s32 $0x4DF8;
	[sflag:s28] =	ssyncadd.s32 $0xFFFFEC00  }
0xd0: {  	[spmem:s2] =	stream.indirect.scatter.add.f32 [tilespmem:s23], [sflag:$0xA], $0x80, s31, s14, $0xb8;
	[tilespmem:$0x1EAA0] =	vst v63  }
0xd1: {  	_ =	swait.ge [sflag:s19], $0x1400  }
0xd2: {  	s22 =	sadd.s32 $0x1, s22;
	[sflag:s19] =	ssyncset.done $0x0  }
0xd3: {  	p0 =	sne.s32 s22, s9;
	[sflag:s19] =	ssyncadd.s32 $0xFFFFEC00  }
.Ltmp1:
0xd4: {  	[bflag:$0x0] =	sbarrier.arrive $0xFFFF;
	(pc) =	sbr.rel @p0 .LBB2_1-.Ltmp1, $4  }
0xd5: {  	[hbm:s8], [sflag:s12] =	dma.local [spmem:s13], $0x2710  }
0xd6: {  	_ =	swait.ge [sflag:s10], $0x2710  }
0xd7: {  	[sflag:s10] =	ssyncset.done $0x0  }
0xd8: {  	[sflag:s10] =	ssyncadd.s32 $0xFFFFD8F0  }
0xd9: {  	_ =	sfence.sel $0x180000  }
0xda: {  	[bflag:$0x0] =	sbarrier.arrive $0xFFFF  }
0xdb: {  	_ =	strace $0x9000004D  }
0xdc: {  	s0 =	stileid.u32;
	[bflag:$0x2] =	sbarrier.arrive $0xFFFF  }
0xdd: {  	p0 =	sne.s32 s0, $0x0;
	s0 =	rddreg [dreg:$0x3]  }
0xde: {  	s0 =	sadd.s32 @!p0 $0x100000, s0  }
0xdf: {  	[sflag:s0] =	ssyncadd.tile.s32 @!p0 $0x1;
	_ =	shalt  }
.Lfunc_end2:
_tile_overlayer_lowered:
.L_overlay_start_2:
0xe0: {  	(tag) =	ssettag $0x2  }
0xe1: {  	s0 =	rddreg [dreg:$0x0];
	s2 =	stileid.u32  }
0xe2: {  	s1 =	rddreg [dreg:$0x1];
	p0 =	sne.s32 s2, $0x0  }
0xe3: {  	s3 =	rddreg [dreg:$0x2];
	[bflag:$0x3] =	sbarrier.arrive $0xFFFF;
	s2 =	simm.s32 @!p0 $0x1C0B  }
0xe4: {  	[timem:s3], [sflag:s2] =	dma.local @!p0 [hbm:s0], s1  }
0xe5: {  	s0 =	simm.s32 @!p0 $0xB  }
0xe6: {  	_ =	swait.ge @!p0 [sflag:s0], s1  }
0xe7: {  	s1 =	ssub.s32 @!p0 $0x0, s1;
	[sflag:s0] =	ssyncset.done @!p0 $0x0  }
0xe8: {  	[sflag:s0] =	ssyncadd.s32 @!p0 s1  }
0xe9: {  	[bflag:$0x3] =	sbarrier.arrive $0xFFFF  }
0xea: {  	_ =	shalt  }

// kernel: kernel.8.cloned.1.call-start
scs
__scs_entry_jumppad:
0x0: {  	(pc) =	sbr.rel $0x88, $3  }
0x1: {  	(tag) =	ssettag $0x0;
	lr =	simm.s32 $0x1  }
0x2: {  	[smem:$0x3F99] =	sst lr;
	_ =	strace $0xD0000000  }
0x3: {  	_ = 	snop  }
0x4: {  	_ = 	snop  }
0x5: {  	_ = 	snop  }
0x6: {  	_ = 	snop  }
0x7: {  	_ = 	snop  }
__scs_overlays_trampoline_lowered:
0x8: {  	[smem:$0x3FA8] =	sst s0  }
0x9: {  	[smem:$0x3FA9] =	sst s1  }
0xa: {  	[smem:$0x3FAA] =	sst s2  }
0xb: {  	[smem:$0x3FAB] =	sst s3  }
0xc: {  	[smem:$0x3FAC] =	sst s4  }
0xd: {  	[smem:$0x3FAD] =	sst s5  }
0xe: {  	[smem:$0x3FAE] =	sst s6  }
0xf: {  	[smem:$0x3FAF] =	sst s7  }
0x10: {  	[smem:$0x3FB0] =	sst s8  }
0x11: {  	[smem:$0x3FB1] =	sst s9;
	s0 =	simm.s32 @!p0 $0x0  }
0x12: {  	s1 =	sld [smem:$0x3F97];
	s0 =	simm.s32 @p0 $0x1  }
0x13: {  	[smem:$0x3FB2] =	sst s0;
	s0 =	simm.s32 @!p1 $0x0  }
0x14: {  	s2 =	sld [smem:$0x3F96];
	s0 =	simm.s32 @p1 $0x1  }
0x15: {  	[smem:$0x3FB3] =	sst s0;
	s0 =	simm.s32 @!p2 $0x0  }
0x16: {  	s3 =	sld [smem:$0x3FDB];
	s0 =	simm.s32 @p2 $0x1  }
0x17: {  	s4 =	simm.s32 $0x1BF5;
	[smem:$0x3FB5] =	sst s0  }
0x18: {  	s0 =	sld [smem:$0x3F98];
	_ =	swait.ge [sflag:s4], $0x0  }
0x19: {  	s7 =	sld [smem:$0x3F99]  }
0x1a: {  	s8 =	sadd.s32 $0xFFFFE003, lr  }
0x1b: {  	s9 =	sadd.s32 $0xFFFFFEF7, lr;
	s5 =	simm.s32 $0xFFFFFFFF;
	p2 =	slt.u32 s8, $0xFFFFF086  }
0x1c: {  	p1 =	slt.u32 s9, $0xF7A;
	s5 =	simm.s32 @!p2 $0x0  }
0x1d: {  	s5 =	simm.s32 @p1 $0x1;
	p0 =	seq.s32 s7, s2  }
0x1e: {  	s7 =	smul.u32 @!p0 $0xF7A, s2;
	p2 =	seq.s32 @!p0 s5, $0x0  }
0x1f: {  	s9 =	smul.u32 $0xF7A, s1;
	s8 =	simm.s32 @!p0 $0x1BF5;
	p2 =	por !p2, p0  }
0x20: {  	[sflag:s8] =	ssyncset.s32 @!p0 $0xFFFFF086;
	s6 =	sadd.s32 @!p0 s3, s7;
	s7 =	simm.s32 @!p0 $0x108  }
0x21: {  	s3 =	sadd.s32 s3, s9;
	s6 =	sadd.s32 @!p0 $0x88, s6;
	s7 =	simm.s32 @p2 $0x1082  }
0x22: {  	[simem:s7], [sflag:s8] =	dma.local @!p0 [hbm:s6], $0xF7A  }
0x23: {  	s9 =	sor.u32 $0xD0000000, s2;
	s6 =	simm.s32 $0x108;
	_ =	swait.ge @!p0 [sflag:s8], $0x0  }
0x24: {  	s3 =	sadd.s32 $0x88, s3;
	s6 =	simm.s32 @!p1 $0x1082;
	[sflag:s4] =	ssyncset.s32 $0xFFFFF086  }
0x25: {  	[simem:s6], [sflag:s4] =	dma.local [hbm:s3], $0xF7A  }
0x26: {  	[smem:$0x3F99] =	sst s1;
	(tag) =	ssettag s2;
	_ =	strace s9  }
0x27: {  	s1 =	sld [smem:$0x3FA9]  }
0x28: {  	s2 =	sld [smem:$0x3FAA]  }
0x29: {  	s4 =	sld [smem:$0x3FAC]  }
0x2a: {  	p0 =	seq.s32 s5, $0x0;
	s5 =	sld [smem:$0x3FAD]  }
0x2b: {  	s6 =	sld [smem:$0x3FAE]  }
0x2c: {  	s7 =	sld [smem:$0x3FAF]  }
0x2d: {  	s3 =	simm.s32 $0x108;
	s8 =	sld [smem:$0x3FB0]  }
0x2e: {  	s3 =	simm.s32 @!p0 $0x1082;
	s9 =	sld [smem:$0x3FB1]  }
0x2f: {  	lr =	sadd.s32 s0, s3;
	s0 =	sld [smem:$0x3FA8]  }
0x30: {  	s3 =	sld [smem:$0x3FAB]  }
0x31: {  	[smem:$0x3FB4] =	sst s10  }
0x32: {  	s10 =	sld [smem:$0x3FB2];
	_ =	sdelay $0x3  }
0x33: {  	p0 =	seq.s32 s10, $0x1;
	s10 =	sld [smem:$0x3FB4];
	_ =	sdelay $0x3  }
0x34: {  	[smem:$0x3FB4] =	sst s10  }
0x35: {  	s10 =	sld [smem:$0x3FB3];
	_ =	sdelay $0x3  }
0x36: {  	p1 =	seq.s32 s10, $0x1;
	s10 =	sld [smem:$0x3FB4];
	_ =	sdelay $0x3  }
0x37: {  	[smem:$0x3FB4] =	sst s10  }
0x38: {  	s10 =	sld [smem:$0x3FB5]  }
0x39: {  	_ = 	snop;
	(pc) =	sbr.ind lr, $3  }
0x3a: {  	_ = 	snop  }
0x3b: {  	_ = 	snop  }
0x3c: {  	p2 =	seq.s32 s10, $0x1;
	s10 =	sld [smem:$0x3FB4]  }
0x3d: {  	_ =	shalt  }
0x3e: {  	_ =	shalt  }
0x3f: {  	_ =	shalt  }
0x40: {  	_ =	shalt  }
0x41: {  	_ =	shalt  }
0x42: {  	_ =	shalt  }
0x43: {  	_ =	shalt  }
0x44: {  	_ =	shalt  }
0x45: {  	_ =	shalt  }
0x46: {  	_ =	shalt  }
0x47: {  	_ =	shalt  }
0x48: {  	_ =	shalt  }
0x49: {  	_ =	shalt  }
0x4a: {  	_ =	shalt  }
0x4b: {  	_ =	shalt  }
0x4c: {  	_ =	shalt  }
0x4d: {  	_ =	shalt  }
0x4e: {  	_ =	shalt  }
0x4f: {  	_ =	shalt  }
0x50: {  	_ =	shalt  }
0x51: {  	_ =	shalt  }
0x52: {  	_ =	shalt  }
0x53: {  	_ =	shalt  }
0x54: {  	_ =	shalt  }
0x55: {  	_ =	shalt  }
0x56: {  	_ =	shalt  }
0x57: {  	_ =	shalt  }
0x58: {  	_ =	shalt  }
0x59: {  	_ =	shalt  }
0x5a: {  	_ =	shalt  }
0x5b: {  	_ =	shalt  }
0x5c: {  	_ =	shalt  }
0x5d: {  	_ =	shalt  }
0x5e: {  	_ =	shalt  }
0x5f: {  	_ =	shalt  }
0x60: {  	_ =	shalt  }
0x61: {  	_ =	shalt  }
0x62: {  	_ =	shalt  }
0x63: {  	_ =	shalt  }
0x64: {  	_ =	shalt  }
0x65: {  	_ =	shalt  }
0x66: {  	_ =	shalt  }
0x67: {  	_ =	shalt  }
0x68: {  	_ =	shalt  }
0x69: {  	_ =	shalt  }
0x6a: {  	_ =	shalt  }
0x6b: {  	_ =	shalt  }
0x6c: {  	_ =	shalt  }
0x6d: {  	_ =	shalt  }
0x6e: {  	_ =	shalt  }
0x6f: {  	_ =	shalt  }
0x70: {  	_ =	shalt  }
0x71: {  	_ =	shalt  }
0x72: {  	_ =	shalt  }
0x73: {  	_ =	shalt  }
0x74: {  	_ =	shalt  }
0x75: {  	_ =	shalt  }
0x76: {  	_ =	shalt  }
0x77: {  	_ =	shalt  }
0x78: {  	_ =	shalt  }
0x79: {  	_ =	shalt  }
0x7a: {  	_ =	shalt  }
0x7b: {  	_ =	shalt  }
0x7c: {  	_ =	shalt  }
0x7d: {  	_ =	shalt  }
0x7e: {  	_ =	shalt  }
0x7f: {  	_ =	shalt  }
0x80: {  	_ =	shalt  }
0x81: {  	_ =	shalt  }
0x82: {  	_ =	shalt  }
0x83: {  	_ =	shalt  }
0x84: {  	_ =	shalt  }
0x85: {  	_ =	shalt  }
0x86: {  	_ =	shalt  }
0x87: {  	_ =	shalt  }
.Lfunc_end0:
.L_simem_size_0:
called_computation_lowered:
.L_overlay_start_0:
0x88: {  	s2 =	sld [smem:$0x3FD9]  }
0x89: {  	s3 =	sld [smem:$0x3FFE];
	_ =	sdelay $0x1  }
0x8a: {  	s1 =	srdreg.scid  }
0x8b: {  	s0 =	sand.u32 $0x1, s1  }
0x8c: {  	s17 =	sshll.u32 s0, $0xA;
	s2 =	sadd.s32 s3, s2  }
0x8d: {  	s2 =	sadd.s32 s2, s17  }
0x8e: {  	[smem:$0x3FC0] =	sst s2  }
0x8f: {  	_ = 	snop  }
0x90: {  	s2 =	sld [smem:$0x3FD0];
	(tm) =	ssettm $0x1  }
0x91: {  	s18 =	sld [smem:$0x3FFB];
	_ =	sdelay $0x3  }
0x92: {  	_ =	strace s18  }
0x93: {  	s3 =	sld [smem:$0x3FFC];
	_ =	sdelay $0x3  }
0x94: {  	_ =	strace s3  }
0x95: {  	s3 =	sld [smem:$0x3FFD];
	_ =	sdelay $0x3  }
0x96: {  	_ =	strace s3  }
0x97: {  	_ =	strace $0x8FFFFFFF  }
0x98: {  	s19 =	sld [smem:$0x3FDB];
	_ =	sdelay $0x1  }
0x99: {  	s4 =	simm.s32 $_scs_section_size  }
0x9a: {  	s5 =	simm.s32 $_size__tile_overlayer_lowered;
	s6 =	simm.s32 $_tile_overlayer_lowered  }
0x9b: {  	s22 =	simm.s32 $0x1BFF;
	s21 =	sshll.u32 s6, $0x1;
	s3 =	sadd.s32 s4, s19  }
0x9c: {  	s7 =	simm.s32 $0x0;
	s20 =	sshll.u32 s5, $0x1;
	s5 =	sadd.s32 s21, s3  }
0x9d: {  	[timem:s7], [sflag:s22] =	dma.local [hbm:s5], s20  }
0x9e: {  	_ =	swait.ge [sflag:s22], s20  }
0x9f: {  	s4 =	ssub.s32 $0x0, s20;
	[sflag:s22] =	ssyncset.done $0x0  }
0xa0: {  	[sflag:s22] =	ssyncadd.s32 s4;
	_ =	sdelay $0x1  }
0xa1: {  	s23 =	simm.s32 $0x1B8B  }
0xa2: {  	_ =	swait.ge [sflag:s23], $0x1  }
0xa3: {  	[sflag:s23] =	ssyncset.done $0x0  }
0xa4: {  	s25 =	simm.s32 $0x1B8E;
	s24 =	sld [smem:$0x3FFE];
	[sflag:s23] =	ssyncadd.s32 $0xFFFFFFFF  }
0xa5: {  	s26 =	simm.s32 $execute0_lowered;
	[smem:$0x3FD2] =	sst s25  }
0xa6: {  	s5 =	sshll.u32 s26, $0x1;
	_ =	strace $0x80000046;
	[dreg:$0x1] =	wrdreg $0xFFFFFFFF  }
0xa7: {  	s28 =	simm.s32 $_size_execute0_lowered;
	s3 =	sadd.s32 s3, s5;
	[dreg:$0x0] =	wrdreg $0x0  }
0xa8: {  	s5 =	sshll.u32 s28, $0x1;
	[dreg:$0x2] =	wrdreg s3  }
0xa9: {  	[dreg:$0x3] =	wrdreg s5  }
0xaa: {  	[dreg:$0x4] =	wrdreg $0xC0  }
0xab: {  	_ =	task [dreg:s7], $0x5FFFF  }
0xac: {  	[dreg:$0x1] =	wrdreg $0xFFFFFFFF  }
0xad: {  	[dreg:$0x0] =	wrdreg $0x60  }
0xae: {  	[dreg:$0x2] =	wrdreg s24  }
0xaf: {  	[dreg:$0x3] =	wrdreg s2  }
0xb0: {  	[dreg:$0x4] =	wrdreg $0x16080  }
0xb1: {  	[dreg:$0x5] =	wrdreg $0x9  }
0xb2: {  	_ =	task.clear_ibuf [dreg:s7], $0x6FFFF;
	_ =	strace $0x90000046  }
0xb3: {  	s29 =	simm.s32 $0x9;
	_ =	strace $0x80000048  }
0xb4: {  	_ =	swait.ge [sflag:s29], $0x1  }
0xb5: {  	[sflag:s29] =	ssyncadd.s32 $0xFFFFFFFF  }
0xb6: {  	_ =	strace $0x90000048  }
0xb7: {  	_ =	sfence  }
0xb8: {  	s30 =	sld [smem:$0x0];
	_ =	sdelay $0x2  }
0xb9: {  	s31 =	sshll.u32 s1, $0xD;
	s1 =	sshrl.u32 s1, $0x2  }
0xba: {  	s3 =	sand.u32 $0x4000, s31;
	s1 =	sadd.s32 s1, s30  }
0xbb: {  	s0 =	sor.u32 s3, s0;
	s1 =	sshll.u32 s1, $0x11  }
0xbc: {  	s0 =	sor.u32 s1, s0  }
0xbd: {  	s0 =	sadd.s32 $0x8F2B, s0  }
0xbe: {  	[sflag:s0] =	ssyncadd.remote.s32 $0x1  }
0xbf: {  	_ =	sfence.sel $0xFFFF  }
0xc0: {  	[dreg:$0x0] =	wrdreg $0xFFFFFFFF;
	(pc) =	sbr.abs _section_cstart, $3  }
0xc1: {  	[dreg:$0x1] =	wrdreg $0xFFFFFFFF  }
0xc2: {  	_ =	task.clear_ibuf [dreg:s7], $0x2FFFF;
	_ =	strace $0x9FFFFFFF  }
0xc3: {  	(tm) =	ssettm $0x7FFFFFFF  }
tec
execute0_lowered:
.L_overlay_start_1:
0x0: {  	(tag) =	ssettag $0x1  }
0x1: {  	s6 =	rddreg [dreg:$0x0]  }
0x2: {  	s2 =	rddreg [dreg:$0x1]  }
0x3: {  	s0 =	srdreg.scid;
	s3 =	rddreg [dreg:$0x2]  }
0x4: {  	s1 =	rddreg [dreg:$0x3];
	s4 =	simm.s32 $0x0;
	s13 =	simm.s32 $0x28  }
0x5: {  	s14 =	simm.s32 $0x50;
	s15 =	simm.s32 $0x78;
	s16 =	simm.s32 $0xA0  }
0x6: {  	s17 =	simm.s32 $0x1;
	s18 =	simm.s32 $0x2;
	s5 =	sand.u32 $0x1, s0  }
0x7: {  	s19 =	simm.s32 $0x3;
	s0 =	stileid.u32;
	s7 =	smul.u32 $0x13880, s5  }
0x8: {  	s20 =	simm.s32 $0x4;
	s21 =	simm.s32 $0x5;
	s8 =	smul.u32 $0x1388, s0  }
0x9: {  	s22 =	simm.s32 $0x0;
	[smem:$0x7FF] =	sst s4;
	s9 =	smul.u32 $0x2710, s0  }
0xa: {  	s30 =	smul.u32 $0x27100, s5;
	_ =	strace $0x80000047;
	s10 =	ssub.s32 $0x2, s5  }
0xb: {  	s5 =	sadd.s32 $0xB600, s6;
	s31 =	sshll.u32 s0, $0x6;
	s11 =	sshrl.u32 s10, $0x1  }
0xc: {  	s7 =	sadd.s32 s8, s7;
	s8 =	sadd.s32 s9, s30;
	s10 =	ssub.s32 s10, s11  }
0xd: {  	s12 =	sadd.s32 s9, s3;
	s9 =	simm.s32 $0x6;
	s7 =	sshrl.u32 s7, $0x3  }
0xe: {  	s11 =	sor.u32 $0x1C06, s31;
	s8 =	sshrl.u32 s8, $0x3;
	s7 =	sadd.s32 s7, s6  }
0xf: {  	s12 =	sshrl.u32 s12, $0x3;
	s8 =	sadd.s32 s8, s6;
	s6 =	sadd.s32 $0x6600, s7  }
0x10: {  	s7 =	sadd.s32 $0xB800, s8;
	s8 =	smax.u32 s10, $0x1;
	s10 =	simm.s32 $0x1388  }
.LBB2_1:
0x11: {  	[tilespmem:s4], [sflag:$0x6] =	stream.linear.gather [hbm4b:s6+s4], $0x1388, $0x38;
	[tilespmem:$0x3D18] =	vst v63  }
0x12: {  	_ =	swait.ge [sflag:s9], $0x1388  }
0x13: {  	[sflag:s9] =	ssyncset.done $0x0  }
0x14: {  	[sflag:s9] =	ssyncadd.s32 $0xFFFFEC78  }
0x15: {  	[tilespmem:s10], [sflag:$0x6] =	stream.linear.gather [hbm4b:s5+s4], $0x280, $0x38;
	[tilespmem:$0x3D18] =	vst v63  }
0x16: {  	_ =	swait.ge [sflag:s9], $0x280  }
0x17: {  	[sflag:s9] =	ssyncset.done $0x0  }
0x18: {  	[sflag:s9] =	ssyncadd.s32 $0xFFFFFD80  }
0x19: {  	[spmem:s12], [sflag:s11] =	dma.local [hbm:s2], $0x4E2  }
0x1a: {  	_ =	swait.ge [sflag:s9], $0x4E2  }
0x1b: {  	[sflag:s9] =	ssyncset.done $0x0  }
0x1c: {  	[sflag:s9] =	ssyncadd.s32 $0xFFFFFB1E  }
0x1d: {  	[bflag:$0x0] =	sbarrier.arrive $0xFFFF  }
0x1e: {  	[spmem:s3] =	stream.indirect.scatter.add.f32 [tilespmem:s10], [sflag:$0x1], $0x10, s4, s13, $0xb8;
	[tilespmem:$0x3D18] =	vst v63  }
0x1f: {  	_ = 	snop  }
0x20: {  	[spmem:s3] =	stream.indirect.scatter.add.f32 [tilespmem:s10], [sflag:$0x2], $0x10, s13, s13, $0xb8;
	[tilespmem:$0x3D18] =	vst v63  }
0x21: {  	_ = 	snop  }
0x22: {  	[spmem:s3] =	stream.indirect.scatter.add.f32 [tilespmem:s10], [sflag:$0x3], $0x10, s14, s13, $0xb8;
	[tilespmem:$0x3D18] =	vst v63  }
0x23: {  	_ = 	snop  }
0x24: {  	[spmem:s3] =	stream.indirect.scatter.add.f32 [tilespmem:s10], [sflag:$0x4], $0x10, s15, s13, $0xb8;
	[tilespmem:$0x3D18] =	vst v63  }
0x25: {  	_ = 	snop  }
0x26: {  	[spmem:s3] =	stream.indirect.scatter.add.f32 [tilespmem:s10], [sflag:$0x5], $0x10, s16, s13, $0xb8;
	[tilespmem:$0x3D18] =	vst v63  }
0x27: {  	_ =	swait.ge [sflag:s17], $0x280  }
0x28: {  	[sflag:s17] =	ssyncset.done $0x0  }
0x29: {  	s23 =	simm.s32 $0xC8;
	[sflag:s17] =	ssyncadd.s32 $0xFFFFFD80  }
0x2a: {  	[spmem:s3] =	stream.indirect.scatter.add.f32 [tilespmem:s10], [sflag:$0x1], $0x10, s23, s13, $0xb8;
	[tilespmem:$0x3D18] =	vst v63  }
0x2b: {  	_ =	swait.ge [sflag:s18], $0x280  }
0x2c: {  	[sflag:s18] =	ssyncset.done $0x0  }
0x2d: {  	s29 =	simm.s32 $0xF0;
	[sflag:s18] =	ssyncadd.s32 $0xFFFFFD80  }
0x2e: {  	[spmem:s3] =	stream.indirect.scatter.add.f32 [tilespmem:s10], [sflag:$0x2], $0x10, s29, s13, $0xb8;
	[tilespmem:$0x3D18] =	vst v63  }
0x2f: {  	_ =	swait.ge [sflag:s19], $0x280  }
0x30: {  	[sflag:s19] =	ssyncset.done $0x0  }
0x31: {  	s30 =	simm.s32 $0x118;
	[sflag:s19] =	ssyncadd.s32 $0xFFFFFD80  }
0x32: {  	[spmem:s3] =	stream.indirect.scatter.add.f32 [tilespmem:s10], [sflag:$0x3], $0x10, s30, s13, $0xb8;
	[tilespmem:$0x3D18] =	vst v63  }
0x33: {  	_ =	swait.ge [sflag:s20], $0x280  }
0x34: {  	[sflag:s20] =	ssyncset.done $0x0  }
0x35: {  	s31 =	simm.s32 $0x140;
	[sflag:s20] =	ssyncadd.s32 $0xFFFFFD80  }
0x36: {  	[spmem:s3] =	stream.indirect.scatter.add.f32 [tilespmem:s10], [sflag:$0x4], $0x10, s31, s13, $0xb8;
	[tilespmem:$0x3D18] =	vst v63  }
0x37: {  	_ =	swait.ge [sflag:s21], $0x280  }
0x38: {  	[sflag:s21] =	ssyncset.done $0x0  }
0x39: {  	s24 =	simm.s32 $0x168;
	s23 =	simm.s32 $0xFFFFB820;
	[sflag:s21] =	ssyncadd.s32 $0xFFFFFD80  }
.LBB2_2:
0x3a: {  	[spmem:s3] =	stream.indirect.scatter.add.f32 [tilespmem:s10], [sflag:$0x5], $0x10, s24, s13, $0xb8;
	[tilespmem:$0x3D18] =	vst v63  }
0x3b: {  	s24 =	smov.u32 s23  }
0x3c: {  	p0 =	sne.s32 s23, $0xFFFFFCE0;
	s23 =	sadd.s32 $0x320, s23;
	_ =	swait.ge [sflag:s17], $0x280  }
0x3d: {  	s24 =	sshra.s32 s24, $0x2;
	[sflag:s17] =	ssyncset.done $0x0  }
0x3e: {  	s25 =	sadd.s32 $0x1388, s24;
	[sflag:s17] =	ssyncadd.s32 $0xFFFFFD80  }
0x3f: {  	[spmem:s3] =	stream.indirect.scatter.add.f32 [tilespmem:s10], [sflag:$0x1], $0x10, s25, s13, $0xb8;
	[tilespmem:$0x3D18] =	vst v63  }
0x40: {  	_ =	swait.ge [sflag:s18], $0x280  }
0x41: {  	[sflag:s18] =	ssyncset.done $0x0  }
0x42: {  	s25 =	sadd.s32 $0x13B0, s24;
	[sflag:s18] =	ssyncadd.s32 $0xFFFFFD80  }
0x43: {  	[spmem:s3] =	stream.indirect.scatter.add.f32 [tilespmem:s10], [sflag:$0x2], $0x10, s25, s13, $0xb8;
	[tilespmem:$0x3D18] =	vst v63  }
0x44: {  	_ =	swait.ge [sflag:s19], $0x280  }
0x45: {  	[sflag:s19] =	ssyncset.done $0x0  }
0x46: {  	s25 =	sadd.s32 $0x13D8, s24;
	[sflag:s19] =	ssyncadd.s32 $0xFFFFFD80  }
0x47: {  	[spmem:s3] =	stream.indirect.scatter.add.f32 [tilespmem:s10], [sflag:$0x3], $0x10, s25, s13, $0xb8;
	[tilespmem:$0x3D18] =	vst v63  }
0x48: {  	_ =	swait.ge [sflag:s20], $0x280  }
0x49: {  	[sflag:s20] =	ssyncset.done $0x0  }
.Ltmp0:
0x4a: {  	s25 =	sadd.s32 $0x1400, s24;
	[sflag:s20] =	ssyncadd.s32 $0xFFFFFD80;
	(pc) =	sbr.rel @p0 .LBB2_2-.Ltmp0, $4  }
0x4b: {  	[spmem:s3] =	stream.indirect.scatter.add.f32 [tilespmem:s10], [sflag:$0x4], $0x10, s25, s13, $0xb8;
	[tilespmem:$0x3D18] =	vst v63  }
0x4c: {  	_ =	swait.ge [sflag:s21], $0x280  }
0x4d: {  	[sflag:s21] =	ssyncset.done $0x0  }
0x4e: {  	s24 =	sadd.s32 $0x1428, s24;
	[sflag:s21] =	ssyncadd.s32 $0xFFFFFD80  }
0x4f: {  	[spmem:s3] =	stream.indirect.scatter.add.f32 [tilespmem:s10], [sflag:$0x5], $0x10, s24, s13, $0xb8;
	[tilespmem:$0x3D18] =	vst v63  }
0x50: {  	_ =	swait.ge [sflag:s17], $0x280  }
0x51: {  	[sflag:s17] =	ssyncset.done $0x0  }
0x52: {  	[sflag:s17] =	ssyncadd.s32 $0xFFFFFD80  }
0x53: {  	_ =	swait.ge [sflag:s18], $0x280  }
0x54: {  	[sflag:s18] =	ssyncset.done $0x0  }
0x55: {  	[sflag:s18] =	ssyncadd.s32 $0xFFFFFD80  }
0x56: {  	_ =	swait.ge [sflag:s19], $0x280  }
0x57: {  	[sflag:s19] =	ssyncset.done $0x0  }
0x58: {  	[sflag:s19] =	ssyncadd.s32 $0xFFFFFD80  }
0x59: {  	_ =	swait.ge [sflag:s20], $0x280  }
0x5a: {  	[sflag:s20] =	ssyncset.done $0x0  }
0x5b: {  	[sflag:s20] =	ssyncadd.s32 $0xFFFFFD80  }
0x5c: {  	_ =	swait.ge [sflag:s21], $0x280  }
0x5d: {  	s22 =	sadd.s32 $0x1, s22;
	[sflag:s21] =	ssyncset.done $0x0  }
0x5e: {  	p0 =	sne.s32 s22, s8;
	[sflag:s21] =	ssyncadd.s32 $0xFFFFFD80  }
.Ltmp1:
0x5f: {  	[bflag:$0x0] =	sbarrier.arrive $0xFFFF;
	(pc) =	sbr.rel @p0 .LBB2_1-.Ltmp1, $4  }
0x60: {  	[hbm:s7], [sflag:s11] =	dma.local [spmem:s12], $0x4E2  }
0x61: {  	_ =	swait.ge [sflag:s9], $0x4E2  }
0x62: {  	[sflag:s9] =	ssyncset.done $0x0  }
0x63: {  	[sflag:s9] =	ssyncadd.s32 $0xFFFFFB1E  }
0x64: {  	_ =	sfence.sel $0x180000  }
0x65: {  	[bflag:$0x0] =	sbarrier.arrive $0xFFFF  }
0x66: {  	p0 =	sne.s32 s0, $0x0;
	_ =	strace $0x90000047  }
0x67: {  	s0 =	sadd.s32 @!p0 $0x100000, s1;
	[bflag:$0x2] =	sbarrier.arrive $0xFFFF  }
0x68: {  	[sflag:s0] =	ssyncadd.tile.s32 @!p0 $0x1;
	_ =	shalt  }
.Lfunc_end2:
_tile_overlayer_lowered:
.L_overlay_start_2:
0x69: {  	(tag) =	ssettag $0x2  }
0x6a: {  	s0 =	rddreg [dreg:$0x0];
	s2 =	stileid.u32  }
0x6b: {  	s1 =	rddreg [dreg:$0x1];
	p0 =	sne.s32 s2, $0x0  }
0x6c: {  	s3 =	rddreg [dreg:$0x2];
	[bflag:$0x3] =	sbarrier.arrive $0xFFFF;
	s2 =	simm.s32 @!p0 $0x1C06  }
0x6d: {  	[timem:s3], [sflag:s2] =	dma.local @!p0 [hbm:s0], s1  }
0x6e: {  	s0 =	simm.s32 @!p0 $0x6  }
0x6f: {  	_ =	swait.ge @!p0 [sflag:s0], s1  }
0x70: {  	s1 =	ssub.s32 @!p0 $0x0, s1;
	[sflag:s0] =	ssyncset.done @!p0 $0x0  }
0x71: {  	[sflag:s0] =	ssyncadd.s32 @!p0 s1  }
0x72: {  	[bflag:$0x3] =	sbarrier.arrive $0xFFFF  }
0x73: {  	_ =	shalt  }

</sc_bundles>
